<compile_context>
chip_gen: v7x
topology: tpu7x:2x2x1
jax: 0.10.2.dev20260603
libtpu: 0.0.44.dev20260713+nightly
codegen_flags: <defaults>
</compile_context>

<pallas_src>
import functools

import jax
import jax.numpy as jnp
from jax import lax
from jax.experimental import pallas as pl
from jax.experimental.pallas import tpu as pltpu
from jax.experimental.pallas import tpu_sc as plsc

B = 4096
L = 50
D = 64
BL = B * L

NC = 2
NS = 16
NW = NC * NS

TGT_PER_W = B // NW
ROWS_PER_W = BL // NW
CHUNK = 800
NCHUNK = ROWS_PER_W // CHUNK
NPAIR = NCHUNK // 2


def _sc_body(u0i, u1i, t0i, t1i, p0i, p1i, n0i, n1i,
             u0t, u1t, i0t, i1t,
             out_ut, out_pos, out_neg,
             idx_a, idx_b, rows_a, rows_b,
             is_a, is_b, gs_a, gs_b, ws_a, ws_b):
    idxb = (idx_a, idx_b)
    isem = (is_a, is_b)
    rows = (rows_a, rows_b)
    gsem = (gs_a, gs_b)
    wsem = (ws_a, ws_b)

    wid = lax.axis_index("s") * NC + lax.axis_index("c")

    def idx_start(ids, off, n, b):
        pltpu.async_copy(ids.at[pl.ds(off, n)], idxb[b].at[pl.ds(0, n)],
                         isem[b])

    def idx_wait(ids, n, b):
        pltpu.make_async_copy(ids.at[pl.ds(0, n)], idxb[b].at[pl.ds(0, n)],
                              isem[b]).wait()

    def gather_start(tab, n, b):
        pltpu.async_copy(tab.at[idxb[b].at[pl.ds(0, n)]],
                         rows[b].at[pl.ds(0, n)], gsem[b])

    def gather_wait(tab, n, b):
        pltpu.make_async_copy(tab.at[idxb[b].at[pl.ds(0, n)]],
                              rows[b].at[pl.ds(0, n)], gsem[b]).wait()

    def write_start(out, row, col, n, b):
        pltpu.async_copy(rows[b].at[pl.ds(0, n)],
                         out.at[pl.ds(row, n), pl.ds(col, D)], wsem[b])

    def write_wait(out, col, n, b):
        pltpu.make_async_copy(rows[b].at[pl.ds(0, n)],
                              out.at[pl.ds(0, n), pl.ds(col, D)],
                              wsem[b]).wait()

    T = TGT_PER_W
    tb = wid * T
    idx_start(u0i, tb, T, 0)
    idx_start(u1i, tb, T, 1)
    idx_wait(u0i, T, 0)
    gather_start(u0t, T, 0)
    idx_wait(u1i, T, 1)
    gather_start(u1t, T, 1)
    gather_wait(u0t, T, 0)
    write_start(out_ut, tb, 0, T, 0)
    idx_start(t0i, tb, T, 0)
    gather_wait(u1t, T, 1)
    write_start(out_ut, tb, D, T, 1)
    idx_start(t1i, tb, T, 1)
    idx_wait(t0i, T, 0)
    write_wait(out_ut, 0, T, 0)
    gather_start(i0t, T, 0)
    idx_wait(t1i, T, 1)
    write_wait(out_ut, D, T, 1)
    gather_start(i1t, T, 1)
    gather_wait(i0t, T, 0)
    write_start(out_ut, tb, 2 * D, T, 0)
    gather_wait(i1t, T, 1)
    write_start(out_ut, tb, 3 * D, T, 1)

    pend = [(out_ut, 2 * D, T), (out_ut, 3 * D, T)]

    hb = wid * ROWS_PER_W
    for ids, tab, out, col in ((p0i, i0t, out_pos, 0),
                               (p1i, i1t, out_pos, D),
                               (n0i, i0t, out_neg, 0),
                               (n1i, i1t, out_neg, D)):
        idx_start(ids, hb, CHUNK, 0)
        idx_start(ids, hb + CHUNK, CHUNK, 1)

        idx_wait(ids, CHUNK, 0)
        write_wait(*pend[0], 0)
        gather_start(tab, CHUNK, 0)
        idx_wait(ids, CHUNK, 1)
        write_wait(*pend[1], 1)
        gather_start(tab, CHUNK, 1)
        gather_wait(tab, CHUNK, 0)
        write_start(out, hb, col, CHUNK, 0)
        idx_start(ids, hb + 2 * CHUNK, CHUNK, 0)
        gather_wait(tab, CHUNK, 1)
        write_start(out, hb + CHUNK, col, CHUNK, 1)
        idx_start(ids, hb + 3 * CHUNK, CHUNK, 1)

        def pair(j, carry, ids=ids, tab=tab, out=out, col=col):
            a_off = hb + (2 * j) * CHUNK
            b_off = a_off + CHUNK
            idx_wait(ids, CHUNK, 0)
            write_wait(out, col, CHUNK, 0)
            gather_start(tab, CHUNK, 0)
            idx_wait(ids, CHUNK, 1)
            write_wait(out, col, CHUNK, 1)
            gather_start(tab, CHUNK, 1)
            pa = jnp.minimum(a_off + 2 * CHUNK, BL - CHUNK)
            pb = jnp.minimum(b_off + 2 * CHUNK, BL - CHUNK)
            gather_wait(tab, CHUNK, 0)
            write_start(out, a_off, col, CHUNK, 0)
            idx_start(ids, pa, CHUNK, 0)
            gather_wait(tab, CHUNK, 1)
            write_start(out, b_off, col, CHUNK, 1)
            idx_start(ids, pb, CHUNK, 1)
            return carry

        lax.fori_loop(1, NPAIR, pair, 0)

        idx_wait(ids, CHUNK, 0)
        idx_wait(ids, CHUNK, 1)
        pend = [(out, col, CHUNK), (out, col, CHUNK)]

    write_wait(*pend[0], 0)
    write_wait(*pend[1], 1)


@functools.partial(jax.jit, donate_argnums=())
def _run(u0i, u1i, t0i, t1i, p0i, p1i, n0i, n1i, u0t, u1t, i0t, i1t):
    mesh = plsc.VectorSubcoreMesh(core_axis_name="c", subcore_axis_name="s")
    k = pl.kernel(
        _sc_body,
        out_type=[
            jax.ShapeDtypeStruct((B, 4 * D), jnp.float32),
            jax.ShapeDtypeStruct((BL, 2 * D), jnp.float32),
            jax.ShapeDtypeStruct((BL, 2 * D), jnp.float32),
        ],
        mesh=mesh,
        compiler_params=pltpu.CompilerParams(use_tc_tiling_on_sc=False),
        scratch_types=[
            pltpu.VMEM((CHUNK,), jnp.int32),
            pltpu.VMEM((CHUNK,), jnp.int32),
            pltpu.VMEM((CHUNK, D), jnp.float32),
            pltpu.VMEM((CHUNK, D), jnp.float32),
            pltpu.SemaphoreType.DMA,
            pltpu.SemaphoreType.DMA,
            pltpu.SemaphoreType.DMA,
            pltpu.SemaphoreType.DMA,
            pltpu.SemaphoreType.DMA,
            pltpu.SemaphoreType.DMA,
        ],
    )
    return k(u0i, u1i, t0i, t1i, p0i, p1i, n0i, n1i, u0t, u1t, i0t, i1t)


def kernel(user_feat0_ids, user_feat1_ids, target_item0_ids, target_item1_ids,
           pos_hist_item0_ids, pos_hist_item1_ids,
           neg_hist_item0_ids, neg_hist_item1_ids,
           user0_table, user1_table, item0_table, item1_table):
    def _tab(t):
        vp = t.shape[0] + (-t.shape[0]) % 8
        return jnp.pad(t, ((0, vp - t.shape[0]), (0, D))).reshape(2 * vp, D)

    out_ut, out_pos, out_neg = _run(
        user_feat0_ids * 2, user_feat1_ids * 2,
        target_item0_ids * 2, target_item1_ids * 2,
        pos_hist_item0_ids.T.reshape(BL) * 2,
        pos_hist_item1_ids.T.reshape(BL) * 2,
        neg_hist_item0_ids.T.reshape(BL) * 2,
        neg_hist_item1_ids.T.reshape(BL) * 2,
        _tab(user0_table), _tab(user1_table),
        _tab(item0_table), _tab(item1_table))
    return (out_ut,
            out_pos.reshape(L, B, 2 * D).transpose(1, 0, 2),
            out_neg.reshape(L, B, 2 * D).transpose(1, 0, 2))

# --- scband reference (transcript-rebuilt; emitter-appended) ---
"""Pipeline reference for scband-sequential-recommender-model-13134009991517 (READ-ONLY COPY).

The authoritative reference and input builder live on the scoring server;
editing this copy changes nothing except your own understanding.
"""

import jax, jax.numpy as jnp
import numpy as np

B = 4096
L = 50
D = 64
USER0_CARD = 100000
USER1_CARD = 1000
ITEM0_CARD = 1000000
ITEM1_CARD = 100000


def setup_inputs(seed: int = 0) -> dict:
    key = jax.random.key(seed)
    ks = jax.random.split(key, 12)
    inp = {}
    inp["user_feat0_ids"] = jax.random.randint(ks[0], (B,), 0, USER0_CARD, dtype=jnp.int32)
    inp["user_feat1_ids"] = jax.random.randint(ks[1], (B,), 0, USER1_CARD, dtype=jnp.int32)
    inp["target_item0_ids"] = jax.random.randint(ks[2], (B,), 0, ITEM0_CARD, dtype=jnp.int32)
    inp["target_item1_ids"] = jax.random.randint(ks[3], (B,), 0, ITEM1_CARD, dtype=jnp.int32)
    inp["pos_hist_item0_ids"] = jax.random.randint(ks[4], (B, L), 0, ITEM0_CARD, dtype=jnp.int32)
    inp["pos_hist_item1_ids"] = jax.random.randint(ks[5], (B, L), 0, ITEM1_CARD, dtype=jnp.int32)
    inp["neg_hist_item0_ids"] = jax.random.randint(ks[6], (B, L), 0, ITEM0_CARD, dtype=jnp.int32)
    inp["neg_hist_item1_ids"] = jax.random.randint(ks[7], (B, L), 0, ITEM1_CARD, dtype=jnp.int32)
    # Embedding tables (cardinality + 1 rows, matching the original module)
    inp["user0_table"] = jax.random.normal(ks[8], (USER0_CARD + 1, D), dtype=jnp.float32) * 0.05
    inp["user1_table"] = jax.random.normal(ks[9], (USER1_CARD + 1, D), dtype=jnp.float32) * 0.05
    inp["item0_table"] = jax.random.normal(ks[10], (ITEM0_CARD + 1, D), dtype=jnp.float32) * 0.05
    inp["item1_table"] = jax.random.normal(ks[11], (ITEM1_CARD + 1, D), dtype=jnp.float32) * 0.05
    return inp


def reference(user_feat0_ids, user_feat1_ids, target_item0_ids, target_item1_ids,
              pos_hist_item0_ids, pos_hist_item1_ids, neg_hist_item0_ids, neg_hist_item1_ids,
              user0_table, user1_table, item0_table, item1_table):
    # embed(): per-feature table lookup, concat along last axis, grouped by channel.
    # Target-item features share tables with their positive/negative history counterparts.
    def emb(table, ids):
        return jnp.take(table, ids, axis=0)

    user_target_emb = jnp.concatenate([
        emb(user0_table, user_feat0_ids),
        emb(user1_table, user_feat1_ids),
        emb(item0_table, target_item0_ids),
        emb(item1_table, target_item1_ids),
    ], axis=-1)  # [B, 4*D]

    pos_hist_emb = jnp.concatenate([
        emb(item0_table, pos_hist_item0_ids),
        emb(item1_table, pos_hist_item1_ids),
    ], axis=-1)  # [B, L, 2*D]

    neg_hist_emb = jnp.concatenate([
        emb(item0_table, neg_hist_item0_ids),
        emb(item1_table, neg_hist_item1_ids),
    ], axis=-1)  # [B, L, 2*D]

    return (user_target_emb, pos_hist_emb, neg_hist_emb)

if __name__ == "__main__":
    import jax
    _d = setup_inputs()
    print(jax.jit(kernel)(*tuple(_d.values())))

</pallas_src>

<mosaic_0001>
#map = affine_map<(d0, d1) -> (0)>
#map1 = affine_map<(d0, d1) -> (0, 0)>
module attributes {stable_mosaic.version = 14 : i64} {
  func.func @_sc_body(%arg0: i32, %arg1: i32, %arg2: memref<4096xi32, #tpu.memory_space<hbm>>, %arg3: memref<4096xi32, #tpu.memory_space<hbm>>, %arg4: memref<4096xi32, #tpu.memory_space<hbm>>, %arg5: memref<4096xi32, #tpu.memory_space<hbm>>, %arg6: memref<204800xi32, #tpu.memory_space<hbm>>, %arg7: memref<204800xi32, #tpu.memory_space<hbm>>, %arg8: memref<204800xi32, #tpu.memory_space<hbm>>, %arg9: memref<204800xi32, #tpu.memory_space<hbm>>, %arg10: memref<200016x64xf32, #tpu.memory_space<hbm>>, %arg11: memref<2016x64xf32, #tpu.memory_space<hbm>>, %arg12: memref<2000016x64xf32, #tpu.memory_space<hbm>>, %arg13: memref<200016x64xf32, #tpu.memory_space<hbm>>, %arg14: memref<4096x256xf32, #tpu.memory_space<hbm>>, %arg15: memref<204800x128xf32, #tpu.memory_space<hbm>>, %arg16: memref<204800x128xf32, #tpu.memory_space<hbm>>, %arg17: memref<800xi32, #tpu.memory_space<vmem>>, %arg18: memref<800xi32, #tpu.memory_space<vmem>>, %arg19: memref<800x64xf32, #tpu.memory_space<vmem>>, %arg20: memref<800x64xf32, #tpu.memory_space<vmem>>, %arg21: memref<!tpu.dma_semaphore, #tpu.memory_space<semaphore_mem>>, %arg22: memref<!tpu.dma_semaphore, #tpu.memory_space<semaphore_mem>>, %arg23: memref<!tpu.dma_semaphore, #tpu.memory_space<semaphore_mem>>, %arg24: memref<!tpu.dma_semaphore, #tpu.memory_space<semaphore_mem>>, %arg25: memref<!tpu.dma_semaphore, #tpu.memory_space<semaphore_mem>>, %arg26: memref<!tpu.dma_semaphore, #tpu.memory_space<semaphore_mem>>) attributes {dimension_semantics = [#tpu.dimension_semantics<core_parallel>, #tpu.dimension_semantics<subcore_parallel>], iteration_bounds = array<i64: 2, 16>, scalar_prefetch = 0 : i64, scratch_operands = 10 : i64, tpu.core_type = #tpu.core_type<sc_vector_subcore>, window_params = [{transform_indices = #map}, {transform_indices = #map}, {transform_indices = #map}, {transform_indices = #map}, {transform_indices = #map}, {transform_indices = #map}, {transform_indices = #map}, {transform_indices = #map}, {transform_indices = #map1}, {transform_indices = #map1}, {transform_indices = #map1}, {transform_indices = #map1}, {transform_indices = #map1}, {transform_indices = #map1}, {transform_indices = #map1}]} {
    %mul3A = arith.constant 2 : i32
    %mul3A_0 = arith.muli %arg1, %mul3A : i32
    %add3A = arith.addi %mul3A_0, %arg0 : i32
    %mul3A_1 = arith.constant 128 : i32
    %mul3A_2 = arith.muli %add3A, %mul3A_1 : i32
    %dma_start3A = arith.constant 0 : i32
    %dma_start3A_3 = tpu.memref_slice %arg17[%dma_start3A] : memref<800xi32, #tpu.memory_space<vmem>> -> memref<128xi32, #tpu.memory_space<vmem>>
    %dma_start3A_4 = tpu.memref_slice %arg2[%mul3A_2] : memref<4096xi32, #tpu.memory_space<hbm>> -> memref<128xi32, #tpu.memory_space<hbm>>
    %dma_start3A_5 = arith.constant 0 : i32
    %dma_start3A_6 = tpu.memref_slice %arg17[%dma_start3A_5] : memref<800xi32, #tpu.memory_space<vmem>> -> memref<128xi32, #tpu.memory_space<vmem>>
    %dma_start3A_7 = tpu.memref_slice %arg2[%mul3A_2] : memref<4096xi32, #tpu.memory_space<hbm>> -> memref<128xi32, #tpu.memory_space<hbm>>
    tpu.enqueue_dma source(%dma_start3A_7 : memref<128xi32, #tpu.memory_space<hbm>>) target(%dma_start3A_6 : memref<128xi32, #tpu.memory_space<vmem>>) target_semaphore(%arg21 : memref<!tpu.dma_semaphore, #tpu.memory_space<semaphore_mem>>)
    %dma_start3A_8 = arith.constant 0 : i32
    %dma_start3A_9 = tpu.memref_slice %arg18[%dma_start3A_8] : memref<800xi32, #tpu.memory_space<vmem>> -> memref<128xi32, #tpu.memory_space<vmem>>
    %dma_start3A_10 = tpu.memref_slice %arg3[%mul3A_2] : memref<4096xi32, #tpu.memory_space<hbm>> -> memref<128xi32, #tpu.memory_space<hbm>>
    %dma_start3A_11 = arith.constant 0 : i32
    %dma_start3A_12 = tpu.memref_slice %arg18[%dma_start3A_11] : memref<800xi32, #tpu.memory_space<vmem>> -> memref<128xi32, #tpu.memory_space<vmem>>
    %dma_start3A_13 = tpu.memref_slice %arg3[%mul3A_2] : memref<4096xi32, #tpu.memory_space<hbm>> -> memref<128xi32, #tpu.memory_space<hbm>>
    tpu.enqueue_dma source(%dma_start3A_13 : memref<128xi32, #tpu.memory_space<hbm>>) target(%dma_start3A_12 : memref<128xi32, #tpu.memory_space<vmem>>) target_semaphore(%arg22 : memref<!tpu.dma_semaphore, #tpu.memory_space<semaphore_mem>>)
    %dma_wait3A = arith.constant 0 : i32
    %dma_wait3A_14 = tpu.memref_slice %arg17[%dma_wait3A] : memref<800xi32, #tpu.memory_space<vmem>> -> memref<128xi32, #tpu.memory_space<vmem>>
    %dma_wait3A_15 = arith.constant 0 : i32
    %dma_wait3A_16 = tpu.memref_slice %arg2[%dma_wait3A_15] : memref<4096xi32, #tpu.memory_space<hbm>> -> memref<128xi32, #tpu.memory_space<hbm>>
    %dma_wait3A_17 = arith.constant 0 : i32
    %dma_wait3A_18 = tpu.memref_slice %arg17[%dma_wait3A_17] : memref<800xi32, #tpu.memory_space<vmem>> -> memref<128xi32, #tpu.memory_space<vmem>>
    %dma_wait3A_19 = arith.constant 0 : i32
    %dma_wait3A_20 = tpu.memref_slice %arg2[%dma_wait3A_19] : memref<4096xi32, #tpu.memory_space<hbm>> -> memref<128xi32, #tpu.memory_space<hbm>>
    tpu.wait_dma2 semaphore(%arg21 : memref<!tpu.dma_semaphore, #tpu.memory_space<semaphore_mem>>) src(%dma_wait3A_20 : memref<128xi32, #tpu.memory_space<hbm>>) dst(%dma_wait3A_18 : memref<128xi32, #tpu.memory_space<vmem>>)
    %dma_start3A_21 = arith.constant 0 : i32
    %dma_start3A_22 = arith.constant 0 : i32
    %dma_start3A_23 = tpu.memref_slice %arg19[%dma_start3A_21, %dma_start3A_22] : memref<800x64xf32, #tpu.memory_space<vmem>> -> memref<128x64xf32, #tpu.memory_space<vmem>>
    %dma_start3A_24 = arith.constant 0 : i32
    %dma_start3A_25 = tpu.memref_slice %arg17[%dma_start3A_24] : memref<800xi32, #tpu.memory_space<vmem>> -> memref<128xi32, #tpu.memory_space<vmem>>
    %dma_start3A_26 = arith.constant 0 : i32
    %dma_start3A_27 = arith.constant 0 : i32
    %dma_start3A_28 = tpu.memref_slice %arg10[%dma_start3A_26, %dma_start3A_27] : memref<200016x64xf32, #tpu.memory_space<hbm>> -> memref<200016x64xf32, #tpu.memory_space<hbm>>
    tpu.enqueue_indirect_dma source(%dma_start3A_28 : memref<200016x64xf32, #tpu.memory_space<hbm>>) target(%dma_start3A_23 : memref<128x64xf32, #tpu.memory_space<vmem>>) offsets(%dma_start3A_25 : memref<128xi32, #tpu.memory_space<vmem>>) semaphore(%arg23 : memref<!tpu.dma_semaphore, #tpu.memory_space<semaphore_mem>>)
    %dma_wait3A_29 = arith.constant 0 : i32
    %dma_wait3A_30 = tpu.memref_slice %arg18[%dma_wait3A_29] : memref<800xi32, #tpu.memory_space<vmem>> -> memref<128xi32, #tpu.memory_space<vmem>>
    %dma_wait3A_31 = arith.constant 0 : i32
    %dma_wait3A_32 = tpu.memref_slice %arg3[%dma_wait3A_31] : memref<4096xi32, #tpu.memory_space<hbm>> -> memref<128xi32, #tpu.memory_space<hbm>>
    %dma_wait3A_33 = arith.constant 0 : i32
    %dma_wait3A_34 = tpu.memref_slice %arg18[%dma_wait3A_33] : memref<800xi32, #tpu.memory_space<vmem>> -> memref<128xi32, #tpu.memory_space<vmem>>
    %dma_wait3A_35 = arith.constant 0 : i32
    %dma_wait3A_36 = tpu.memref_slice %arg3[%dma_wait3A_35] : memref<4096xi32, #tpu.memory_space<hbm>> -> memref<128xi32, #tpu.memory_space<hbm>>
    tpu.wait_dma2 semaphore(%arg22 : memref<!tpu.dma_semaphore, #tpu.memory_space<semaphore_mem>>) src(%dma_wait3A_36 : memref<128xi32, #tpu.memory_space<hbm>>) dst(%dma_wait3A_34 : memref<128xi32, #tpu.memory_space<vmem>>)
    %dma_start3A_37 = arith.constant 0 : i32
    %dma_start3A_38 = arith.constant 0 : i32
    %dma_start3A_39 = tpu.memref_slice %arg20[%dma_start3A_37, %dma_start3A_38] : memref<800x64xf32, #tpu.memory_space<vmem>> -> memref<128x64xf32, #tpu.memory_space<vmem>>
    %dma_start3A_40 = arith.constant 0 : i32
    %dma_start3A_41 = tpu.memref_slice %arg18[%dma_start3A_40] : memref<800xi32, #tpu.memory_space<vmem>> -> memref<128xi32, #tpu.memory_space<vmem>>
    %dma_start3A_42 = arith.constant 0 : i32
    %dma_start3A_43 = arith.constant 0 : i32
    %dma_start3A_44 = tpu.memref_slice %arg11[%dma_start3A_42, %dma_start3A_43] : memref<2016x64xf32, #tpu.memory_space<hbm>> -> memref<2016x64xf32, #tpu.memory_space<hbm>>
    tpu.enqueue_indirect_dma source(%dma_start3A_44 : memref<2016x64xf32, #tpu.memory_space<hbm>>) target(%dma_start3A_39 : memref<128x64xf32, #tpu.memory_space<vmem>>) offsets(%dma_start3A_41 : memref<128xi32, #tpu.memory_space<vmem>>) semaphore(%arg24 : memref<!tpu.dma_semaphore, #tpu.memory_space<semaphore_mem>>)
    %dma_wait3A_45 = arith.constant 0 : i32
    %dma_wait3A_46 = arith.constant 0 : i32
    %dma_wait3A_47 = tpu.memref_slice %arg19[%dma_wait3A_45, %dma_wait3A_46] : memref<800x64xf32, #tpu.memory_space<vmem>> -> memref<128x64xf32, #tpu.memory_space<vmem>>
    %dma_wait3A_48 = arith.constant 0 : i32
    %dma_wait3A_49 = tpu.memref_slice %arg17[%dma_wait3A_48] : memref<800xi32, #tpu.memory_space<vmem>> -> memref<128xi32, #tpu.memory_space<vmem>>
    %dma_wait3A_50 = arith.constant 0 : i32
    %dma_wait3A_51 = arith.constant 0 : i32
    %dma_wait3A_52 = tpu.memref_slice %arg10[%dma_wait3A_50, %dma_wait3A_51] : memref<200016x64xf32, #tpu.memory_space<hbm>> -> memref<200016x64xf32, #tpu.memory_space<hbm>>
    tpu.wait_indirect_dma semaphore(%arg23 : memref<!tpu.dma_semaphore, #tpu.memory_space<semaphore_mem>>) src(%dma_wait3A_52 : memref<200016x64xf32, #tpu.memory_space<hbm>>) dst(%dma_wait3A_47 : memref<128x64xf32, #tpu.memory_space<vmem>>)
    %dma_start3A_53 = arith.constant 0 : i32
    %dma_start3A_54 = arith.constant 0 : i32
    %dma_start3A_55 = tpu.memref_slice %arg19[%dma_start3A_53, %dma_start3A_54] : memref<800x64xf32, #tpu.memory_space<vmem>> -> memref<128x64xf32, #tpu.memory_space<vmem>>
    %dma_start3A_56 = arith.constant 0 : i32
    %dma_start3A_57 = tpu.memref_slice %arg14[%mul3A_2, %dma_start3A_56] : memref<4096x256xf32, #tpu.memory_space<hbm>> -> memref<128x64xf32, #tpu.memory_space<hbm>>
    %dma_start3A_58 = arith.constant 0 : i32
    %dma_start3A_59 = tpu.memref_slice %arg14[%mul3A_2, %dma_start3A_58] : memref<4096x256xf32, #tpu.memory_space<hbm>> -> memref<128x64xf32, #tpu.memory_space<hbm>>
    %dma_start3A_60 = arith.constant 0 : i32
    %dma_start3A_61 = arith.constant 0 : i32
    %dma_start3A_62 = tpu.memref_slice %arg19[%dma_start3A_60, %dma_start3A_61] : memref<800x64xf32, #tpu.memory_space<vmem>> -> memref<128x64xf32, #tpu.memory_space<vmem>>
    tpu.enqueue_dma source(%dma_start3A_62 : memref<128x64xf32, #tpu.memory_space<vmem>>) target(%dma_start3A_59 : memref<128x64xf32, #tpu.memory_space<hbm>>) target_semaphore(%arg25 : memref<!tpu.dma_semaphore, #tpu.memory_space<semaphore_mem>>)
    %dma_start3A_63 = arith.constant 0 : i32
    %dma_start3A_64 = tpu.memref_slice %arg17[%dma_start3A_63] : memref<800xi32, #tpu.memory_space<vmem>> -> memref<128xi32, #tpu.memory_space<vmem>>
    %dma_start3A_65 = tpu.memref_slice %arg4[%mul3A_2] : memref<4096xi32, #tpu.memory_space<hbm>> -> memref<128xi32, #tpu.memory_space<hbm>>
    %dma_start3A_66 = arith.constant 0 : i32
    %dma_start3A_67 = tpu.memref_slice %arg17[%dma_start3A_66] : memref<800xi32, #tpu.memory_space<vmem>> -> memref<128xi32, #tpu.memory_space<vmem>>
    %dma_start3A_68 = tpu.memref_slice %arg4[%mul3A_2] : memref<4096xi32, #tpu.memory_space<hbm>> -> memref<128xi32, #tpu.memory_space<hbm>>
    tpu.enqueue_dma source(%dma_start3A_68 : memref<128xi32, #tpu.memory_space<hbm>>) target(%dma_start3A_67 : memref<128xi32, #tpu.memory_space<vmem>>) target_semaphore(%arg21 : memref<!tpu.dma_semaphore, #tpu.memory_space<semaphore_mem>>)
    %dma_wait3A_69 = arith.constant 0 : i32
    %dma_wait3A_70 = arith.constant 0 : i32
    %dma_wait3A_71 = tpu.memref_slice %arg20[%dma_wait3A_69, %dma_wait3A_70] : memref<800x64xf32, #tpu.memory_space<vmem>> -> memref<128x64xf32, #tpu.memory_space<vmem>>
    %dma_wait3A_72 = arith.constant 0 : i32
    %dma_wait3A_73 = tpu.memref_slice %arg18[%dma_wait3A_72] : memref<800xi32, #tpu.memory_space<vmem>> -> memref<128xi32, #tpu.memory_space<vmem>>
    %dma_wait3A_74 = arith.constant 0 : i32
    %dma_wait3A_75 = arith.constant 0 : i32
    %dma_wait3A_76 = tpu.memref_slice %arg11[%dma_wait3A_74, %dma_wait3A_75] : memref<2016x64xf32, #tpu.memory_space<hbm>> -> memref<2016x64xf32, #tpu.memory_space<hbm>>
    tpu.wait_indirect_dma semaphore(%arg24 : memref<!tpu.dma_semaphore, #tpu.memory_space<semaphore_mem>>) src(%dma_wait3A_76 : memref<2016x64xf32, #tpu.memory_space<hbm>>) dst(%dma_wait3A_71 : memref<128x64xf32, #tpu.memory_space<vmem>>)
    %dma_start3A_77 = arith.constant 0 : i32
    %dma_start3A_78 = arith.constant 0 : i32
    %dma_start3A_79 = tpu.memref_slice %arg20[%dma_start3A_77, %dma_start3A_78] : memref<800x64xf32, #tpu.memory_space<vmem>> -> memref<128x64xf32, #tpu.memory_space<vmem>>
    %dma_start3A_80 = arith.constant 64 : i32
    %dma_start3A_81 = tpu.memref_slice %arg14[%mul3A_2, %dma_start3A_80] : memref<4096x256xf32, #tpu.memory_space<hbm>> -> memref<128x64xf32, #tpu.memory_space<hbm>>
    %dma_start3A_82 = arith.constant 64 : i32
    %dma_start3A_83 = tpu.memref_slice %arg14[%mul3A_2, %dma_start3A_82] : memref<4096x256xf32, #tpu.memory_space<hbm>> -> memref<128x64xf32, #tpu.memory_space<hbm>>
    %dma_start3A_84 = arith.constant 0 : i32
    %dma_start3A_85 = arith.constant 0 : i32
    %dma_start3A_86 = tpu.memref_slice %arg20[%dma_start3A_84, %dma_start3A_85] : memref<800x64xf32, #tpu.memory_space<vmem>> -> memref<128x64xf32, #tpu.memory_space<vmem>>
    tpu.enqueue_dma source(%dma_start3A_86 : memref<128x64xf32, #tpu.memory_space<vmem>>) target(%dma_start3A_83 : memref<128x64xf32, #tpu.memory_space<hbm>>) target_semaphore(%arg26 : memref<!tpu.dma_semaphore, #tpu.memory_space<semaphore_mem>>)
    %dma_start3A_87 = arith.constant 0 : i32
    %dma_start3A_88 = tpu.memref_slice %arg18[%dma_start3A_87] : memref<800xi32, #tpu.memory_space<vmem>> -> memref<128xi32, #tpu.memory_space<vmem>>
    %dma_start3A_89 = tpu.memref_slice %arg5[%mul3A_2] : memref<4096xi32, #tpu.memory_space<hbm>> -> memref<128xi32, #tpu.memory_space<hbm>>
    %dma_start3A_90 = arith.constant 0 : i32
    %dma_start3A_91 = tpu.memref_slice %arg18[%dma_start3A_90] : memref<800xi32, #tpu.memory_space<vmem>> -> memref<128xi32, #tpu.memory_space<vmem>>
    %dma_start3A_92 = tpu.memref_slice %arg5[%mul3A_2] : memref<4096xi32, #tpu.memory_space<hbm>> -> memref<128xi32, #tpu.memory_space<hbm>>
    tpu.enqueue_dma source(%dma_start3A_92 : memref<128xi32, #tpu.memory_space<hbm>>) target(%dma_start3A_91 : memref<128xi32, #tpu.memory_space<vmem>>) target_semaphore(%arg22 : memref<!tpu.dma_semaphore, #tpu.memory_space<semaphore_mem>>)
    %dma_wait3A_93 = arith.constant 0 : i32
    %dma_wait3A_94 = tpu.memref_slice %arg17[%dma_wait3A_93] : memref<800xi32, #tpu.memory_space<vmem>> -> memref<128xi32, #tpu.memory_space<vmem>>
    %dma_wait3A_95 = arith.constant 0 : i32
    %dma_wait3A_96 = tpu.memref_slice %arg4[%dma_wait3A_95] : memref<4096xi32, #tpu.memory_space<hbm>> -> memref<128xi32, #tpu.memory_space<hbm>>
    %dma_wait3A_97 = arith.constant 0 : i32
    %dma_wait3A_98 = tpu.memref_slice %arg17[%dma_wait3A_97] : memref<800xi32, #tpu.memory_space<vmem>> -> memref<128xi32, #tpu.memory_space<vmem>>
    %dma_wait3A_99 = arith.constant 0 : i32
    %dma_wait3A_100 = tpu.memref_slice %arg4[%dma_wait3A_99] : memref<4096xi32, #tpu.memory_space<hbm>> -> memref<128xi32, #tpu.memory_space<hbm>>
    tpu.wait_dma2 semaphore(%arg21 : memref<!tpu.dma_semaphore, #tpu.memory_space<semaphore_mem>>) src(%dma_wait3A_100 : memref<128xi32, #tpu.memory_space<hbm>>) dst(%dma_wait3A_98 : memref<128xi32, #tpu.memory_space<vmem>>)
    %dma_wait3A_101 = arith.constant 0 : i32
    %dma_wait3A_102 = arith.constant 0 : i32
    %dma_wait3A_103 = tpu.memref_slice %arg19[%dma_wait3A_101, %dma_wait3A_102] : memref<800x64xf32, #tpu.memory_space<vmem>> -> memref<128x64xf32, #tpu.memory_space<vmem>>
    %dma_wait3A_104 = arith.constant 0 : i32
    %dma_wait3A_105 = arith.constant 0 : i32
    %dma_wait3A_106 = tpu.memref_slice %arg14[%dma_wait3A_104, %dma_wait3A_105] : memref<4096x256xf32, #tpu.memory_space<hbm>> -> memref<128x64xf32, #tpu.memory_space<hbm>>
    %dma_wait3A_107 = arith.constant 0 : i32
    %dma_wait3A_108 = arith.constant 0 : i32
    %dma_wait3A_109 = tpu.memref_slice %arg14[%dma_wait3A_107, %dma_wait3A_108] : memref<4096x256xf32, #tpu.memory_space<hbm>> -> memref<128x64xf32, #tpu.memory_space<hbm>>
    %dma_wait3A_110 = arith.constant 0 : i32
    %dma_wait3A_111 = arith.constant 0 : i32
    %dma_wait3A_112 = tpu.memref_slice %arg19[%dma_wait3A_110, %dma_wait3A_111] : memref<800x64xf32, #tpu.memory_space<vmem>> -> memref<128x64xf32, #tpu.memory_space<vmem>>
    tpu.wait_dma2 semaphore(%arg25 : memref<!tpu.dma_semaphore, #tpu.memory_space<semaphore_mem>>) src(%dma_wait3A_112 : memref<128x64xf32, #tpu.memory_space<vmem>>) dst(%dma_wait3A_109 : memref<128x64xf32, #tpu.memory_space<hbm>>)
    %dma_start3A_113 = arith.constant 0 : i32
    %dma_start3A_114 = arith.constant 0 : i32
    %dma_start3A_115 = tpu.memref_slice %arg19[%dma_start3A_113, %dma_start3A_114] : memref<800x64xf32, #tpu.memory_space<vmem>> -> memref<128x64xf32, #tpu.memory_space<vmem>>
    %dma_start3A_116 = arith.constant 0 : i32
    %dma_start3A_117 = tpu.memref_slice %arg17[%dma_start3A_116] : memref<800xi32, #tpu.memory_space<vmem>> -> memref<128xi32, #tpu.memory_space<vmem>>
    %dma_start3A_118 = arith.constant 0 : i32
    %dma_start3A_119 = arith.constant 0 : i32
    %dma_start3A_120 = tpu.memref_slice %arg12[%dma_start3A_118, %dma_start3A_119] : memref<2000016x64xf32, #tpu.memory_space<hbm>> -> memref<2000016x64xf32, #tpu.memory_space<hbm>>
    tpu.enqueue_indirect_dma source(%dma_start3A_120 : memref<2000016x64xf32, #tpu.memory_space<hbm>>) target(%dma_start3A_115 : memref<128x64xf32, #tpu.memory_space<vmem>>) offsets(%dma_start3A_117 : memref<128xi32, #tpu.memory_space<vmem>>) semaphore(%arg23 : memref<!tpu.dma_semaphore, #tpu.memory_space<semaphore_mem>>)
    %dma_wait3A_121 = arith.constant 0 : i32
    %dma_wait3A_122 = tpu.memref_slice %arg18[%dma_wait3A_121] : memref<800xi32, #tpu.memory_space<vmem>> -> memref<128xi32, #tpu.memory_space<vmem>>
    %dma_wait3A_123 = arith.constant 0 : i32
    %dma_wait3A_124 = tpu.memref_slice %arg5[%dma_wait3A_123] : memref<4096xi32, #tpu.memory_space<hbm>> -> memref<128xi32, #tpu.memory_space<hbm>>
    %dma_wait3A_125 = arith.constant 0 : i32
    %dma_wait3A_126 = tpu.memref_slice %arg18[%dma_wait3A_125] : memref<800xi32, #tpu.memory_space<vmem>> -> memref<128xi32, #tpu.memory_space<vmem>>
    %dma_wait3A_127 = arith.constant 0 : i32
    %dma_wait3A_128 = tpu.memref_slice %arg5[%dma_wait3A_127] : memref<4096xi32, #tpu.memory_space<hbm>> -> memref<128xi32, #tpu.memory_space<hbm>>
    tpu.wait_dma2 semaphore(%arg22 : memref<!tpu.dma_semaphore, #tpu.memory_space<semaphore_mem>>) src(%dma_wait3A_128 : memref<128xi32, #tpu.memory_space<hbm>>) dst(%dma_wait3A_126 : memref<128xi32, #tpu.memory_space<vmem>>)
    %dma_wait3A_129 = arith.constant 0 : i32
    %dma_wait3A_130 = arith.constant 0 : i32
    %dma_wait3A_131 = tpu.memref_slice %arg20[%dma_wait3A_129, %dma_wait3A_130] : memref<800x64xf32, #tpu.memory_space<vmem>> -> memref<128x64xf32, #tpu.memory_space<vmem>>
    %dma_wait3A_132 = arith.constant 0 : i32
    %dma_wait3A_133 = arith.constant 64 : i32
    %dma_wait3A_134 = tpu.memref_slice %arg14[%dma_wait3A_132, %dma_wait3A_133] : memref<4096x256xf32, #tpu.memory_space<hbm>> -> memref<128x64xf32, #tpu.memory_space<hbm>>
    %dma_wait3A_135 = arith.constant 0 : i32
    %dma_wait3A_136 = arith.constant 64 : i32
    %dma_wait3A_137 = tpu.memref_slice %arg14[%dma_wait3A_135, %dma_wait3A_136] : memref<4096x256xf32, #tpu.memory_space<hbm>> -> memref<128x64xf32, #tpu.memory_space<hbm>>
    %dma_wait3A_138 = arith.constant 0 : i32
    %dma_wait3A_139 = arith.constant 0 : i32
    %dma_wait3A_140 = tpu.memref_slice %arg20[%dma_wait3A_138, %dma_wait3A_139] : memref<800x64xf32, #tpu.memory_space<vmem>> -> memref<128x64xf32, #tpu.memory_space<vmem>>
    tpu.wait_dma2 semaphore(%arg26 : memref<!tpu.dma_semaphore, #tpu.memory_space<semaphore_mem>>) src(%dma_wait3A_140 : memref<128x64xf32, #tpu.memory_space<vmem>>) dst(%dma_wait3A_137 : memref<128x64xf32, #tpu.memory_space<hbm>>)
    %dma_start3A_141 = arith.constant 0 : i32
    %dma_start3A_142 = arith.constant 0 : i32
    %dma_start3A_143 = tpu.memref_slice %arg20[%dma_start3A_141, %dma_start3A_142] : memref<800x64xf32, #tpu.memory_space<vmem>> -> memref<128x64xf32, #tpu.memory_space<vmem>>
    %dma_start3A_144 = arith.constant 0 : i32
    %dma_start3A_145 = tpu.memref_slice %arg18[%dma_start3A_144] : memref<800xi32, #tpu.memory_space<vmem>> -> memref<128xi32, #tpu.memory_space<vmem>>
    %dma_start3A_146 = arith.constant 0 : i32
    %dma_start3A_147 = arith.constant 0 : i32
    %dma_start3A_148 = tpu.memref_slice %arg13[%dma_start3A_146, %dma_start3A_147] : memref<200016x64xf32, #tpu.memory_space<hbm>> -> memref<200016x64xf32, #tpu.memory_space<hbm>>
    tpu.enqueue_indirect_dma source(%dma_start3A_148 : memref<200016x64xf32, #tpu.memory_space<hbm>>) target(%dma_start3A_143 : memref<128x64xf32, #tpu.memory_space<vmem>>) offsets(%dma_start3A_145 : memref<128xi32, #tpu.memory_space<vmem>>) semaphore(%arg24 : memref<!tpu.dma_semaphore, #tpu.memory_space<semaphore_mem>>)
    %dma_wait3A_149 = arith.constant 0 : i32
    %dma_wait3A_150 = arith.constant 0 : i32
    %dma_wait3A_151 = tpu.memref_slice %arg19[%dma_wait3A_149, %dma_wait3A_150] : memref<800x64xf32, #tpu.memory_space<vmem>> -> memref<128x64xf32, #tpu.memory_space<vmem>>
    %dma_wait3A_152 = arith.constant 0 : i32
    %dma_wait3A_153 = tpu.memref_slice %arg17[%dma_wait3A_152] : memref<800xi32, #tpu.memory_space<vmem>> -> memref<128xi32, #tpu.memory_space<vmem>>
    %dma_wait3A_154 = arith.constant 0 : i32
    %dma_wait3A_155 = arith.constant 0 : i32
    %dma_wait3A_156 = tpu.memref_slice %arg12[%dma_wait3A_154, %dma_wait3A_155] : memref<2000016x64xf32, #tpu.memory_space<hbm>> -> memref<2000016x64xf32, #tpu.memory_space<hbm>>
    tpu.wait_indirect_dma semaphore(%arg23 : memref<!tpu.dma_semaphore, #tpu.memory_space<semaphore_mem>>) src(%dma_wait3A_156 : memref<2000016x64xf32, #tpu.memory_space<hbm>>) dst(%dma_wait3A_151 : memref<128x64xf32, #tpu.memory_space<vmem>>)
    %dma_start3A_157 = arith.constant 0 : i32
    %dma_start3A_158 = arith.constant 0 : i32
    %dma_start3A_159 = tpu.memref_slice %arg19[%dma_start3A_157, %dma_start3A_158] : memref<800x64xf32, #tpu.memory_space<vmem>> -> memref<128x64xf32, #tpu.memory_space<vmem>>
    %dma_start3A_160 = arith.constant 128 : i32
    %dma_start3A_161 = tpu.memref_slice %arg14[%mul3A_2, %dma_start3A_160] : memref<4096x256xf32, #tpu.memory_space<hbm>> -> memref<128x64xf32, #tpu.memory_space<hbm>>
    %dma_start3A_162 = arith.constant 128 : i32
    %dma_start3A_163 = tpu.memref_slice %arg14[%mul3A_2, %dma_start3A_162] : memref<4096x256xf32, #tpu.memory_space<hbm>> -> memref<128x64xf32, #tpu.memory_space<hbm>>
    %dma_start3A_164 = arith.constant 0 : i32
    %dma_start3A_165 = arith.constant 0 : i32
    %dma_start3A_166 = tpu.memref_slice %arg19[%dma_start3A_164, %dma_start3A_165] : memref<800x64xf32, #tpu.memory_space<vmem>> -> memref<128x64xf32, #tpu.memory_space<vmem>>
    tpu.enqueue_dma source(%dma_start3A_166 : memref<128x64xf32, #tpu.memory_space<vmem>>) target(%dma_start3A_163 : memref<128x64xf32, #tpu.memory_space<hbm>>) target_semaphore(%arg25 : memref<!tpu.dma_semaphore, #tpu.memory_space<semaphore_mem>>)
    %dma_wait3A_167 = arith.constant 0 : i32
    %dma_wait3A_168 = arith.constant 0 : i32
    %dma_wait3A_169 = tpu.memref_slice %arg20[%dma_wait3A_167, %dma_wait3A_168] : memref<800x64xf32, #tpu.memory_space<vmem>> -> memref<128x64xf32, #tpu.memory_space<vmem>>
    %dma_wait3A_170 = arith.constant 0 : i32
    %dma_wait3A_171 = tpu.memref_slice %arg18[%dma_wait3A_170] : memref<800xi32, #tpu.memory_space<vmem>> -> memref<128xi32, #tpu.memory_space<vmem>>
    %dma_wait3A_172 = arith.constant 0 : i32
    %dma_wait3A_173 = arith.constant 0 : i32
    %dma_wait3A_174 = tpu.memref_slice %arg13[%dma_wait3A_172, %dma_wait3A_173] : memref<200016x64xf32, #tpu.memory_space<hbm>> -> memref<200016x64xf32, #tpu.memory_space<hbm>>
    tpu.wait_indirect_dma semaphore(%arg24 : memref<!tpu.dma_semaphore, #tpu.memory_space<semaphore_mem>>) src(%dma_wait3A_174 : memref<200016x64xf32, #tpu.memory_space<hbm>>) dst(%dma_wait3A_169 : memref<128x64xf32, #tpu.memory_space<vmem>>)
    %dma_start3A_175 = arith.constant 0 : i32
    %dma_start3A_176 = arith.constant 0 : i32
    %dma_start3A_177 = tpu.memref_slice %arg20[%dma_start3A_175, %dma_start3A_176] : memref<800x64xf32, #tpu.memory_space<vmem>> -> memref<128x64xf32, #tpu.memory_space<vmem>>
    %dma_start3A_178 = arith.constant 192 : i32
    %dma_start3A_179 = tpu.memref_slice %arg14[%mul3A_2, %dma_start3A_178] : memref<4096x256xf32, #tpu.memory_space<hbm>> -> memref<128x64xf32, #tpu.memory_space<hbm>>
    %dma_start3A_180 = arith.constant 192 : i32
    %dma_start3A_181 = tpu.memref_slice %arg14[%mul3A_2, %dma_start3A_180] : memref<4096x256xf32, #tpu.memory_space<hbm>> -> memref<128x64xf32, #tpu.memory_space<hbm>>
    %dma_start3A_182 = arith.constant 0 : i32
    %dma_start3A_183 = arith.constant 0 : i32
    %dma_start3A_184 = tpu.memref_slice %arg20[%dma_start3A_182, %dma_start3A_183] : memref<800x64xf32, #tpu.memory_space<vmem>> -> memref<128x64xf32, #tpu.memory_space<vmem>>
    tpu.enqueue_dma source(%dma_start3A_184 : memref<128x64xf32, #tpu.memory_space<vmem>>) target(%dma_start3A_181 : memref<128x64xf32, #tpu.memory_space<hbm>>) target_semaphore(%arg26 : memref<!tpu.dma_semaphore, #tpu.memory_space<semaphore_mem>>)
    %mul3A_185 = arith.constant 6400 : i32
    %mul3A_186 = arith.muli %add3A, %mul3A_185 : i32
    %dma_start3A_187 = arith.constant 0 : i32
    %dma_start3A_188 = tpu.memref_slice %arg17[%dma_start3A_187] : memref<800xi32, #tpu.memory_space<vmem>> -> memref<800xi32, #tpu.memory_space<vmem>>
    %dma_start3A_189 = tpu.memref_slice %arg6[%mul3A_186] : memref<204800xi32, #tpu.memory_space<hbm>> -> memref<800xi32, #tpu.memory_space<hbm>>
    %dma_start3A_190 = arith.constant 0 : i32
    %dma_start3A_191 = tpu.memref_slice %arg17[%dma_start3A_190] : memref<800xi32, #tpu.memory_space<vmem>> -> memref<800xi32, #tpu.memory_space<vmem>>
    %dma_start3A_192 = tpu.memref_slice %arg6[%mul3A_186] : memref<204800xi32, #tpu.memory_space<hbm>> -> memref<800xi32, #tpu.memory_space<hbm>>
    tpu.enqueue_dma source(%dma_start3A_192 : memref<800xi32, #tpu.memory_space<hbm>>) target(%dma_start3A_191 : memref<800xi32, #tpu.memory_space<vmem>>) target_semaphore(%arg21 : memref<!tpu.dma_semaphore, #tpu.memory_space<semaphore_mem>>)
    %add3A_193 = arith.constant 800 : i32
    %add3A_194 = arith.addi %mul3A_186, %add3A_193 : i32
    %dma_start3A_195 = arith.constant 0 : i32
    %dma_start3A_196 = tpu.memref_slice %arg18[%dma_start3A_195] : memref<800xi32, #tpu.memory_space<vmem>> -> memref<800xi32, #tpu.memory_space<vmem>>
    %dma_start3A_197 = tpu.memref_slice %arg6[%add3A_194] : memref<204800xi32, #tpu.memory_space<hbm>> -> memref<800xi32, #tpu.memory_space<hbm>>
    %dma_start3A_198 = arith.constant 0 : i32
    %dma_start3A_199 = tpu.memref_slice %arg18[%dma_start3A_198] : memref<800xi32, #tpu.memory_space<vmem>> -> memref<800xi32, #tpu.memory_space<vmem>>
    %dma_start3A_200 = tpu.memref_slice %arg6[%add3A_194] : memref<204800xi32, #tpu.memory_space<hbm>> -> memref<800xi32, #tpu.memory_space<hbm>>
    tpu.enqueue_dma source(%dma_start3A_200 : memref<800xi32, #tpu.memory_space<hbm>>) target(%dma_start3A_199 : memref<800xi32, #tpu.memory_space<vmem>>) target_semaphore(%arg22 : memref<!tpu.dma_semaphore, #tpu.memory_space<semaphore_mem>>)
    %dma_wait3A_201 = arith.constant 0 : i32
    %dma_wait3A_202 = tpu.memref_slice %arg17[%dma_wait3A_201] : memref<800xi32, #tpu.memory_space<vmem>> -> memref<800xi32, #tpu.memory_space<vmem>>
    %dma_wait3A_203 = arith.constant 0 : i32
    %dma_wait3A_204 = tpu.memref_slice %arg6[%dma_wait3A_203] : memref<204800xi32, #tpu.memory_space<hbm>> -> memref<800xi32, #tpu.memory_space<hbm>>
    %dma_wait3A_205 = arith.constant 0 : i32
    %dma_wait3A_206 = tpu.memref_slice %arg17[%dma_wait3A_205] : memref<800xi32, #tpu.memory_space<vmem>> -> memref<800xi32, #tpu.memory_space<vmem>>
    %dma_wait3A_207 = arith.constant 0 : i32
    %dma_wait3A_208 = tpu.memref_slice %arg6[%dma_wait3A_207] : memref<204800xi32, #tpu.memory_space<hbm>> -> memref<800xi32, #tpu.memory_space<hbm>>
    tpu.wait_dma2 semaphore(%arg21 : memref<!tpu.dma_semaphore, #tpu.memory_space<semaphore_mem>>) src(%dma_wait3A_208 : memref<800xi32, #tpu.memory_space<hbm>>) dst(%dma_wait3A_206 : memref<800xi32, #tpu.memory_space<vmem>>)
    %dma_wait3A_209 = arith.constant 0 : i32
    %dma_wait3A_210 = arith.constant 0 : i32
    %dma_wait3A_211 = tpu.memref_slice %arg19[%dma_wait3A_209, %dma_wait3A_210] : memref<800x64xf32, #tpu.memory_space<vmem>> -> memref<128x64xf32, #tpu.memory_space<vmem>>
    %dma_wait3A_212 = arith.constant 0 : i32
    %dma_wait3A_213 = arith.constant 128 : i32
    %dma_wait3A_214 = tpu.memref_slice %arg14[%dma_wait3A_212, %dma_wait3A_213] : memref<4096x256xf32, #tpu.memory_space<hbm>> -> memref<128x64xf32, #tpu.memory_space<hbm>>
    %dma_wait3A_215 = arith.constant 0 : i32
    %dma_wait3A_216 = arith.constant 128 : i32
    %dma_wait3A_217 = tpu.memref_slice %arg14[%dma_wait3A_215, %dma_wait3A_216] : memref<4096x256xf32, #tpu.memory_space<hbm>> -> memref<128x64xf32, #tpu.memory_space<hbm>>
    %dma_wait3A_218 = arith.constant 0 : i32
    %dma_wait3A_219 = arith.constant 0 : i32
    %dma_wait3A_220 = tpu.memref_slice %arg19[%dma_wait3A_218, %dma_wait3A_219] : memref<800x64xf32, #tpu.memory_space<vmem>> -> memref<128x64xf32, #tpu.memory_space<vmem>>
    tpu.wait_dma2 semaphore(%arg25 : memref<!tpu.dma_semaphore, #tpu.memory_space<semaphore_mem>>) src(%dma_wait3A_220 : memref<128x64xf32, #tpu.memory_space<vmem>>) dst(%dma_wait3A_217 : memref<128x64xf32, #tpu.memory_space<hbm>>)
    %dma_start3A_221 = arith.constant 0 : i32
    %dma_start3A_222 = arith.constant 0 : i32
    %dma_start3A_223 = tpu.memref_slice %arg19[%dma_start3A_221, %dma_start3A_222] : memref<800x64xf32, #tpu.memory_space<vmem>> -> memref<800x64xf32, #tpu.memory_space<vmem>>
    %dma_start3A_224 = arith.constant 0 : i32
    %dma_start3A_225 = tpu.memref_slice %arg17[%dma_start3A_224] : memref<800xi32, #tpu.memory_space<vmem>> -> memref<800xi32, #tpu.memory_space<vmem>>
    %dma_start3A_226 = arith.constant 0 : i32
    %dma_start3A_227 = arith.constant 0 : i32
    %dma_start3A_228 = tpu.memref_slice %arg12[%dma_start3A_226, %dma_start3A_227] : memref<2000016x64xf32, #tpu.memory_space<hbm>> -> memref<2000016x64xf32, #tpu.memory_space<hbm>>
    tpu.enqueue_indirect_dma source(%dma_start3A_228 : memref<2000016x64xf32, #tpu.memory_space<hbm>>) target(%dma_start3A_223 : memref<800x64xf32, #tpu.memory_space<vmem>>) offsets(%dma_start3A_225 : memref<800xi32, #tpu.memory_space<vmem>>) semaphore(%arg23 : memref<!tpu.dma_semaphore, #tpu.memory_space<semaphore_mem>>)
    %dma_wait3A_229 = arith.constant 0 : i32
    %dma_wait3A_230 = tpu.memref_slice %arg18[%dma_wait3A_229] : memref<800xi32, #tpu.memory_space<vmem>> -> memref<800xi32, #tpu.memory_space<vmem>>
    %dma_wait3A_231 = arith.constant 0 : i32
    %dma_wait3A_232 = tpu.memref_slice %arg6[%dma_wait3A_231] : memref<204800xi32, #tpu.memory_space<hbm>> -> memref<800xi32, #tpu.memory_space<hbm>>
    %dma_wait3A_233 = arith.constant 0 : i32
    %dma_wait3A_234 = tpu.memref_slice %arg18[%dma_wait3A_233] : memref<800xi32, #tpu.memory_space<vmem>> -> memref<800xi32, #tpu.memory_space<vmem>>
    %dma_wait3A_235 = arith.constant 0 : i32
    %dma_wait3A_236 = tpu.memref_slice %arg6[%dma_wait3A_235] : memref<204800xi32, #tpu.memory_space<hbm>> -> memref<800xi32, #tpu.memory_space<hbm>>
    tpu.wait_dma2 semaphore(%arg22 : memref<!tpu.dma_semaphore, #tpu.memory_space<semaphore_mem>>) src(%dma_wait3A_236 : memref<800xi32, #tpu.memory_space<hbm>>) dst(%dma_wait3A_234 : memref<800xi32, #tpu.memory_space<vmem>>)
    %dma_wait3A_237 = arith.constant 0 : i32
    %dma_wait3A_238 = arith.constant 0 : i32
    %dma_wait3A_239 = tpu.memref_slice %arg20[%dma_wait3A_237, %dma_wait3A_238] : memref<800x64xf32, #tpu.memory_space<vmem>> -> memref<128x64xf32, #tpu.memory_space<vmem>>
    %dma_wait3A_240 = arith.constant 0 : i32
    %dma_wait3A_241 = arith.constant 192 : i32
    %dma_wait3A_242 = tpu.memref_slice %arg14[%dma_wait3A_240, %dma_wait3A_241] : memref<4096x256xf32, #tpu.memory_space<hbm>> -> memref<128x64xf32, #tpu.memory_space<hbm>>
    %dma_wait3A_243 = arith.constant 0 : i32
    %dma_wait3A_244 = arith.constant 192 : i32
    %dma_wait3A_245 = tpu.memref_slice %arg14[%dma_wait3A_243, %dma_wait3A_244] : memref<4096x256xf32, #tpu.memory_space<hbm>> -> memref<128x64xf32, #tpu.memory_space<hbm>>
    %dma_wait3A_246 = arith.constant 0 : i32
    %dma_wait3A_247 = arith.constant 0 : i32
    %dma_wait3A_248 = tpu.memref_slice %arg20[%dma_wait3A_246, %dma_wait3A_247] : memref<800x64xf32, #tpu.memory_space<vmem>> -> memref<128x64xf32, #tpu.memory_space<vmem>>
    tpu.wait_dma2 semaphore(%arg26 : memref<!tpu.dma_semaphore, #tpu.memory_space<semaphore_mem>>) src(%dma_wait3A_248 : memref<128x64xf32, #tpu.memory_space<vmem>>) dst(%dma_wait3A_245 : memref<128x64xf32, #tpu.memory_space<hbm>>)
    %dma_start3A_249 = arith.constant 0 : i32
    %dma_start3A_250 = arith.constant 0 : i32
    %dma_start3A_251 = tpu.memref_slice %arg20[%dma_start3A_249, %dma_start3A_250] : memref<800x64xf32, #tpu.memory_space<vmem>> -> memref<800x64xf32, #tpu.memory_space<vmem>>
    %dma_start3A_252 = arith.constant 0 : i32
    %dma_start3A_253 = tpu.memref_slice %arg18[%dma_start3A_252] : memref<800xi32, #tpu.memory_space<vmem>> -> memref<800xi32, #tpu.memory_space<vmem>>
    %dma_start3A_254 = arith.constant 0 : i32
    %dma_start3A_255 = arith.constant 0 : i32
    %dma_start3A_256 = tpu.memref_slice %arg12[%dma_start3A_254, %dma_start3A_255] : memref<2000016x64xf32, #tpu.memory_space<hbm>> -> memref<2000016x64xf32, #tpu.memory_space<hbm>>
    tpu.enqueue_indirect_dma source(%dma_start3A_256 : memref<2000016x64xf32, #tpu.memory_space<hbm>>) target(%dma_start3A_251 : memref<800x64xf32, #tpu.memory_space<vmem>>) offsets(%dma_start3A_253 : memref<800xi32, #tpu.memory_space<vmem>>) semaphore(%arg24 : memref<!tpu.dma_semaphore, #tpu.memory_space<semaphore_mem>>)
    %dma_wait3A_257 = arith.constant 0 : i32
    %dma_wait3A_258 = arith.constant 0 : i32
    %dma_wait3A_259 = tpu.memref_slice %arg19[%dma_wait3A_257, %dma_wait3A_258] : memref<800x64xf32, #tpu.memory_space<vmem>> -> memref<800x64xf32, #tpu.memory_space<vmem>>
    %dma_wait3A_260 = arith.constant 0 : i32
    %dma_wait3A_261 = tpu.memref_slice %arg17[%dma_wait3A_260] : memref<800xi32, #tpu.memory_space<vmem>> -> memref<800xi32, #tpu.memory_space<vmem>>
    %dma_wait3A_262 = arith.constant 0 : i32
    %dma_wait3A_263 = arith.constant 0 : i32
    %dma_wait3A_264 = tpu.memref_slice %arg12[%dma_wait3A_262, %dma_wait3A_263] : memref<2000016x64xf32, #tpu.memory_space<hbm>> -> memref<2000016x64xf32, #tpu.memory_space<hbm>>
    tpu.wait_indirect_dma semaphore(%arg23 : memref<!tpu.dma_semaphore, #tpu.memory_space<semaphore_mem>>) src(%dma_wait3A_264 : memref<2000016x64xf32, #tpu.memory_space<hbm>>) dst(%dma_wait3A_259 : memref<800x64xf32, #tpu.memory_space<vmem>>)
    %dma_start3A_265 = arith.constant 0 : i32
    %dma_start3A_266 = arith.constant 0 : i32
    %dma_start3A_267 = tpu.memref_slice %arg19[%dma_start3A_265, %dma_start3A_266] : memref<800x64xf32, #tpu.memory_space<vmem>> -> memref<800x64xf32, #tpu.memory_space<vmem>>
    %dma_start3A_268 = arith.constant 0 : i32
    %dma_start3A_269 = tpu.memref_slice %arg15[%mul3A_186, %dma_start3A_268] : memref<204800x128xf32, #tpu.memory_space<hbm>> -> memref<800x64xf32, #tpu.memory_space<hbm>>
    %dma_start3A_270 = arith.constant 0 : i32
    %dma_start3A_271 = tpu.memref_slice %arg15[%mul3A_186, %dma_start3A_270] : memref<204800x128xf32, #tpu.memory_space<hbm>> -> memref<800x64xf32, #tpu.memory_space<hbm>>
    %dma_start3A_272 = arith.constant 0 : i32
    %dma_start3A_273 = arith.constant 0 : i32
    %dma_start3A_274 = tpu.memref_slice %arg19[%dma_start3A_272, %dma_start3A_273] : memref<800x64xf32, #tpu.memory_space<vmem>> -> memref<800x64xf32, #tpu.memory_space<vmem>>
    tpu.enqueue_dma source(%dma_start3A_274 : memref<800x64xf32, #tpu.memory_space<vmem>>) target(%dma_start3A_271 : memref<800x64xf32, #tpu.memory_space<hbm>>) target_semaphore(%arg25 : memref<!tpu.dma_semaphore, #tpu.memory_space<semaphore_mem>>)
    %add3A_275 = arith.constant 1600 : i32
    %add3A_276 = arith.addi %mul3A_186, %add3A_275 : i32
    %dma_start3A_277 = arith.constant 0 : i32
    %dma_start3A_278 = tpu.memref_slice %arg17[%dma_start3A_277] : memref<800xi32, #tpu.memory_space<vmem>> -> memref<800xi32, #tpu.memory_space<vmem>>
    %dma_start3A_279 = tpu.memref_slice %arg6[%add3A_276] : memref<204800xi32, #tpu.memory_space<hbm>> -> memref<800xi32, #tpu.memory_space<hbm>>
    %dma_start3A_280 = arith.constant 0 : i32
    %dma_start3A_281 = tpu.memref_slice %arg17[%dma_start3A_280] : memref<800xi32, #tpu.memory_space<vmem>> -> memref<800xi32, #tpu.memory_space<vmem>>
    %dma_start3A_282 = tpu.memref_slice %arg6[%add3A_276] : memref<204800xi32, #tpu.memory_space<hbm>> -> memref<800xi32, #tpu.memory_space<hbm>>
    tpu.enqueue_dma source(%dma_start3A_282 : memref<800xi32, #tpu.memory_space<hbm>>) target(%dma_start3A_281 : memref<800xi32, #tpu.memory_space<vmem>>) target_semaphore(%arg21 : memref<!tpu.dma_semaphore, #tpu.memory_space<semaphore_mem>>)
    %dma_wait3A_283 = arith.constant 0 : i32
    %dma_wait3A_284 = arith.constant 0 : i32
    %dma_wait3A_285 = tpu.memref_slice %arg20[%dma_wait3A_283, %dma_wait3A_284] : memref<800x64xf32, #tpu.memory_space<vmem>> -> memref<800x64xf32, #tpu.memory_space<vmem>>
    %dma_wait3A_286 = arith.constant 0 : i32
    %dma_wait3A_287 = tpu.memref_slice %arg18[%dma_wait3A_286] : memref<800xi32, #tpu.memory_space<vmem>> -> memref<800xi32, #tpu.memory_space<vmem>>
    %dma_wait3A_288 = arith.constant 0 : i32
    %dma_wait3A_289 = arith.constant 0 : i32
    %dma_wait3A_290 = tpu.memref_slice %arg12[%dma_wait3A_288, %dma_wait3A_289] : memref<2000016x64xf32, #tpu.memory_space<hbm>> -> memref<2000016x64xf32, #tpu.memory_space<hbm>>
    tpu.wait_indirect_dma semaphore(%arg24 : memref<!tpu.dma_semaphore, #tpu.memory_space<semaphore_mem>>) src(%dma_wait3A_290 : memref<2000016x64xf32, #tpu.memory_space<hbm>>) dst(%dma_wait3A_285 : memref<800x64xf32, #tpu.memory_space<vmem>>)
    %add3A_291 = arith.constant 800 : i32
    %add3A_292 = arith.addi %mul3A_186, %add3A_291 : i32
    %dma_start3A_293 = arith.constant 0 : i32
    %dma_start3A_294 = arith.constant 0 : i32
    %dma_start3A_295 = tpu.memref_slice %arg20[%dma_start3A_293, %dma_start3A_294] : memref<800x64xf32, #tpu.memory_space<vmem>> -> memref<800x64xf32, #tpu.memory_space<vmem>>
    %dma_start3A_296 = arith.constant 0 : i32
    %dma_start3A_297 = tpu.memref_slice %arg15[%add3A_292, %dma_start3A_296] : memref<204800x128xf32, #tpu.memory_space<hbm>> -> memref<800x64xf32, #tpu.memory_space<hbm>>
    %dma_start3A_298 = arith.constant 0 : i32
    %dma_start3A_299 = tpu.memref_slice %arg15[%add3A_292, %dma_start3A_298] : memref<204800x128xf32, #tpu.memory_space<hbm>> -> memref<800x64xf32, #tpu.memory_space<hbm>>
    %dma_start3A_300 = arith.constant 0 : i32
    %dma_start3A_301 = arith.constant 0 : i32
    %dma_start3A_302 = tpu.memref_slice %arg20[%dma_start3A_300, %dma_start3A_301] : memref<800x64xf32, #tpu.memory_space<vmem>> -> memref<800x64xf32, #tpu.memory_space<vmem>>
    tpu.enqueue_dma source(%dma_start3A_302 : memref<800x64xf32, #tpu.memory_space<vmem>>) target(%dma_start3A_299 : memref<800x64xf32, #tpu.memory_space<hbm>>) target_semaphore(%arg26 : memref<!tpu.dma_semaphore, #tpu.memory_space<semaphore_mem>>)
    %add3A_303 = arith.constant 2400 : i32
    %add3A_304 = arith.addi %mul3A_186, %add3A_303 : i32
    %dma_start3A_305 = arith.constant 0 : i32
    %dma_start3A_306 = tpu.memref_slice %arg18[%dma_start3A_305] : memref<800xi32, #tpu.memory_space<vmem>> -> memref<800xi32, #tpu.memory_space<vmem>>
    %dma_start3A_307 = tpu.memref_slice %arg6[%add3A_304] : memref<204800xi32, #tpu.memory_space<hbm>> -> memref<800xi32, #tpu.memory_space<hbm>>
    %dma_start3A_308 = arith.constant 0 : i32
    %dma_start3A_309 = tpu.memref_slice %arg18[%dma_start3A_308] : memref<800xi32, #tpu.memory_space<vmem>> -> memref<800xi32, #tpu.memory_space<vmem>>
    %dma_start3A_310 = tpu.memref_slice %arg6[%add3A_304] : memref<204800xi32, #tpu.memory_space<hbm>> -> memref<800xi32, #tpu.memory_space<hbm>>
    tpu.enqueue_dma source(%dma_start3A_310 : memref<800xi32, #tpu.memory_space<hbm>>) target(%dma_start3A_309 : memref<800xi32, #tpu.memory_space<vmem>>) target_semaphore(%arg22 : memref<!tpu.dma_semaphore, #tpu.memory_space<semaphore_mem>>)
    %scan3A = arith.constant 0 : i32
    %scan3A_311 = arith.constant 1 : i32
    %scan3A_312 = arith.constant 3 : i32
    %scan3A_313 = arith.addi %scan3A_311, %scan3A_312 : i32
    %scan3A_314 = arith.constant 1 : i32
    scf.for %scan3A_794 = %scan3A_311 to %scan3A_313 step %scan3A_314  : i32 {
      %mul3A_795 = arith.constant 2 : i32
      %mul3A_796 = arith.muli %mul3A_795, %scan3A_794 : i32
      %mul3A_797 = arith.constant 800 : i32
      %mul3A_798 = arith.muli %mul3A_796, %mul3A_797 : i32
      %add3A_799 = arith.addi %mul3A_186, %mul3A_798 : i32
      %add3A_800 = arith.constant 800 : i32
      %add3A_801 = arith.addi %add3A_799, %add3A_800 : i32
      %dma_wait3A_802 = arith.constant 0 : i32
      %dma_wait3A_803 = tpu.memref_slice %arg17[%dma_wait3A_802] : memref<800xi32, #tpu.memory_space<vmem>> -> memref<800xi32, #tpu.memory_space<vmem>>
      %dma_wait3A_804 = arith.constant 0 : i32
      %dma_wait3A_805 = tpu.memref_slice %arg6[%dma_wait3A_804] : memref<204800xi32, #tpu.memory_space<hbm>> -> memref<800xi32, #tpu.memory_space<hbm>>
      %dma_wait3A_806 = arith.constant 0 : i32
      %dma_wait3A_807 = tpu.memref_slice %arg17[%dma_wait3A_806] : memref<800xi32, #tpu.memory_space<vmem>> -> memref<800xi32, #tpu.memory_space<vmem>>
      %dma_wait3A_808 = arith.constant 0 : i32
      %dma_wait3A_809 = tpu.memref_slice %arg6[%dma_wait3A_808] : memref<204800xi32, #tpu.memory_space<hbm>> -> memref<800xi32, #tpu.memory_space<hbm>>
      tpu.wait_dma2 semaphore(%arg21 : memref<!tpu.dma_semaphore, #tpu.memory_space<semaphore_mem>>) src(%dma_wait3A_809 : memref<800xi32, #tpu.memory_space<hbm>>) dst(%dma_wait3A_807 : memref<800xi32, #tpu.memory_space<vmem>>)
      %dma_wait3A_810 = arith.constant 0 : i32
      %dma_wait3A_811 = arith.constant 0 : i32
      %dma_wait3A_812 = tpu.memref_slice %arg19[%dma_wait3A_810, %dma_wait3A_811] : memref<800x64xf32, #tpu.memory_space<vmem>> -> memref<800x64xf32, #tpu.memory_space<vmem>>
      %dma_wait3A_813 = arith.constant 0 : i32
      %dma_wait3A_814 = arith.constant 0 : i32
      %dma_wait3A_815 = tpu.memref_slice %arg15[%dma_wait3A_813, %dma_wait3A_814] : memref<204800x128xf32, #tpu.memory_space<hbm>> -> memref<800x64xf32, #tpu.memory_space<hbm>>
      %dma_wait3A_816 = arith.constant 0 : i32
      %dma_wait3A_817 = arith.constant 0 : i32
      %dma_wait3A_818 = tpu.memref_slice %arg15[%dma_wait3A_816, %dma_wait3A_817] : memref<204800x128xf32, #tpu.memory_space<hbm>> -> memref<800x64xf32, #tpu.memory_space<hbm>>
      %dma_wait3A_819 = arith.constant 0 : i32
      %dma_wait3A_820 = arith.constant 0 : i32
      %dma_wait3A_821 = tpu.memref_slice %arg19[%dma_wait3A_819, %dma_wait3A_820] : memref<800x64xf32, #tpu.memory_space<vmem>> -> memref<800x64xf32, #tpu.memory_space<vmem>>
      tpu.wait_dma2 semaphore(%arg25 : memref<!tpu.dma_semaphore, #tpu.memory_space<semaphore_mem>>) src(%dma_wait3A_821 : memref<800x64xf32, #tpu.memory_space<vmem>>) dst(%dma_wait3A_818 : memref<800x64xf32, #tpu.memory_space<hbm>>)
      %dma_start3A_822 = arith.constant 0 : i32
      %dma_start3A_823 = arith.constant 0 : i32
      %dma_start3A_824 = tpu.memref_slice %arg19[%dma_start3A_822, %dma_start3A_823] : memref<800x64xf32, #tpu.memory_space<vmem>> -> memref<800x64xf32, #tpu.memory_space<vmem>>
      %dma_start3A_825 = arith.constant 0 : i32
      %dma_start3A_826 = tpu.memref_slice %arg17[%dma_start3A_825] : memref<800xi32, #tpu.memory_space<vmem>> -> memref<800xi32, #tpu.memory_space<vmem>>
      %dma_start3A_827 = arith.constant 0 : i32
      %dma_start3A_828 = arith.constant 0 : i32
      %dma_start3A_829 = tpu.memref_slice %arg12[%dma_start3A_827, %dma_start3A_828] : memref<2000016x64xf32, #tpu.memory_space<hbm>> -> memref<2000016x64xf32, #tpu.memory_space<hbm>>
      tpu.enqueue_indirect_dma source(%dma_start3A_829 : memref<2000016x64xf32, #tpu.memory_space<hbm>>) target(%dma_start3A_824 : memref<800x64xf32, #tpu.memory_space<vmem>>) offsets(%dma_start3A_826 : memref<800xi32, #tpu.memory_space<vmem>>) semaphore(%arg23 : memref<!tpu.dma_semaphore, #tpu.memory_space<semaphore_mem>>)
      %dma_wait3A_830 = arith.constant 0 : i32
      %dma_wait3A_831 = tpu.memref_slice %arg18[%dma_wait3A_830] : memref<800xi32, #tpu.memory_space<vmem>> -> memref<800xi32, #tpu.memory_space<vmem>>
      %dma_wait3A_832 = arith.constant 0 : i32
      %dma_wait3A_833 = tpu.memref_slice %arg6[%dma_wait3A_832] : memref<204800xi32, #tpu.memory_space<hbm>> -> memref<800xi32, #tpu.memory_space<hbm>>
      %dma_wait3A_834 = arith.constant 0 : i32
      %dma_wait3A_835 = tpu.memref_slice %arg18[%dma_wait3A_834] : memref<800xi32, #tpu.memory_space<vmem>> -> memref<800xi32, #tpu.memory_space<vmem>>
      %dma_wait3A_836 = arith.constant 0 : i32
      %dma_wait3A_837 = tpu.memref_slice %arg6[%dma_wait3A_836] : memref<204800xi32, #tpu.memory_space<hbm>> -> memref<800xi32, #tpu.memory_space<hbm>>
      tpu.wait_dma2 semaphore(%arg22 : memref<!tpu.dma_semaphore, #tpu.memory_space<semaphore_mem>>) src(%dma_wait3A_837 : memref<800xi32, #tpu.memory_space<hbm>>) dst(%dma_wait3A_835 : memref<800xi32, #tpu.memory_space<vmem>>)
      %dma_wait3A_838 = arith.constant 0 : i32
      %dma_wait3A_839 = arith.constant 0 : i32
      %dma_wait3A_840 = tpu.memref_slice %arg20[%dma_wait3A_838, %dma_wait3A_839] : memref<800x64xf32, #tpu.memory_space<vmem>> -> memref<800x64xf32, #tpu.memory_space<vmem>>
      %dma_wait3A_841 = arith.constant 0 : i32
      %dma_wait3A_842 = arith.constant 0 : i32
      %dma_wait3A_843 = tpu.memref_slice %arg15[%dma_wait3A_841, %dma_wait3A_842] : memref<204800x128xf32, #tpu.memory_space<hbm>> -> memref<800x64xf32, #tpu.memory_space<hbm>>
      %dma_wait3A_844 = arith.constant 0 : i32
      %dma_wait3A_845 = arith.constant 0 : i32
      %dma_wait3A_846 = tpu.memref_slice %arg15[%dma_wait3A_844, %dma_wait3A_845] : memref<204800x128xf32, #tpu.memory_space<hbm>> -> memref<800x64xf32, #tpu.memory_space<hbm>>
      %dma_wait3A_847 = arith.constant 0 : i32
      %dma_wait3A_848 = arith.constant 0 : i32
      %dma_wait3A_849 = tpu.memref_slice %arg20[%dma_wait3A_847, %dma_wait3A_848] : memref<800x64xf32, #tpu.memory_space<vmem>> -> memref<800x64xf32, #tpu.memory_space<vmem>>
      tpu.wait_dma2 semaphore(%arg26 : memref<!tpu.dma_semaphore, #tpu.memory_space<semaphore_mem>>) src(%dma_wait3A_849 : memref<800x64xf32, #tpu.memory_space<vmem>>) dst(%dma_wait3A_846 : memref<800x64xf32, #tpu.memory_space<hbm>>)
      %dma_start3A_850 = arith.constant 0 : i32
      %dma_start3A_851 = arith.constant 0 : i32
      %dma_start3A_852 = tpu.memref_slice %arg20[%dma_start3A_850, %dma_start3A_851] : memref<800x64xf32, #tpu.memory_space<vmem>> -> memref<800x64xf32, #tpu.memory_space<vmem>>
      %dma_start3A_853 = arith.constant 0 : i32
      %dma_start3A_854 = tpu.memref_slice %arg18[%dma_start3A_853] : memref<800xi32, #tpu.memory_space<vmem>> -> memref<800xi32, #tpu.memory_space<vmem>>
      %dma_start3A_855 = arith.constant 0 : i32
      %dma_start3A_856 = arith.constant 0 : i32
      %dma_start3A_857 = tpu.memref_slice %arg12[%dma_start3A_855, %dma_start3A_856] : memref<2000016x64xf32, #tpu.memory_space<hbm>> -> memref<2000016x64xf32, #tpu.memory_space<hbm>>
      tpu.enqueue_indirect_dma source(%dma_start3A_857 : memref<2000016x64xf32, #tpu.memory_space<hbm>>) target(%dma_start3A_852 : memref<800x64xf32, #tpu.memory_space<vmem>>) offsets(%dma_start3A_854 : memref<800xi32, #tpu.memory_space<vmem>>) semaphore(%arg24 : memref<!tpu.dma_semaphore, #tpu.memory_space<semaphore_mem>>)
      %add3A_858 = arith.constant 1600 : i32
      %add3A_859 = arith.addi %add3A_799, %add3A_858 : i32
      %min3A = arith.constant 204000 : i32
      %min3A_860 = arith.minsi %add3A_859, %min3A : i32
      %add3A_861 = arith.constant 1600 : i32
      %add3A_862 = arith.addi %add3A_801, %add3A_861 : i32
      %min3A_863 = arith.constant 204000 : i32
      %min3A_864 = arith.minsi %add3A_862, %min3A_863 : i32
      %dma_wait3A_865 = arith.constant 0 : i32
      %dma_wait3A_866 = arith.constant 0 : i32
      %dma_wait3A_867 = tpu.memref_slice %arg19[%dma_wait3A_865, %dma_wait3A_866] : memref<800x64xf32, #tpu.memory_space<vmem>> -> memref<800x64xf32, #tpu.memory_space<vmem>>
      %dma_wait3A_868 = arith.constant 0 : i32
      %dma_wait3A_869 = tpu.memref_slice %arg17[%dma_wait3A_868] : memref<800xi32, #tpu.memory_space<vmem>> -> memref<800xi32, #tpu.memory_space<vmem>>
      %dma_wait3A_870 = arith.constant 0 : i32
      %dma_wait3A_871 = arith.constant 0 : i32
      %dma_wait3A_872 = tpu.memref_slice %arg12[%dma_wait3A_870, %dma_wait3A_871] : memref<2000016x64xf32, #tpu.memory_space<hbm>> -> memref<2000016x64xf32, #tpu.memory_space<hbm>>
      tpu.wait_indirect_dma semaphore(%arg23 : memref<!tpu.dma_semaphore, #tpu.memory_space<semaphore_mem>>) src(%dma_wait3A_872 : memref<2000016x64xf32, #tpu.memory_space<hbm>>) dst(%dma_wait3A_867 : memref<800x64xf32, #tpu.memory_space<vmem>>)
      %dma_start3A_873 = arith.constant 0 : i32
      %dma_start3A_874 = arith.constant 0 : i32
      %dma_start3A_875 = tpu.memref_slice %arg19[%dma_start3A_873, %dma_start3A_874] : memref<800x64xf32, #tpu.memory_space<vmem>> -> memref<800x64xf32, #tpu.memory_space<vmem>>
      %dma_start3A_876 = arith.constant 0 : i32
      %dma_start3A_877 = tpu.memref_slice %arg15[%add3A_799, %dma_start3A_876] : memref<204800x128xf32, #tpu.memory_space<hbm>> -> memref<800x64xf32, #tpu.memory_space<hbm>>
      %dma_start3A_878 = arith.constant 0 : i32
      %dma_start3A_879 = tpu.memref_slice %arg15[%add3A_799, %dma_start3A_878] : memref<204800x128xf32, #tpu.memory_space<hbm>> -> memref<800x64xf32, #tpu.memory_space<hbm>>
      %dma_start3A_880 = arith.constant 0 : i32
      %dma_start3A_881 = arith.constant 0 : i32
      %dma_start3A_882 = tpu.memref_slice %arg19[%dma_start3A_880, %dma_start3A_881] : memref<800x64xf32, #tpu.memory_space<vmem>> -> memref<800x64xf32, #tpu.memory_space<vmem>>
      tpu.enqueue_dma source(%dma_start3A_882 : memref<800x64xf32, #tpu.memory_space<vmem>>) target(%dma_start3A_879 : memref<800x64xf32, #tpu.memory_space<hbm>>) target_semaphore(%arg25 : memref<!tpu.dma_semaphore, #tpu.memory_space<semaphore_mem>>)
      %dma_start3A_883 = arith.constant 0 : i32
      %dma_start3A_884 = tpu.memref_slice %arg17[%dma_start3A_883] : memref<800xi32, #tpu.memory_space<vmem>> -> memref<800xi32, #tpu.memory_space<vmem>>
      %dma_start3A_885 = tpu.memref_slice %arg6[%min3A_860] : memref<204800xi32, #tpu.memory_space<hbm>> -> memref<800xi32, #tpu.memory_space<hbm>>
      %dma_start3A_886 = arith.constant 0 : i32
      %dma_start3A_887 = tpu.memref_slice %arg17[%dma_start3A_886] : memref<800xi32, #tpu.memory_space<vmem>> -> memref<800xi32, #tpu.memory_space<vmem>>
      %dma_start3A_888 = tpu.memref_slice %arg6[%min3A_860] : memref<204800xi32, #tpu.memory_space<hbm>> -> memref<800xi32, #tpu.memory_space<hbm>>
      tpu.enqueue_dma source(%dma_start3A_888 : memref<800xi32, #tpu.memory_space<hbm>>) target(%dma_start3A_887 : memref<800xi32, #tpu.memory_space<vmem>>) target_semaphore(%arg21 : memref<!tpu.dma_semaphore, #tpu.memory_space<semaphore_mem>>)
      %dma_wait3A_889 = arith.constant 0 : i32
      %dma_wait3A_890 = arith.constant 0 : i32
      %dma_wait3A_891 = tpu.memref_slice %arg20[%dma_wait3A_889, %dma_wait3A_890] : memref<800x64xf32, #tpu.memory_space<vmem>> -> memref<800x64xf32, #tpu.memory_space<vmem>>
      %dma_wait3A_892 = arith.constant 0 : i32
      %dma_wait3A_893 = tpu.memref_slice %arg18[%dma_wait3A_892] : memref<800xi32, #tpu.memory_space<vmem>> -> memref<800xi32, #tpu.memory_space<vmem>>
      %dma_wait3A_894 = arith.constant 0 : i32
      %dma_wait3A_895 = arith.constant 0 : i32
      %dma_wait3A_896 = tpu.memref_slice %arg12[%dma_wait3A_894, %dma_wait3A_895] : memref<2000016x64xf32, #tpu.memory_space<hbm>> -> memref<2000016x64xf32, #tpu.memory_space<hbm>>
      tpu.wait_indirect_dma semaphore(%arg24 : memref<!tpu.dma_semaphore, #tpu.memory_space<semaphore_mem>>) src(%dma_wait3A_896 : memref<2000016x64xf32, #tpu.memory_space<hbm>>) dst(%dma_wait3A_891 : memref<800x64xf32, #tpu.memory_space<vmem>>)
      %dma_start3A_897 = arith.constant 0 : i32
      %dma_start3A_898 = arith.constant 0 : i32
      %dma_start3A_899 = tpu.memref_slice %arg20[%dma_start3A_897, %dma_start3A_898] : memref<800x64xf32, #tpu.memory_space<vmem>> -> memref<800x64xf32, #tpu.memory_space<vmem>>
      %dma_start3A_900 = arith.constant 0 : i32
      %dma_start3A_901 = tpu.memref_slice %arg15[%add3A_801, %dma_start3A_900] : memref<204800x128xf32, #tpu.memory_space<hbm>> -> memref<800x64xf32, #tpu.memory_space<hbm>>
      %dma_start3A_902 = arith.constant 0 : i32
      %dma_start3A_903 = tpu.memref_slice %arg15[%add3A_801, %dma_start3A_902] : memref<204800x128xf32, #tpu.memory_space<hbm>> -> memref<800x64xf32, #tpu.memory_space<hbm>>
      %dma_start3A_904 = arith.constant 0 : i32
      %dma_start3A_905 = arith.constant 0 : i32
      %dma_start3A_906 = tpu.memref_slice %arg20[%dma_start3A_904, %dma_start3A_905] : memref<800x64xf32, #tpu.memory_space<vmem>> -> memref<800x64xf32, #tpu.memory_space<vmem>>
      tpu.enqueue_dma source(%dma_start3A_906 : memref<800x64xf32, #tpu.memory_space<vmem>>) target(%dma_start3A_903 : memref<800x64xf32, #tpu.memory_space<hbm>>) target_semaphore(%arg26 : memref<!tpu.dma_semaphore, #tpu.memory_space<semaphore_mem>>)
      %dma_start3A_907 = arith.constant 0 : i32
      %dma_start3A_908 = tpu.memref_slice %arg18[%dma_start3A_907] : memref<800xi32, #tpu.memory_space<vmem>> -> memref<800xi32, #tpu.memory_space<vmem>>
      %dma_start3A_909 = tpu.memref_slice %arg6[%min3A_864] : memref<204800xi32, #tpu.memory_space<hbm>> -> memref<800xi32, #tpu.memory_space<hbm>>
      %dma_start3A_910 = arith.constant 0 : i32
      %dma_start3A_911 = tpu.memref_slice %arg18[%dma_start3A_910] : memref<800xi32, #tpu.memory_space<vmem>> -> memref<800xi32, #tpu.memory_space<vmem>>
      %dma_start3A_912 = tpu.memref_slice %arg6[%min3A_864] : memref<204800xi32, #tpu.memory_space<hbm>> -> memref<800xi32, #tpu.memory_space<hbm>>
      tpu.enqueue_dma source(%dma_start3A_912 : memref<800xi32, #tpu.memory_space<hbm>>) target(%dma_start3A_911 : memref<800xi32, #tpu.memory_space<vmem>>) target_semaphore(%arg22 : memref<!tpu.dma_semaphore, #tpu.memory_space<semaphore_mem>>)
    }
    %scan3A_315 = arith.constant 3 : i32
    %dma_wait3A_316 = arith.constant 0 : i32
    %dma_wait3A_317 = tpu.memref_slice %arg17[%dma_wait3A_316] : memref<800xi32, #tpu.memory_space<vmem>> -> memref<800xi32, #tpu.memory_space<vmem>>
    %dma_wait3A_318 = arith.constant 0 : i32
    %dma_wait3A_319 = tpu.memref_slice %arg6[%dma_wait3A_318] : memref<204800xi32, #tpu.memory_space<hbm>> -> memref<800xi32, #tpu.memory_space<hbm>>
    %dma_wait3A_320 = arith.constant 0 : i32
    %dma_wait3A_321 = tpu.memref_slice %arg17[%dma_wait3A_320] : memref<800xi32, #tpu.memory_space<vmem>> -> memref<800xi32, #tpu.memory_space<vmem>>
    %dma_wait3A_322 = arith.constant 0 : i32
    %dma_wait3A_323 = tpu.memref_slice %arg6[%dma_wait3A_322] : memref<204800xi32, #tpu.memory_space<hbm>> -> memref<800xi32, #tpu.memory_space<hbm>>
    tpu.wait_dma2 semaphore(%arg21 : memref<!tpu.dma_semaphore, #tpu.memory_space<semaphore_mem>>) src(%dma_wait3A_323 : memref<800xi32, #tpu.memory_space<hbm>>) dst(%dma_wait3A_321 : memref<800xi32, #tpu.memory_space<vmem>>)
    %dma_wait3A_324 = arith.constant 0 : i32
    %dma_wait3A_325 = tpu.memref_slice %arg18[%dma_wait3A_324] : memref<800xi32, #tpu.memory_space<vmem>> -> memref<800xi32, #tpu.memory_space<vmem>>
    %dma_wait3A_326 = arith.constant 0 : i32
    %dma_wait3A_327 = tpu.memref_slice %arg6[%dma_wait3A_326] : memref<204800xi32, #tpu.memory_space<hbm>> -> memref<800xi32, #tpu.memory_space<hbm>>
    %dma_wait3A_328 = arith.constant 0 : i32
    %dma_wait3A_329 = tpu.memref_slice %arg18[%dma_wait3A_328] : memref<800xi32, #tpu.memory_space<vmem>> -> memref<800xi32, #tpu.memory_space<vmem>>
    %dma_wait3A_330 = arith.constant 0 : i32
    %dma_wait3A_331 = tpu.memref_slice %arg6[%dma_wait3A_330] : memref<204800xi32, #tpu.memory_space<hbm>> -> memref<800xi32, #tpu.memory_space<hbm>>
    tpu.wait_dma2 semaphore(%arg22 : memref<!tpu.dma_semaphore, #tpu.memory_space<semaphore_mem>>) src(%dma_wait3A_331 : memref<800xi32, #tpu.memory_space<hbm>>) dst(%dma_wait3A_329 : memref<800xi32, #tpu.memory_space<vmem>>)
    %dma_start3A_332 = arith.constant 0 : i32
    %dma_start3A_333 = tpu.memref_slice %arg17[%dma_start3A_332] : memref<800xi32, #tpu.memory_space<vmem>> -> memref<800xi32, #tpu.memory_space<vmem>>
    %dma_start3A_334 = tpu.memref_slice %arg7[%mul3A_186] : memref<204800xi32, #tpu.memory_space<hbm>> -> memref<800xi32, #tpu.memory_space<hbm>>
    %dma_start3A_335 = arith.constant 0 : i32
    %dma_start3A_336 = tpu.memref_slice %arg17[%dma_start3A_335] : memref<800xi32, #tpu.memory_space<vmem>> -> memref<800xi32, #tpu.memory_space<vmem>>
    %dma_start3A_337 = tpu.memref_slice %arg7[%mul3A_186] : memref<204800xi32, #tpu.memory_space<hbm>> -> memref<800xi32, #tpu.memory_space<hbm>>
    tpu.enqueue_dma source(%dma_start3A_337 : memref<800xi32, #tpu.memory_space<hbm>>) target(%dma_start3A_336 : memref<800xi32, #tpu.memory_space<vmem>>) target_semaphore(%arg21 : memref<!tpu.dma_semaphore, #tpu.memory_space<semaphore_mem>>)
    %add3A_338 = arith.constant 800 : i32
    %add3A_339 = arith.addi %mul3A_186, %add3A_338 : i32
    %dma_start3A_340 = arith.constant 0 : i32
    %dma_start3A_341 = tpu.memref_slice %arg18[%dma_start3A_340] : memref<800xi32, #tpu.memory_space<vmem>> -> memref<800xi32, #tpu.memory_space<vmem>>
    %dma_start3A_342 = tpu.memref_slice %arg7[%add3A_339] : memref<204800xi32, #tpu.memory_space<hbm>> -> memref<800xi32, #tpu.memory_space<hbm>>
    %dma_start3A_343 = arith.constant 0 : i32
    %dma_start3A_344 = tpu.memref_slice %arg18[%dma_start3A_343] : memref<800xi32, #tpu.memory_space<vmem>> -> memref<800xi32, #tpu.memory_space<vmem>>
    %dma_start3A_345 = tpu.memref_slice %arg7[%add3A_339] : memref<204800xi32, #tpu.memory_space<hbm>> -> memref<800xi32, #tpu.memory_space<hbm>>
    tpu.enqueue_dma source(%dma_start3A_345 : memref<800xi32, #tpu.memory_space<hbm>>) target(%dma_start3A_344 : memref<800xi32, #tpu.memory_space<vmem>>) target_semaphore(%arg22 : memref<!tpu.dma_semaphore, #tpu.memory_space<semaphore_mem>>)
    %dma_wait3A_346 = arith.constant 0 : i32
    %dma_wait3A_347 = tpu.memref_slice %arg17[%dma_wait3A_346] : memref<800xi32, #tpu.memory_space<vmem>> -> memref<800xi32, #tpu.memory_space<vmem>>
    %dma_wait3A_348 = arith.constant 0 : i32
    %dma_wait3A_349 = tpu.memref_slice %arg7[%dma_wait3A_348] : memref<204800xi32, #tpu.memory_space<hbm>> -> memref<800xi32, #tpu.memory_space<hbm>>
    %dma_wait3A_350 = arith.constant 0 : i32
    %dma_wait3A_351 = tpu.memref_slice %arg17[%dma_wait3A_350] : memref<800xi32, #tpu.memory_space<vmem>> -> memref<800xi32, #tpu.memory_space<vmem>>
    %dma_wait3A_352 = arith.constant 0 : i32
    %dma_wait3A_353 = tpu.memref_slice %arg7[%dma_wait3A_352] : memref<204800xi32, #tpu.memory_space<hbm>> -> memref<800xi32, #tpu.memory_space<hbm>>
    tpu.wait_dma2 semaphore(%arg21 : memref<!tpu.dma_semaphore, #tpu.memory_space<semaphore_mem>>) src(%dma_wait3A_353 : memref<800xi32, #tpu.memory_space<hbm>>) dst(%dma_wait3A_351 : memref<800xi32, #tpu.memory_space<vmem>>)
    %dma_wait3A_354 = arith.constant 0 : i32
    %dma_wait3A_355 = arith.constant 0 : i32
    %dma_wait3A_356 = tpu.memref_slice %arg19[%dma_wait3A_354, %dma_wait3A_355] : memref<800x64xf32, #tpu.memory_space<vmem>> -> memref<800x64xf32, #tpu.memory_space<vmem>>
    %dma_wait3A_357 = arith.constant 0 : i32
    %dma_wait3A_358 = arith.constant 0 : i32
    %dma_wait3A_359 = tpu.memref_slice %arg15[%dma_wait3A_357, %dma_wait3A_358] : memref<204800x128xf32, #tpu.memory_space<hbm>> -> memref<800x64xf32, #tpu.memory_space<hbm>>
    %dma_wait3A_360 = arith.constant 0 : i32
    %dma_wait3A_361 = arith.constant 0 : i32
    %dma_wait3A_362 = tpu.memref_slice %arg15[%dma_wait3A_360, %dma_wait3A_361] : memref<204800x128xf32, #tpu.memory_space<hbm>> -> memref<800x64xf32, #tpu.memory_space<hbm>>
    %dma_wait3A_363 = arith.constant 0 : i32
    %dma_wait3A_364 = arith.constant 0 : i32
    %dma_wait3A_365 = tpu.memref_slice %arg19[%dma_wait3A_363, %dma_wait3A_364] : memref<800x64xf32, #tpu.memory_space<vmem>> -> memref<800x64xf32, #tpu.memory_space<vmem>>
    tpu.wait_dma2 semaphore(%arg25 : memref<!tpu.dma_semaphore, #tpu.memory_space<semaphore_mem>>) src(%dma_wait3A_365 : memref<800x64xf32, #tpu.memory_space<vmem>>) dst(%dma_wait3A_362 : memref<800x64xf32, #tpu.memory_space<hbm>>)
    %dma_start3A_366 = arith.constant 0 : i32
    %dma_start3A_367 = arith.constant 0 : i32
    %dma_start3A_368 = tpu.memref_slice %arg19[%dma_start3A_366, %dma_start3A_367] : memref<800x64xf32, #tpu.memory_space<vmem>> -> memref<800x64xf32, #tpu.memory_space<vmem>>
    %dma_start3A_369 = arith.constant 0 : i32
    %dma_start3A_370 = tpu.memref_slice %arg17[%dma_start3A_369] : memref<800xi32, #tpu.memory_space<vmem>> -> memref<800xi32, #tpu.memory_space<vmem>>
    %dma_start3A_371 = arith.constant 0 : i32
    %dma_start3A_372 = arith.constant 0 : i32
    %dma_start3A_373 = tpu.memref_slice %arg13[%dma_start3A_371, %dma_start3A_372] : memref<200016x64xf32, #tpu.memory_space<hbm>> -> memref<200016x64xf32, #tpu.memory_space<hbm>>
    tpu.enqueue_indirect_dma source(%dma_start3A_373 : memref<200016x64xf32, #tpu.memory_space<hbm>>) target(%dma_start3A_368 : memref<800x64xf32, #tpu.memory_space<vmem>>) offsets(%dma_start3A_370 : memref<800xi32, #tpu.memory_space<vmem>>) semaphore(%arg23 : memref<!tpu.dma_semaphore, #tpu.memory_space<semaphore_mem>>)
    %dma_wait3A_374 = arith.constant 0 : i32
    %dma_wait3A_375 = tpu.memref_slice %arg18[%dma_wait3A_374] : memref<800xi32, #tpu.memory_space<vmem>> -> memref<800xi32, #tpu.memory_space<vmem>>
    %dma_wait3A_376 = arith.constant 0 : i32
    %dma_wait3A_377 = tpu.memref_slice %arg7[%dma_wait3A_376] : memref<204800xi32, #tpu.memory_space<hbm>> -> memref<800xi32, #tpu.memory_space<hbm>>
    %dma_wait3A_378 = arith.constant 0 : i32
    %dma_wait3A_379 = tpu.memref_slice %arg18[%dma_wait3A_378] : memref<800xi32, #tpu.memory_space<vmem>> -> memref<800xi32, #tpu.memory_space<vmem>>
    %dma_wait3A_380 = arith.constant 0 : i32
    %dma_wait3A_381 = tpu.memref_slice %arg7[%dma_wait3A_380] : memref<204800xi32, #tpu.memory_space<hbm>> -> memref<800xi32, #tpu.memory_space<hbm>>
    tpu.wait_dma2 semaphore(%arg22 : memref<!tpu.dma_semaphore, #tpu.memory_space<semaphore_mem>>) src(%dma_wait3A_381 : memref<800xi32, #tpu.memory_space<hbm>>) dst(%dma_wait3A_379 : memref<800xi32, #tpu.memory_space<vmem>>)
    %dma_wait3A_382 = arith.constant 0 : i32
    %dma_wait3A_383 = arith.constant 0 : i32
    %dma_wait3A_384 = tpu.memref_slice %arg20[%dma_wait3A_382, %dma_wait3A_383] : memref<800x64xf32, #tpu.memory_space<vmem>> -> memref<800x64xf32, #tpu.memory_space<vmem>>
    %dma_wait3A_385 = arith.constant 0 : i32
    %dma_wait3A_386 = arith.constant 0 : i32
    %dma_wait3A_387 = tpu.memref_slice %arg15[%dma_wait3A_385, %dma_wait3A_386] : memref<204800x128xf32, #tpu.memory_space<hbm>> -> memref<800x64xf32, #tpu.memory_space<hbm>>
    %dma_wait3A_388 = arith.constant 0 : i32
    %dma_wait3A_389 = arith.constant 0 : i32
    %dma_wait3A_390 = tpu.memref_slice %arg15[%dma_wait3A_388, %dma_wait3A_389] : memref<204800x128xf32, #tpu.memory_space<hbm>> -> memref<800x64xf32, #tpu.memory_space<hbm>>
    %dma_wait3A_391 = arith.constant 0 : i32
    %dma_wait3A_392 = arith.constant 0 : i32
    %dma_wait3A_393 = tpu.memref_slice %arg20[%dma_wait3A_391, %dma_wait3A_392] : memref<800x64xf32, #tpu.memory_space<vmem>> -> memref<800x64xf32, #tpu.memory_space<vmem>>
    tpu.wait_dma2 semaphore(%arg26 : memref<!tpu.dma_semaphore, #tpu.memory_space<semaphore_mem>>) src(%dma_wait3A_393 : memref<800x64xf32, #tpu.memory_space<vmem>>) dst(%dma_wait3A_390 : memref<800x64xf32, #tpu.memory_space<hbm>>)
    %dma_start3A_394 = arith.constant 0 : i32
    %dma_start3A_395 = arith.constant 0 : i32
    %dma_start3A_396 = tpu.memref_slice %arg20[%dma_start3A_394, %dma_start3A_395] : memref<800x64xf32, #tpu.memory_space<vmem>> -> memref<800x64xf32, #tpu.memory_space<vmem>>
    %dma_start3A_397 = arith.constant 0 : i32
    %dma_start3A_398 = tpu.memref_slice %arg18[%dma_start3A_397] : memref<800xi32, #tpu.memory_space<vmem>> -> memref<800xi32, #tpu.memory_space<vmem>>
    %dma_start3A_399 = arith.constant 0 : i32
    %dma_start3A_400 = arith.constant 0 : i32
    %dma_start3A_401 = tpu.memref_slice %arg13[%dma_start3A_399, %dma_start3A_400] : memref<200016x64xf32, #tpu.memory_space<hbm>> -> memref<200016x64xf32, #tpu.memory_space<hbm>>
    tpu.enqueue_indirect_dma source(%dma_start3A_401 : memref<200016x64xf32, #tpu.memory_space<hbm>>) target(%dma_start3A_396 : memref<800x64xf32, #tpu.memory_space<vmem>>) offsets(%dma_start3A_398 : memref<800xi32, #tpu.memory_space<vmem>>) semaphore(%arg24 : memref<!tpu.dma_semaphore, #tpu.memory_space<semaphore_mem>>)
    %dma_wait3A_402 = arith.constant 0 : i32
    %dma_wait3A_403 = arith.constant 0 : i32
    %dma_wait3A_404 = tpu.memref_slice %arg19[%dma_wait3A_402, %dma_wait3A_403] : memref<800x64xf32, #tpu.memory_space<vmem>> -> memref<800x64xf32, #tpu.memory_space<vmem>>
    %dma_wait3A_405 = arith.constant 0 : i32
    %dma_wait3A_406 = tpu.memref_slice %arg17[%dma_wait3A_405] : memref<800xi32, #tpu.memory_space<vmem>> -> memref<800xi32, #tpu.memory_space<vmem>>
    %dma_wait3A_407 = arith.constant 0 : i32
    %dma_wait3A_408 = arith.constant 0 : i32
    %dma_wait3A_409 = tpu.memref_slice %arg13[%dma_wait3A_407, %dma_wait3A_408] : memref<200016x64xf32, #tpu.memory_space<hbm>> -> memref<200016x64xf32, #tpu.memory_space<hbm>>
    tpu.wait_indirect_dma semaphore(%arg23 : memref<!tpu.dma_semaphore, #tpu.memory_space<semaphore_mem>>) src(%dma_wait3A_409 : memref<200016x64xf32, #tpu.memory_space<hbm>>) dst(%dma_wait3A_404 : memref<800x64xf32, #tpu.memory_space<vmem>>)
    %dma_start3A_410 = arith.constant 0 : i32
    %dma_start3A_411 = arith.constant 0 : i32
    %dma_start3A_412 = tpu.memref_slice %arg19[%dma_start3A_410, %dma_start3A_411] : memref<800x64xf32, #tpu.memory_space<vmem>> -> memref<800x64xf32, #tpu.memory_space<vmem>>
    %dma_start3A_413 = arith.constant 64 : i32
    %dma_start3A_414 = tpu.memref_slice %arg15[%mul3A_186, %dma_start3A_413] : memref<204800x128xf32, #tpu.memory_space<hbm>> -> memref<800x64xf32, #tpu.memory_space<hbm>>
    %dma_start3A_415 = arith.constant 64 : i32
    %dma_start3A_416 = tpu.memref_slice %arg15[%mul3A_186, %dma_start3A_415] : memref<204800x128xf32, #tpu.memory_space<hbm>> -> memref<800x64xf32, #tpu.memory_space<hbm>>
    %dma_start3A_417 = arith.constant 0 : i32
    %dma_start3A_418 = arith.constant 0 : i32
    %dma_start3A_419 = tpu.memref_slice %arg19[%dma_start3A_417, %dma_start3A_418] : memref<800x64xf32, #tpu.memory_space<vmem>> -> memref<800x64xf32, #tpu.memory_space<vmem>>
    tpu.enqueue_dma source(%dma_start3A_419 : memref<800x64xf32, #tpu.memory_space<vmem>>) target(%dma_start3A_416 : memref<800x64xf32, #tpu.memory_space<hbm>>) target_semaphore(%arg25 : memref<!tpu.dma_semaphore, #tpu.memory_space<semaphore_mem>>)
    %add3A_420 = arith.constant 1600 : i32
    %add3A_421 = arith.addi %mul3A_186, %add3A_420 : i32
    %dma_start3A_422 = arith.constant 0 : i32
    %dma_start3A_423 = tpu.memref_slice %arg17[%dma_start3A_422] : memref<800xi32, #tpu.memory_space<vmem>> -> memref<800xi32, #tpu.memory_space<vmem>>
    %dma_start3A_424 = tpu.memref_slice %arg7[%add3A_421] : memref<204800xi32, #tpu.memory_space<hbm>> -> memref<800xi32, #tpu.memory_space<hbm>>
    %dma_start3A_425 = arith.constant 0 : i32
    %dma_start3A_426 = tpu.memref_slice %arg17[%dma_start3A_425] : memref<800xi32, #tpu.memory_space<vmem>> -> memref<800xi32, #tpu.memory_space<vmem>>
    %dma_start3A_427 = tpu.memref_slice %arg7[%add3A_421] : memref<204800xi32, #tpu.memory_space<hbm>> -> memref<800xi32, #tpu.memory_space<hbm>>
    tpu.enqueue_dma source(%dma_start3A_427 : memref<800xi32, #tpu.memory_space<hbm>>) target(%dma_start3A_426 : memref<800xi32, #tpu.memory_space<vmem>>) target_semaphore(%arg21 : memref<!tpu.dma_semaphore, #tpu.memory_space<semaphore_mem>>)
    %dma_wait3A_428 = arith.constant 0 : i32
    %dma_wait3A_429 = arith.constant 0 : i32
    %dma_wait3A_430 = tpu.memref_slice %arg20[%dma_wait3A_428, %dma_wait3A_429] : memref<800x64xf32, #tpu.memory_space<vmem>> -> memref<800x64xf32, #tpu.memory_space<vmem>>
    %dma_wait3A_431 = arith.constant 0 : i32
    %dma_wait3A_432 = tpu.memref_slice %arg18[%dma_wait3A_431] : memref<800xi32, #tpu.memory_space<vmem>> -> memref<800xi32, #tpu.memory_space<vmem>>
    %dma_wait3A_433 = arith.constant 0 : i32
    %dma_wait3A_434 = arith.constant 0 : i32
    %dma_wait3A_435 = tpu.memref_slice %arg13[%dma_wait3A_433, %dma_wait3A_434] : memref<200016x64xf32, #tpu.memory_space<hbm>> -> memref<200016x64xf32, #tpu.memory_space<hbm>>
    tpu.wait_indirect_dma semaphore(%arg24 : memref<!tpu.dma_semaphore, #tpu.memory_space<semaphore_mem>>) src(%dma_wait3A_435 : memref<200016x64xf32, #tpu.memory_space<hbm>>) dst(%dma_wait3A_430 : memref<800x64xf32, #tpu.memory_space<vmem>>)
    %add3A_436 = arith.constant 800 : i32
    %add3A_437 = arith.addi %mul3A_186, %add3A_436 : i32
    %dma_start3A_438 = arith.constant 0 : i32
    %dma_start3A_439 = arith.constant 0 : i32
    %dma_start3A_440 = tpu.memref_slice %arg20[%dma_start3A_438, %dma_start3A_439] : memref<800x64xf32, #tpu.memory_space<vmem>> -> memref<800x64xf32, #tpu.memory_space<vmem>>
    %dma_start3A_441 = arith.constant 64 : i32
    %dma_start3A_442 = tpu.memref_slice %arg15[%add3A_437, %dma_start3A_441] : memref<204800x128xf32, #tpu.memory_space<hbm>> -> memref<800x64xf32, #tpu.memory_space<hbm>>
    %dma_start3A_443 = arith.constant 64 : i32
    %dma_start3A_444 = tpu.memref_slice %arg15[%add3A_437, %dma_start3A_443] : memref<204800x128xf32, #tpu.memory_space<hbm>> -> memref<800x64xf32, #tpu.memory_space<hbm>>
    %dma_start3A_445 = arith.constant 0 : i32
    %dma_start3A_446 = arith.constant 0 : i32
    %dma_start3A_447 = tpu.memref_slice %arg20[%dma_start3A_445, %dma_start3A_446] : memref<800x64xf32, #tpu.memory_space<vmem>> -> memref<800x64xf32, #tpu.memory_space<vmem>>
    tpu.enqueue_dma source(%dma_start3A_447 : memref<800x64xf32, #tpu.memory_space<vmem>>) target(%dma_start3A_444 : memref<800x64xf32, #tpu.memory_space<hbm>>) target_semaphore(%arg26 : memref<!tpu.dma_semaphore, #tpu.memory_space<semaphore_mem>>)
    %add3A_448 = arith.constant 2400 : i32
    %add3A_449 = arith.addi %mul3A_186, %add3A_448 : i32
    %dma_start3A_450 = arith.constant 0 : i32
    %dma_start3A_451 = tpu.memref_slice %arg18[%dma_start3A_450] : memref<800xi32, #tpu.memory_space<vmem>> -> memref<800xi32, #tpu.memory_space<vmem>>
    %dma_start3A_452 = tpu.memref_slice %arg7[%add3A_449] : memref<204800xi32, #tpu.memory_space<hbm>> -> memref<800xi32, #tpu.memory_space<hbm>>
    %dma_start3A_453 = arith.constant 0 : i32
    %dma_start3A_454 = tpu.memref_slice %arg18[%dma_start3A_453] : memref<800xi32, #tpu.memory_space<vmem>> -> memref<800xi32, #tpu.memory_space<vmem>>
    %dma_start3A_455 = tpu.memref_slice %arg7[%add3A_449] : memref<204800xi32, #tpu.memory_space<hbm>> -> memref<800xi32, #tpu.memory_space<hbm>>
    tpu.enqueue_dma source(%dma_start3A_455 : memref<800xi32, #tpu.memory_space<hbm>>) target(%dma_start3A_454 : memref<800xi32, #tpu.memory_space<vmem>>) target_semaphore(%arg22 : memref<!tpu.dma_semaphore, #tpu.memory_space<semaphore_mem>>)
    %scan3A_456 = arith.constant 0 : i32
    %scan3A_457 = arith.constant 1 : i32
    %scan3A_458 = arith.constant 3 : i32
    %scan3A_459 = arith.addi %scan3A_457, %scan3A_458 : i32
    %scan3A_460 = arith.constant 1 : i32
    scf.for %scan3A_794 = %scan3A_457 to %scan3A_459 step %scan3A_460  : i32 {
      %mul3A_795 = arith.constant 2 : i32
      %mul3A_796 = arith.muli %mul3A_795, %scan3A_794 : i32
      %mul3A_797 = arith.constant 800 : i32
      %mul3A_798 = arith.muli %mul3A_796, %mul3A_797 : i32
      %add3A_799 = arith.addi %mul3A_186, %mul3A_798 : i32
      %add3A_800 = arith.constant 800 : i32
      %add3A_801 = arith.addi %add3A_799, %add3A_800 : i32
      %dma_wait3A_802 = arith.constant 0 : i32
      %dma_wait3A_803 = tpu.memref_slice %arg17[%dma_wait3A_802] : memref<800xi32, #tpu.memory_space<vmem>> -> memref<800xi32, #tpu.memory_space<vmem>>
      %dma_wait3A_804 = arith.constant 0 : i32
      %dma_wait3A_805 = tpu.memref_slice %arg7[%dma_wait3A_804] : memref<204800xi32, #tpu.memory_space<hbm>> -> memref<800xi32, #tpu.memory_space<hbm>>
      %dma_wait3A_806 = arith.constant 0 : i32
      %dma_wait3A_807 = tpu.memref_slice %arg17[%dma_wait3A_806] : memref<800xi32, #tpu.memory_space<vmem>> -> memref<800xi32, #tpu.memory_space<vmem>>
      %dma_wait3A_808 = arith.constant 0 : i32
      %dma_wait3A_809 = tpu.memref_slice %arg7[%dma_wait3A_808] : memref<204800xi32, #tpu.memory_space<hbm>> -> memref<800xi32, #tpu.memory_space<hbm>>
      tpu.wait_dma2 semaphore(%arg21 : memref<!tpu.dma_semaphore, #tpu.memory_space<semaphore_mem>>) src(%dma_wait3A_809 : memref<800xi32, #tpu.memory_space<hbm>>) dst(%dma_wait3A_807 : memref<800xi32, #tpu.memory_space<vmem>>)
      %dma_wait3A_810 = arith.constant 0 : i32
      %dma_wait3A_811 = arith.constant 0 : i32
      %dma_wait3A_812 = tpu.memref_slice %arg19[%dma_wait3A_810, %dma_wait3A_811] : memref<800x64xf32, #tpu.memory_space<vmem>> -> memref<800x64xf32, #tpu.memory_space<vmem>>
      %dma_wait3A_813 = arith.constant 0 : i32
      %dma_wait3A_814 = arith.constant 64 : i32
      %dma_wait3A_815 = tpu.memref_slice %arg15[%dma_wait3A_813, %dma_wait3A_814] : memref<204800x128xf32, #tpu.memory_space<hbm>> -> memref<800x64xf32, #tpu.memory_space<hbm>>
      %dma_wait3A_816 = arith.constant 0 : i32
      %dma_wait3A_817 = arith.constant 64 : i32
      %dma_wait3A_818 = tpu.memref_slice %arg15[%dma_wait3A_816, %dma_wait3A_817] : memref<204800x128xf32, #tpu.memory_space<hbm>> -> memref<800x64xf32, #tpu.memory_space<hbm>>
      %dma_wait3A_819 = arith.constant 0 : i32
      %dma_wait3A_820 = arith.constant 0 : i32
      %dma_wait3A_821 = tpu.memref_slice %arg19[%dma_wait3A_819, %dma_wait3A_820] : memref<800x64xf32, #tpu.memory_space<vmem>> -> memref<800x64xf32, #tpu.memory_space<vmem>>
      tpu.wait_dma2 semaphore(%arg25 : memref<!tpu.dma_semaphore, #tpu.memory_space<semaphore_mem>>) src(%dma_wait3A_821 : memref<800x64xf32, #tpu.memory_space<vmem>>) dst(%dma_wait3A_818 : memref<800x64xf32, #tpu.memory_space<hbm>>)
      %dma_start3A_822 = arith.constant 0 : i32
      %dma_start3A_823 = arith.constant 0 : i32
      %dma_start3A_824 = tpu.memref_slice %arg19[%dma_start3A_822, %dma_start3A_823] : memref<800x64xf32, #tpu.memory_space<vmem>> -> memref<800x64xf32, #tpu.memory_space<vmem>>
      %dma_start3A_825 = arith.constant 0 : i32
      %dma_start3A_826 = tpu.memref_slice %arg17[%dma_start3A_825] : memref<800xi32, #tpu.memory_space<vmem>> -> memref<800xi32, #tpu.memory_space<vmem>>
      %dma_start3A_827 = arith.constant 0 : i32
      %dma_start3A_828 = arith.constant 0 : i32
      %dma_start3A_829 = tpu.memref_slice %arg13[%dma_start3A_827, %dma_start3A_828] : memref<200016x64xf32, #tpu.memory_space<hbm>> -> memref<200016x64xf32, #tpu.memory_space<hbm>>
      tpu.enqueue_indirect_dma source(%dma_start3A_829 : memref<200016x64xf32, #tpu.memory_space<hbm>>) target(%dma_start3A_824 : memref<800x64xf32, #tpu.memory_space<vmem>>) offsets(%dma_start3A_826 : memref<800xi32, #tpu.memory_space<vmem>>) semaphore(%arg23 : memref<!tpu.dma_semaphore, #tpu.memory_space<semaphore_mem>>)
      %dma_wait3A_830 = arith.constant 0 : i32
      %dma_wait3A_831 = tpu.memref_slice %arg18[%dma_wait3A_830] : memref<800xi32, #tpu.memory_space<vmem>> -> memref<800xi32, #tpu.memory_space<vmem>>
      %dma_wait3A_832 = arith.constant 0 : i32
      %dma_wait3A_833 = tpu.memref_slice %arg7[%dma_wait3A_832] : memref<204800xi32, #tpu.memory_space<hbm>> -> memref<800xi32, #tpu.memory_space<hbm>>
      %dma_wait3A_834 = arith.constant 0 : i32
      %dma_wait3A_835 = tpu.memref_slice %arg18[%dma_wait3A_834] : memref<800xi32, #tpu.memory_space<vmem>> -> memref<800xi32, #tpu.memory_space<vmem>>
      %dma_wait3A_836 = arith.constant 0 : i32
      %dma_wait3A_837 = tpu.memref_slice %arg7[%dma_wait3A_836] : memref<204800xi32, #tpu.memory_space<hbm>> -> memref<800xi32, #tpu.memory_space<hbm>>
      tpu.wait_dma2 semaphore(%arg22 : memref<!tpu.dma_semaphore, #tpu.memory_space<semaphore_mem>>) src(%dma_wait3A_837 : memref<800xi32, #tpu.memory_space<hbm>>) dst(%dma_wait3A_835 : memref<800xi32, #tpu.memory_space<vmem>>)
      %dma_wait3A_838 = arith.constant 0 : i32
      %dma_wait3A_839 = arith.constant 0 : i32
      %dma_wait3A_840 = tpu.memref_slice %arg20[%dma_wait3A_838, %dma_wait3A_839] : memref<800x64xf32, #tpu.memory_space<vmem>> -> memref<800x64xf32, #tpu.memory_space<vmem>>
      %dma_wait3A_841 = arith.constant 0 : i32
      %dma_wait3A_842 = arith.constant 64 : i32
      %dma_wait3A_843 = tpu.memref_slice %arg15[%dma_wait3A_841, %dma_wait3A_842] : memref<204800x128xf32, #tpu.memory_space<hbm>> -> memref<800x64xf32, #tpu.memory_space<hbm>>
      %dma_wait3A_844 = arith.constant 0 : i32
      %dma_wait3A_845 = arith.constant 64 : i32
      %dma_wait3A_846 = tpu.memref_slice %arg15[%dma_wait3A_844, %dma_wait3A_845] : memref<204800x128xf32, #tpu.memory_space<hbm>> -> memref<800x64xf32, #tpu.memory_space<hbm>>
      %dma_wait3A_847 = arith.constant 0 : i32
      %dma_wait3A_848 = arith.constant 0 : i32
      %dma_wait3A_849 = tpu.memref_slice %arg20[%dma_wait3A_847, %dma_wait3A_848] : memref<800x64xf32, #tpu.memory_space<vmem>> -> memref<800x64xf32, #tpu.memory_space<vmem>>
      tpu.wait_dma2 semaphore(%arg26 : memref<!tpu.dma_semaphore, #tpu.memory_space<semaphore_mem>>) src(%dma_wait3A_849 : memref<800x64xf32, #tpu.memory_space<vmem>>) dst(%dma_wait3A_846 : memref<800x64xf32, #tpu.memory_space<hbm>>)
      %dma_start3A_850 = arith.constant 0 : i32
      %dma_start3A_851 = arith.constant 0 : i32
      %dma_start3A_852 = tpu.memref_slice %arg20[%dma_start3A_850, %dma_start3A_851] : memref<800x64xf32, #tpu.memory_space<vmem>> -> memref<800x64xf32, #tpu.memory_space<vmem>>
      %dma_start3A_853 = arith.constant 0 : i32
      %dma_start3A_854 = tpu.memref_slice %arg18[%dma_start3A_853] : memref<800xi32, #tpu.memory_space<vmem>> -> memref<800xi32, #tpu.memory_space<vmem>>
      %dma_start3A_855 = arith.constant 0 : i32
      %dma_start3A_856 = arith.constant 0 : i32
      %dma_start3A_857 = tpu.memref_slice %arg13[%dma_start3A_855, %dma_start3A_856] : memref<200016x64xf32, #tpu.memory_space<hbm>> -> memref<200016x64xf32, #tpu.memory_space<hbm>>
      tpu.enqueue_indirect_dma source(%dma_start3A_857 : memref<200016x64xf32, #tpu.memory_space<hbm>>) target(%dma_start3A_852 : memref<800x64xf32, #tpu.memory_space<vmem>>) offsets(%dma_start3A_854 : memref<800xi32, #tpu.memory_space<vmem>>) semaphore(%arg24 : memref<!tpu.dma_semaphore, #tpu.memory_space<semaphore_mem>>)
      %add3A_858 = arith.constant 1600 : i32
      %add3A_859 = arith.addi %add3A_799, %add3A_858 : i32
      %min3A = arith.constant 204000 : i32
      %min3A_860 = arith.minsi %add3A_859, %min3A : i32
      %add3A_861 = arith.constant 1600 : i32
      %add3A_862 = arith.addi %add3A_801, %add3A_861 : i32
      %min3A_863 = arith.constant 204000 : i32
      %min3A_864 = arith.minsi %add3A_862, %min3A_863 : i32
      %dma_wait3A_865 = arith.constant 0 : i32
      %dma_wait3A_866 = arith.constant 0 : i32
      %dma_wait3A_867 = tpu.memref_slice %arg19[%dma_wait3A_865, %dma_wait3A_866] : memref<800x64xf32, #tpu.memory_space<vmem>> -> memref<800x64xf32, #tpu.memory_space<vmem>>
      %dma_wait3A_868 = arith.constant 0 : i32
      %dma_wait3A_869 = tpu.memref_slice %arg17[%dma_wait3A_868] : memref<800xi32, #tpu.memory_space<vmem>> -> memref<800xi32, #tpu.memory_space<vmem>>
      %dma_wait3A_870 = arith.constant 0 : i32
      %dma_wait3A_871 = arith.constant 0 : i32
      %dma_wait3A_872 = tpu.memref_slice %arg13[%dma_wait3A_870, %dma_wait3A_871] : memref<200016x64xf32, #tpu.memory_space<hbm>> -> memref<200016x64xf32, #tpu.memory_space<hbm>>
      tpu.wait_indirect_dma semaphore(%arg23 : memref<!tpu.dma_semaphore, #tpu.memory_space<semaphore_mem>>) src(%dma_wait3A_872 : memref<200016x64xf32, #tpu.memory_space<hbm>>) dst(%dma_wait3A_867 : memref<800x64xf32, #tpu.memory_space<vmem>>)
      %dma_start3A_873 = arith.constant 0 : i32
      %dma_start3A_874 = arith.constant 0 : i32
      %dma_start3A_875 = tpu.memref_slice %arg19[%dma_start3A_873, %dma_start3A_874] : memref<800x64xf32, #tpu.memory_space<vmem>> -> memref<800x64xf32, #tpu.memory_space<vmem>>
      %dma_start3A_876 = arith.constant 64 : i32
      %dma_start3A_877 = tpu.memref_slice %arg15[%add3A_799, %dma_start3A_876] : memref<204800x128xf32, #tpu.memory_space<hbm>> -> memref<800x64xf32, #tpu.memory_space<hbm>>
      %dma_start3A_878 = arith.constant 64 : i32
      %dma_start3A_879 = tpu.memref_slice %arg15[%add3A_799, %dma_start3A_878] : memref<204800x128xf32, #tpu.memory_space<hbm>> -> memref<800x64xf32, #tpu.memory_space<hbm>>
      %dma_start3A_880 = arith.constant 0 : i32
      %dma_start3A_881 = arith.constant 0 : i32
      %dma_start3A_882 = tpu.memref_slice %arg19[%dma_start3A_880, %dma_start3A_881] : memref<800x64xf32, #tpu.memory_space<vmem>> -> memref<800x64xf32, #tpu.memory_space<vmem>>
      tpu.enqueue_dma source(%dma_start3A_882 : memref<800x64xf32, #tpu.memory_space<vmem>>) target(%dma_start3A_879 : memref<800x64xf32, #tpu.memory_space<hbm>>) target_semaphore(%arg25 : memref<!tpu.dma_semaphore, #tpu.memory_space<semaphore_mem>>)
      %dma_start3A_883 = arith.constant 0 : i32
      %dma_start3A_884 = tpu.memref_slice %arg17[%dma_start3A_883] : memref<800xi32, #tpu.memory_space<vmem>> -> memref<800xi32, #tpu.memory_space<vmem>>
      %dma_start3A_885 = tpu.memref_slice %arg7[%min3A_860] : memref<204800xi32, #tpu.memory_space<hbm>> -> memref<800xi32, #tpu.memory_space<hbm>>
      %dma_start3A_886 = arith.constant 0 : i32
      %dma_start3A_887 = tpu.memref_slice %arg17[%dma_start3A_886] : memref<800xi32, #tpu.memory_space<vmem>> -> memref<800xi32, #tpu.memory_space<vmem>>
      %dma_start3A_888 = tpu.memref_slice %arg7[%min3A_860] : memref<204800xi32, #tpu.memory_space<hbm>> -> memref<800xi32, #tpu.memory_space<hbm>>
      tpu.enqueue_dma source(%dma_start3A_888 : memref<800xi32, #tpu.memory_space<hbm>>) target(%dma_start3A_887 : memref<800xi32, #tpu.memory_space<vmem>>) target_semaphore(%arg21 : memref<!tpu.dma_semaphore, #tpu.memory_space<semaphore_mem>>)
      %dma_wait3A_889 = arith.constant 0 : i32
      %dma_wait3A_890 = arith.constant 0 : i32
      %dma_wait3A_891 = tpu.memref_slice %arg20[%dma_wait3A_889, %dma_wait3A_890] : memref<800x64xf32, #tpu.memory_space<vmem>> -> memref<800x64xf32, #tpu.memory_space<vmem>>
      %dma_wait3A_892 = arith.constant 0 : i32
      %dma_wait3A_893 = tpu.memref_slice %arg18[%dma_wait3A_892] : memref<800xi32, #tpu.memory_space<vmem>> -> memref<800xi32, #tpu.memory_space<vmem>>
      %dma_wait3A_894 = arith.constant 0 : i32
      %dma_wait3A_895 = arith.constant 0 : i32
      %dma_wait3A_896 = tpu.memref_slice %arg13[%dma_wait3A_894, %dma_wait3A_895] : memref<200016x64xf32, #tpu.memory_space<hbm>> -> memref<200016x64xf32, #tpu.memory_space<hbm>>
      tpu.wait_indirect_dma semaphore(%arg24 : memref<!tpu.dma_semaphore, #tpu.memory_space<semaphore_mem>>) src(%dma_wait3A_896 : memref<200016x64xf32, #tpu.memory_space<hbm>>) dst(%dma_wait3A_891 : memref<800x64xf32, #tpu.memory_space<vmem>>)
      %dma_start3A_897 = arith.constant 0 : i32
      %dma_start3A_898 = arith.constant 0 : i32
      %dma_start3A_899 = tpu.memref_slice %arg20[%dma_start3A_897, %dma_start3A_898] : memref<800x64xf32, #tpu.memory_space<vmem>> -> memref<800x64xf32, #tpu.memory_space<vmem>>
      %dma_start3A_900 = arith.constant 64 : i32
      %dma_start3A_901 = tpu.memref_slice %arg15[%add3A_801, %dma_start3A_900] : memref<204800x128xf32, #tpu.memory_space<hbm>> -> memref<800x64xf32, #tpu.memory_space<hbm>>
      %dma_start3A_902 = arith.constant 64 : i32
      %dma_start3A_903 = tpu.memref_slice %arg15[%add3A_801, %dma_start3A_902] : memref<204800x128xf32, #tpu.memory_space<hbm>> -> memref<800x64xf32, #tpu.memory_space<hbm>>
      %dma_start3A_904 = arith.constant 0 : i32
      %dma_start3A_905 = arith.constant 0 : i32
      %dma_start3A_906 = tpu.memref_slice %arg20[%dma_start3A_904, %dma_start3A_905] : memref<800x64xf32, #tpu.memory_space<vmem>> -> memref<800x64xf32, #tpu.memory_space<vmem>>
      tpu.enqueue_dma source(%dma_start3A_906 : memref<800x64xf32, #tpu.memory_space<vmem>>) target(%dma_start3A_903 : memref<800x64xf32, #tpu.memory_space<hbm>>) target_semaphore(%arg26 : memref<!tpu.dma_semaphore, #tpu.memory_space<semaphore_mem>>)
      %dma_start3A_907 = arith.constant 0 : i32
      %dma_start3A_908 = tpu.memref_slice %arg18[%dma_start3A_907] : memref<800xi32, #tpu.memory_space<vmem>> -> memref<800xi32, #tpu.memory_space<vmem>>
      %dma_start3A_909 = tpu.memref_slice %arg7[%min3A_864] : memref<204800xi32, #tpu.memory_space<hbm>> -> memref<800xi32, #tpu.memory_space<hbm>>
      %dma_start3A_910 = arith.constant 0 : i32
      %dma_start3A_911 = tpu.memref_slice %arg18[%dma_start3A_910] : memref<800xi32, #tpu.memory_space<vmem>> -> memref<800xi32, #tpu.memory_space<vmem>>
      %dma_start3A_912 = tpu.memref_slice %arg7[%min3A_864] : memref<204800xi32, #tpu.memory_space<hbm>> -> memref<800xi32, #tpu.memory_space<hbm>>
      tpu.enqueue_dma source(%dma_start3A_912 : memref<800xi32, #tpu.memory_space<hbm>>) target(%dma_start3A_911 : memref<800xi32, #tpu.memory_space<vmem>>) target_semaphore(%arg22 : memref<!tpu.dma_semaphore, #tpu.memory_space<semaphore_mem>>)
    }
    %scan3A_461 = arith.constant 3 : i32
    %dma_wait3A_462 = arith.constant 0 : i32
    %dma_wait3A_463 = tpu.memref_slice %arg17[%dma_wait3A_462] : memref<800xi32, #tpu.memory_space<vmem>> -> memref<800xi32, #tpu.memory_space<vmem>>
    %dma_wait3A_464 = arith.constant 0 : i32
    %dma_wait3A_465 = tpu.memref_slice %arg7[%dma_wait3A_464] : memref<204800xi32, #tpu.memory_space<hbm>> -> memref<800xi32, #tpu.memory_space<hbm>>
    %dma_wait3A_466 = arith.constant 0 : i32
    %dma_wait3A_467 = tpu.memref_slice %arg17[%dma_wait3A_466] : memref<800xi32, #tpu.memory_space<vmem>> -> memref<800xi32, #tpu.memory_space<vmem>>
    %dma_wait3A_468 = arith.constant 0 : i32
    %dma_wait3A_469 = tpu.memref_slice %arg7[%dma_wait3A_468] : memref<204800xi32, #tpu.memory_space<hbm>> -> memref<800xi32, #tpu.memory_space<hbm>>
    tpu.wait_dma2 semaphore(%arg21 : memref<!tpu.dma_semaphore, #tpu.memory_space<semaphore_mem>>) src(%dma_wait3A_469 : memref<800xi32, #tpu.memory_space<hbm>>) dst(%dma_wait3A_467 : memref<800xi32, #tpu.memory_space<vmem>>)
    %dma_wait3A_470 = arith.constant 0 : i32
    %dma_wait3A_471 = tpu.memref_slice %arg18[%dma_wait3A_470] : memref<800xi32, #tpu.memory_space<vmem>> -> memref<800xi32, #tpu.memory_space<vmem>>
    %dma_wait3A_472 = arith.constant 0 : i32
    %dma_wait3A_473 = tpu.memref_slice %arg7[%dma_wait3A_472] : memref<204800xi32, #tpu.memory_space<hbm>> -> memref<800xi32, #tpu.memory_space<hbm>>
    %dma_wait3A_474 = arith.constant 0 : i32
    %dma_wait3A_475 = tpu.memref_slice %arg18[%dma_wait3A_474] : memref<800xi32, #tpu.memory_space<vmem>> -> memref<800xi32, #tpu.memory_space<vmem>>
    %dma_wait3A_476 = arith.constant 0 : i32
    %dma_wait3A_477 = tpu.memref_slice %arg7[%dma_wait3A_476] : memref<204800xi32, #tpu.memory_space<hbm>> -> memref<800xi32, #tpu.memory_space<hbm>>
    tpu.wait_dma2 semaphore(%arg22 : memref<!tpu.dma_semaphore, #tpu.memory_space<semaphore_mem>>) src(%dma_wait3A_477 : memref<800xi32, #tpu.memory_space<hbm>>) dst(%dma_wait3A_475 : memref<800xi32, #tpu.memory_space<vmem>>)
    %dma_start3A_478 = arith.constant 0 : i32
    %dma_start3A_479 = tpu.memref_slice %arg17[%dma_start3A_478] : memref<800xi32, #tpu.memory_space<vmem>> -> memref<800xi32, #tpu.memory_space<vmem>>
    %dma_start3A_480 = tpu.memref_slice %arg8[%mul3A_186] : memref<204800xi32, #tpu.memory_space<hbm>> -> memref<800xi32, #tpu.memory_space<hbm>>
    %dma_start3A_481 = arith.constant 0 : i32
    %dma_start3A_482 = tpu.memref_slice %arg17[%dma_start3A_481] : memref<800xi32, #tpu.memory_space<vmem>> -> memref<800xi32, #tpu.memory_space<vmem>>
    %dma_start3A_483 = tpu.memref_slice %arg8[%mul3A_186] : memref<204800xi32, #tpu.memory_space<hbm>> -> memref<800xi32, #tpu.memory_space<hbm>>
    tpu.enqueue_dma source(%dma_start3A_483 : memref<800xi32, #tpu.memory_space<hbm>>) target(%dma_start3A_482 : memref<800xi32, #tpu.memory_space<vmem>>) target_semaphore(%arg21 : memref<!tpu.dma_semaphore, #tpu.memory_space<semaphore_mem>>)
    %add3A_484 = arith.constant 800 : i32
    %add3A_485 = arith.addi %mul3A_186, %add3A_484 : i32
    %dma_start3A_486 = arith.constant 0 : i32
    %dma_start3A_487 = tpu.memref_slice %arg18[%dma_start3A_486] : memref<800xi32, #tpu.memory_space<vmem>> -> memref<800xi32, #tpu.memory_space<vmem>>
    %dma_start3A_488 = tpu.memref_slice %arg8[%add3A_485] : memref<204800xi32, #tpu.memory_space<hbm>> -> memref<800xi32, #tpu.memory_space<hbm>>
    %dma_start3A_489 = arith.constant 0 : i32
    %dma_start3A_490 = tpu.memref_slice %arg18[%dma_start3A_489] : memref<800xi32, #tpu.memory_space<vmem>> -> memref<800xi32, #tpu.memory_space<vmem>>
    %dma_start3A_491 = tpu.memref_slice %arg8[%add3A_485] : memref<204800xi32, #tpu.memory_space<hbm>> -> memref<800xi32, #tpu.memory_space<hbm>>
    tpu.enqueue_dma source(%dma_start3A_491 : memref<800xi32, #tpu.memory_space<hbm>>) target(%dma_start3A_490 : memref<800xi32, #tpu.memory_space<vmem>>) target_semaphore(%arg22 : memref<!tpu.dma_semaphore, #tpu.memory_space<semaphore_mem>>)
    %dma_wait3A_492 = arith.constant 0 : i32
    %dma_wait3A_493 = tpu.memref_slice %arg17[%dma_wait3A_492] : memref<800xi32, #tpu.memory_space<vmem>> -> memref<800xi32, #tpu.memory_space<vmem>>
    %dma_wait3A_494 = arith.constant 0 : i32
    %dma_wait3A_495 = tpu.memref_slice %arg8[%dma_wait3A_494] : memref<204800xi32, #tpu.memory_space<hbm>> -> memref<800xi32, #tpu.memory_space<hbm>>
    %dma_wait3A_496 = arith.constant 0 : i32
    %dma_wait3A_497 = tpu.memref_slice %arg17[%dma_wait3A_496] : memref<800xi32, #tpu.memory_space<vmem>> -> memref<800xi32, #tpu.memory_space<vmem>>
    %dma_wait3A_498 = arith.constant 0 : i32
    %dma_wait3A_499 = tpu.memref_slice %arg8[%dma_wait3A_498] : memref<204800xi32, #tpu.memory_space<hbm>> -> memref<800xi32, #tpu.memory_space<hbm>>
    tpu.wait_dma2 semaphore(%arg21 : memref<!tpu.dma_semaphore, #tpu.memory_space<semaphore_mem>>) src(%dma_wait3A_499 : memref<800xi32, #tpu.memory_space<hbm>>) dst(%dma_wait3A_497 : memref<800xi32, #tpu.memory_space<vmem>>)
    %dma_wait3A_500 = arith.constant 0 : i32
    %dma_wait3A_501 = arith.constant 0 : i32
    %dma_wait3A_502 = tpu.memref_slice %arg19[%dma_wait3A_500, %dma_wait3A_501] : memref<800x64xf32, #tpu.memory_space<vmem>> -> memref<800x64xf32, #tpu.memory_space<vmem>>
    %dma_wait3A_503 = arith.constant 0 : i32
    %dma_wait3A_504 = arith.constant 64 : i32
    %dma_wait3A_505 = tpu.memref_slice %arg15[%dma_wait3A_503, %dma_wait3A_504] : memref<204800x128xf32, #tpu.memory_space<hbm>> -> memref<800x64xf32, #tpu.memory_space<hbm>>
    %dma_wait3A_506 = arith.constant 0 : i32
    %dma_wait3A_507 = arith.constant 64 : i32
    %dma_wait3A_508 = tpu.memref_slice %arg15[%dma_wait3A_506, %dma_wait3A_507] : memref<204800x128xf32, #tpu.memory_space<hbm>> -> memref<800x64xf32, #tpu.memory_space<hbm>>
    %dma_wait3A_509 = arith.constant 0 : i32
    %dma_wait3A_510 = arith.constant 0 : i32
    %dma_wait3A_511 = tpu.memref_slice %arg19[%dma_wait3A_509, %dma_wait3A_510] : memref<800x64xf32, #tpu.memory_space<vmem>> -> memref<800x64xf32, #tpu.memory_space<vmem>>
    tpu.wait_dma2 semaphore(%arg25 : memref<!tpu.dma_semaphore, #tpu.memory_space<semaphore_mem>>) src(%dma_wait3A_511 : memref<800x64xf32, #tpu.memory_space<vmem>>) dst(%dma_wait3A_508 : memref<800x64xf32, #tpu.memory_space<hbm>>)
    %dma_start3A_512 = arith.constant 0 : i32
    %dma_start3A_513 = arith.constant 0 : i32
    %dma_start3A_514 = tpu.memref_slice %arg19[%dma_start3A_512, %dma_start3A_513] : memref<800x64xf32, #tpu.memory_space<vmem>> -> memref<800x64xf32, #tpu.memory_space<vmem>>
    %dma_start3A_515 = arith.constant 0 : i32
    %dma_start3A_516 = tpu.memref_slice %arg17[%dma_start3A_515] : memref<800xi32, #tpu.memory_space<vmem>> -> memref<800xi32, #tpu.memory_space<vmem>>
    %dma_start3A_517 = arith.constant 0 : i32
    %dma_start3A_518 = arith.constant 0 : i32
    %dma_start3A_519 = tpu.memref_slice %arg12[%dma_start3A_517, %dma_start3A_518] : memref<2000016x64xf32, #tpu.memory_space<hbm>> -> memref<2000016x64xf32, #tpu.memory_space<hbm>>
    tpu.enqueue_indirect_dma source(%dma_start3A_519 : memref<2000016x64xf32, #tpu.memory_space<hbm>>) target(%dma_start3A_514 : memref<800x64xf32, #tpu.memory_space<vmem>>) offsets(%dma_start3A_516 : memref<800xi32, #tpu.memory_space<vmem>>) semaphore(%arg23 : memref<!tpu.dma_semaphore, #tpu.memory_space<semaphore_mem>>)
    %dma_wait3A_520 = arith.constant 0 : i32
    %dma_wait3A_521 = tpu.memref_slice %arg18[%dma_wait3A_520] : memref<800xi32, #tpu.memory_space<vmem>> -> memref<800xi32, #tpu.memory_space<vmem>>
    %dma_wait3A_522 = arith.constant 0 : i32
    %dma_wait3A_523 = tpu.memref_slice %arg8[%dma_wait3A_522] : memref<204800xi32, #tpu.memory_space<hbm>> -> memref<800xi32, #tpu.memory_space<hbm>>
    %dma_wait3A_524 = arith.constant 0 : i32
    %dma_wait3A_525 = tpu.memref_slice %arg18[%dma_wait3A_524] : memref<800xi32, #tpu.memory_space<vmem>> -> memref<800xi32, #tpu.memory_space<vmem>>
    %dma_wait3A_526 = arith.constant 0 : i32
    %dma_wait3A_527 = tpu.memref_slice %arg8[%dma_wait3A_526] : memref<204800xi32, #tpu.memory_space<hbm>> -> memref<800xi32, #tpu.memory_space<hbm>>
    tpu.wait_dma2 semaphore(%arg22 : memref<!tpu.dma_semaphore, #tpu.memory_space<semaphore_mem>>) src(%dma_wait3A_527 : memref<800xi32, #tpu.memory_space<hbm>>) dst(%dma_wait3A_525 : memref<800xi32, #tpu.memory_space<vmem>>)
    %dma_wait3A_528 = arith.constant 0 : i32
    %dma_wait3A_529 = arith.constant 0 : i32
    %dma_wait3A_530 = tpu.memref_slice %arg20[%dma_wait3A_528, %dma_wait3A_529] : memref<800x64xf32, #tpu.memory_space<vmem>> -> memref<800x64xf32, #tpu.memory_space<vmem>>
    %dma_wait3A_531 = arith.constant 0 : i32
    %dma_wait3A_532 = arith.constant 64 : i32
    %dma_wait3A_533 = tpu.memref_slice %arg15[%dma_wait3A_531, %dma_wait3A_532] : memref<204800x128xf32, #tpu.memory_space<hbm>> -> memref<800x64xf32, #tpu.memory_space<hbm>>
    %dma_wait3A_534 = arith.constant 0 : i32
    %dma_wait3A_535 = arith.constant 64 : i32
    %dma_wait3A_536 = tpu.memref_slice %arg15[%dma_wait3A_534, %dma_wait3A_535] : memref<204800x128xf32, #tpu.memory_space<hbm>> -> memref<800x64xf32, #tpu.memory_space<hbm>>
    %dma_wait3A_537 = arith.constant 0 : i32
    %dma_wait3A_538 = arith.constant 0 : i32
    %dma_wait3A_539 = tpu.memref_slice %arg20[%dma_wait3A_537, %dma_wait3A_538] : memref<800x64xf32, #tpu.memory_space<vmem>> -> memref<800x64xf32, #tpu.memory_space<vmem>>
    tpu.wait_dma2 semaphore(%arg26 : memref<!tpu.dma_semaphore, #tpu.memory_space<semaphore_mem>>) src(%dma_wait3A_539 : memref<800x64xf32, #tpu.memory_space<vmem>>) dst(%dma_wait3A_536 : memref<800x64xf32, #tpu.memory_space<hbm>>)
    %dma_start3A_540 = arith.constant 0 : i32
    %dma_start3A_541 = arith.constant 0 : i32
    %dma_start3A_542 = tpu.memref_slice %arg20[%dma_start3A_540, %dma_start3A_541] : memref<800x64xf32, #tpu.memory_space<vmem>> -> memref<800x64xf32, #tpu.memory_space<vmem>>
    %dma_start3A_543 = arith.constant 0 : i32
    %dma_start3A_544 = tpu.memref_slice %arg18[%dma_start3A_543] : memref<800xi32, #tpu.memory_space<vmem>> -> memref<800xi32, #tpu.memory_space<vmem>>
    %dma_start3A_545 = arith.constant 0 : i32
    %dma_start3A_546 = arith.constant 0 : i32
    %dma_start3A_547 = tpu.memref_slice %arg12[%dma_start3A_545, %dma_start3A_546] : memref<2000016x64xf32, #tpu.memory_space<hbm>> -> memref<2000016x64xf32, #tpu.memory_space<hbm>>
    tpu.enqueue_indirect_dma source(%dma_start3A_547 : memref<2000016x64xf32, #tpu.memory_space<hbm>>) target(%dma_start3A_542 : memref<800x64xf32, #tpu.memory_space<vmem>>) offsets(%dma_start3A_544 : memref<800xi32, #tpu.memory_space<vmem>>) semaphore(%arg24 : memref<!tpu.dma_semaphore, #tpu.memory_space<semaphore_mem>>)
    %dma_wait3A_548 = arith.constant 0 : i32
    %dma_wait3A_549 = arith.constant 0 : i32
    %dma_wait3A_550 = tpu.memref_slice %arg19[%dma_wait3A_548, %dma_wait3A_549] : memref<800x64xf32, #tpu.memory_space<vmem>> -> memref<800x64xf32, #tpu.memory_space<vmem>>
    %dma_wait3A_551 = arith.constant 0 : i32
    %dma_wait3A_552 = tpu.memref_slice %arg17[%dma_wait3A_551] : memref<800xi32, #tpu.memory_space<vmem>> -> memref<800xi32, #tpu.memory_space<vmem>>
    %dma_wait3A_553 = arith.constant 0 : i32
    %dma_wait3A_554 = arith.constant 0 : i32
    %dma_wait3A_555 = tpu.memref_slice %arg12[%dma_wait3A_553, %dma_wait3A_554] : memref<2000016x64xf32, #tpu.memory_space<hbm>> -> memref<2000016x64xf32, #tpu.memory_space<hbm>>
    tpu.wait_indirect_dma semaphore(%arg23 : memref<!tpu.dma_semaphore, #tpu.memory_space<semaphore_mem>>) src(%dma_wait3A_555 : memref<2000016x64xf32, #tpu.memory_space<hbm>>) dst(%dma_wait3A_550 : memref<800x64xf32, #tpu.memory_space<vmem>>)
    %dma_start3A_556 = arith.constant 0 : i32
    %dma_start3A_557 = arith.constant 0 : i32
    %dma_start3A_558 = tpu.memref_slice %arg19[%dma_start3A_556, %dma_start3A_557] : memref<800x64xf32, #tpu.memory_space<vmem>> -> memref<800x64xf32, #tpu.memory_space<vmem>>
    %dma_start3A_559 = arith.constant 0 : i32
    %dma_start3A_560 = tpu.memref_slice %arg16[%mul3A_186, %dma_start3A_559] : memref<204800x128xf32, #tpu.memory_space<hbm>> -> memref<800x64xf32, #tpu.memory_space<hbm>>
    %dma_start3A_561 = arith.constant 0 : i32
    %dma_start3A_562 = tpu.memref_slice %arg16[%mul3A_186, %dma_start3A_561] : memref<204800x128xf32, #tpu.memory_space<hbm>> -> memref<800x64xf32, #tpu.memory_space<hbm>>
    %dma_start3A_563 = arith.constant 0 : i32
    %dma_start3A_564 = arith.constant 0 : i32
    %dma_start3A_565 = tpu.memref_slice %arg19[%dma_start3A_563, %dma_start3A_564] : memref<800x64xf32, #tpu.memory_space<vmem>> -> memref<800x64xf32, #tpu.memory_space<vmem>>
    tpu.enqueue_dma source(%dma_start3A_565 : memref<800x64xf32, #tpu.memory_space<vmem>>) target(%dma_start3A_562 : memref<800x64xf32, #tpu.memory_space<hbm>>) target_semaphore(%arg25 : memref<!tpu.dma_semaphore, #tpu.memory_space<semaphore_mem>>)
    %add3A_566 = arith.constant 1600 : i32
    %add3A_567 = arith.addi %mul3A_186, %add3A_566 : i32
    %dma_start3A_568 = arith.constant 0 : i32
    %dma_start3A_569 = tpu.memref_slice %arg17[%dma_start3A_568] : memref<800xi32, #tpu.memory_space<vmem>> -> memref<800xi32, #tpu.memory_space<vmem>>
    %dma_start3A_570 = tpu.memref_slice %arg8[%add3A_567] : memref<204800xi32, #tpu.memory_space<hbm>> -> memref<800xi32, #tpu.memory_space<hbm>>
    %dma_start3A_571 = arith.constant 0 : i32
    %dma_start3A_572 = tpu.memref_slice %arg17[%dma_start3A_571] : memref<800xi32, #tpu.memory_space<vmem>> -> memref<800xi32, #tpu.memory_space<vmem>>
    %dma_start3A_573 = tpu.memref_slice %arg8[%add3A_567] : memref<204800xi32, #tpu.memory_space<hbm>> -> memref<800xi32, #tpu.memory_space<hbm>>
    tpu.enqueue_dma source(%dma_start3A_573 : memref<800xi32, #tpu.memory_space<hbm>>) target(%dma_start3A_572 : memref<800xi32, #tpu.memory_space<vmem>>) target_semaphore(%arg21 : memref<!tpu.dma_semaphore, #tpu.memory_space<semaphore_mem>>)
    %dma_wait3A_574 = arith.constant 0 : i32
    %dma_wait3A_575 = arith.constant 0 : i32
    %dma_wait3A_576 = tpu.memref_slice %arg20[%dma_wait3A_574, %dma_wait3A_575] : memref<800x64xf32, #tpu.memory_space<vmem>> -> memref<800x64xf32, #tpu.memory_space<vmem>>
    %dma_wait3A_577 = arith.constant 0 : i32
    %dma_wait3A_578 = tpu.memref_slice %arg18[%dma_wait3A_577] : memref<800xi32, #tpu.memory_space<vmem>> -> memref<800xi32, #tpu.memory_space<vmem>>
    %dma_wait3A_579 = arith.constant 0 : i32
    %dma_wait3A_580 = arith.constant 0 : i32
    %dma_wait3A_581 = tpu.memref_slice %arg12[%dma_wait3A_579, %dma_wait3A_580] : memref<2000016x64xf32, #tpu.memory_space<hbm>> -> memref<2000016x64xf32, #tpu.memory_space<hbm>>
    tpu.wait_indirect_dma semaphore(%arg24 : memref<!tpu.dma_semaphore, #tpu.memory_space<semaphore_mem>>) src(%dma_wait3A_581 : memref<2000016x64xf32, #tpu.memory_space<hbm>>) dst(%dma_wait3A_576 : memref<800x64xf32, #tpu.memory_space<vmem>>)
    %add3A_582 = arith.constant 800 : i32
    %add3A_583 = arith.addi %mul3A_186, %add3A_582 : i32
    %dma_start3A_584 = arith.constant 0 : i32
    %dma_start3A_585 = arith.constant 0 : i32
    %dma_start3A_586 = tpu.memref_slice %arg20[%dma_start3A_584, %dma_start3A_585] : memref<800x64xf32, #tpu.memory_space<vmem>> -> memref<800x64xf32, #tpu.memory_space<vmem>>
    %dma_start3A_587 = arith.constant 0 : i32
    %dma_start3A_588 = tpu.memref_slice %arg16[%add3A_583, %dma_start3A_587] : memref<204800x128xf32, #tpu.memory_space<hbm>> -> memref<800x64xf32, #tpu.memory_space<hbm>>
    %dma_start3A_589 = arith.constant 0 : i32
    %dma_start3A_590 = tpu.memref_slice %arg16[%add3A_583, %dma_start3A_589] : memref<204800x128xf32, #tpu.memory_space<hbm>> -> memref<800x64xf32, #tpu.memory_space<hbm>>
    %dma_start3A_591 = arith.constant 0 : i32
    %dma_start3A_592 = arith.constant 0 : i32
    %dma_start3A_593 = tpu.memref_slice %arg20[%dma_start3A_591, %dma_start3A_592] : memref<800x64xf32, #tpu.memory_space<vmem>> -> memref<800x64xf32, #tpu.memory_space<vmem>>
    tpu.enqueue_dma source(%dma_start3A_593 : memref<800x64xf32, #tpu.memory_space<vmem>>) target(%dma_start3A_590 : memref<800x64xf32, #tpu.memory_space<hbm>>) target_semaphore(%arg26 : memref<!tpu.dma_semaphore, #tpu.memory_space<semaphore_mem>>)
    %add3A_594 = arith.constant 2400 : i32
    %add3A_595 = arith.addi %mul3A_186, %add3A_594 : i32
    %dma_start3A_596 = arith.constant 0 : i32
    %dma_start3A_597 = tpu.memref_slice %arg18[%dma_start3A_596] : memref<800xi32, #tpu.memory_space<vmem>> -> memref<800xi32, #tpu.memory_space<vmem>>
    %dma_start3A_598 = tpu.memref_slice %arg8[%add3A_595] : memref<204800xi32, #tpu.memory_space<hbm>> -> memref<800xi32, #tpu.memory_space<hbm>>
    %dma_start3A_599 = arith.constant 0 : i32
    %dma_start3A_600 = tpu.memref_slice %arg18[%dma_start3A_599] : memref<800xi32, #tpu.memory_space<vmem>> -> memref<800xi32, #tpu.memory_space<vmem>>
    %dma_start3A_601 = tpu.memref_slice %arg8[%add3A_595] : memref<204800xi32, #tpu.memory_space<hbm>> -> memref<800xi32, #tpu.memory_space<hbm>>
    tpu.enqueue_dma source(%dma_start3A_601 : memref<800xi32, #tpu.memory_space<hbm>>) target(%dma_start3A_600 : memref<800xi32, #tpu.memory_space<vmem>>) target_semaphore(%arg22 : memref<!tpu.dma_semaphore, #tpu.memory_space<semaphore_mem>>)
    %scan3A_602 = arith.constant 0 : i32
    %scan3A_603 = arith.constant 1 : i32
    %scan3A_604 = arith.constant 3 : i32
    %scan3A_605 = arith.addi %scan3A_603, %scan3A_604 : i32
    %scan3A_606 = arith.constant 1 : i32
    scf.for %scan3A_794 = %scan3A_603 to %scan3A_605 step %scan3A_606  : i32 {
      %mul3A_795 = arith.constant 2 : i32
      %mul3A_796 = arith.muli %mul3A_795, %scan3A_794 : i32
      %mul3A_797 = arith.constant 800 : i32
      %mul3A_798 = arith.muli %mul3A_796, %mul3A_797 : i32
      %add3A_799 = arith.addi %mul3A_186, %mul3A_798 : i32
      %add3A_800 = arith.constant 800 : i32
      %add3A_801 = arith.addi %add3A_799, %add3A_800 : i32
      %dma_wait3A_802 = arith.constant 0 : i32
      %dma_wait3A_803 = tpu.memref_slice %arg17[%dma_wait3A_802] : memref<800xi32, #tpu.memory_space<vmem>> -> memref<800xi32, #tpu.memory_space<vmem>>
      %dma_wait3A_804 = arith.constant 0 : i32
      %dma_wait3A_805 = tpu.memref_slice %arg8[%dma_wait3A_804] : memref<204800xi32, #tpu.memory_space<hbm>> -> memref<800xi32, #tpu.memory_space<hbm>>
      %dma_wait3A_806 = arith.constant 0 : i32
      %dma_wait3A_807 = tpu.memref_slice %arg17[%dma_wait3A_806] : memref<800xi32, #tpu.memory_space<vmem>> -> memref<800xi32, #tpu.memory_space<vmem>>
      %dma_wait3A_808 = arith.constant 0 : i32
      %dma_wait3A_809 = tpu.memref_slice %arg8[%dma_wait3A_808] : memref<204800xi32, #tpu.memory_space<hbm>> -> memref<800xi32, #tpu.memory_space<hbm>>
      tpu.wait_dma2 semaphore(%arg21 : memref<!tpu.dma_semaphore, #tpu.memory_space<semaphore_mem>>) src(%dma_wait3A_809 : memref<800xi32, #tpu.memory_space<hbm>>) dst(%dma_wait3A_807 : memref<800xi32, #tpu.memory_space<vmem>>)
      %dma_wait3A_810 = arith.constant 0 : i32
      %dma_wait3A_811 = arith.constant 0 : i32
      %dma_wait3A_812 = tpu.memref_slice %arg19[%dma_wait3A_810, %dma_wait3A_811] : memref<800x64xf32, #tpu.memory_space<vmem>> -> memref<800x64xf32, #tpu.memory_space<vmem>>
      %dma_wait3A_813 = arith.constant 0 : i32
      %dma_wait3A_814 = arith.constant 0 : i32
      %dma_wait3A_815 = tpu.memref_slice %arg16[%dma_wait3A_813, %dma_wait3A_814] : memref<204800x128xf32, #tpu.memory_space<hbm>> -> memref<800x64xf32, #tpu.memory_space<hbm>>
      %dma_wait3A_816 = arith.constant 0 : i32
      %dma_wait3A_817 = arith.constant 0 : i32
      %dma_wait3A_818 = tpu.memref_slice %arg16[%dma_wait3A_816, %dma_wait3A_817] : memref<204800x128xf32, #tpu.memory_space<hbm>> -> memref<800x64xf32, #tpu.memory_space<hbm>>
      %dma_wait3A_819 = arith.constant 0 : i32
      %dma_wait3A_820 = arith.constant 0 : i32
      %dma_wait3A_821 = tpu.memref_slice %arg19[%dma_wait3A_819, %dma_wait3A_820] : memref<800x64xf32, #tpu.memory_space<vmem>> -> memref<800x64xf32, #tpu.memory_space<vmem>>
      tpu.wait_dma2 semaphore(%arg25 : memref<!tpu.dma_semaphore, #tpu.memory_space<semaphore_mem>>) src(%dma_wait3A_821 : memref<800x64xf32, #tpu.memory_space<vmem>>) dst(%dma_wait3A_818 : memref<800x64xf32, #tpu.memory_space<hbm>>)
      %dma_start3A_822 = arith.constant 0 : i32
      %dma_start3A_823 = arith.constant 0 : i32
      %dma_start3A_824 = tpu.memref_slice %arg19[%dma_start3A_822, %dma_start3A_823] : memref<800x64xf32, #tpu.memory_space<vmem>> -> memref<800x64xf32, #tpu.memory_space<vmem>>
      %dma_start3A_825 = arith.constant 0 : i32
      %dma_start3A_826 = tpu.memref_slice %arg17[%dma_start3A_825] : memref<800xi32, #tpu.memory_space<vmem>> -> memref<800xi32, #tpu.memory_space<vmem>>
      %dma_start3A_827 = arith.constant 0 : i32
      %dma_start3A_828 = arith.constant 0 : i32
      %dma_start3A_829 = tpu.memref_slice %arg12[%dma_start3A_827, %dma_start3A_828] : memref<2000016x64xf32, #tpu.memory_space<hbm>> -> memref<2000016x64xf32, #tpu.memory_space<hbm>>
      tpu.enqueue_indirect_dma source(%dma_start3A_829 : memref<2000016x64xf32, #tpu.memory_space<hbm>>) target(%dma_start3A_824 : memref<800x64xf32, #tpu.memory_space<vmem>>) offsets(%dma_start3A_826 : memref<800xi32, #tpu.memory_space<vmem>>) semaphore(%arg23 : memref<!tpu.dma_semaphore, #tpu.memory_space<semaphore_mem>>)
      %dma_wait3A_830 = arith.constant 0 : i32
      %dma_wait3A_831 = tpu.memref_slice %arg18[%dma_wait3A_830] : memref<800xi32, #tpu.memory_space<vmem>> -> memref<800xi32, #tpu.memory_space<vmem>>
      %dma_wait3A_832 = arith.constant 0 : i32
      %dma_wait3A_833 = tpu.memref_slice %arg8[%dma_wait3A_832] : memref<204800xi32, #tpu.memory_space<hbm>> -> memref<800xi32, #tpu.memory_space<hbm>>
      %dma_wait3A_834 = arith.constant 0 : i32
      %dma_wait3A_835 = tpu.memref_slice %arg18[%dma_wait3A_834] : memref<800xi32, #tpu.memory_space<vmem>> -> memref<800xi32, #tpu.memory_space<vmem>>
      %dma_wait3A_836 = arith.constant 0 : i32
      %dma_wait3A_837 = tpu.memref_slice %arg8[%dma_wait3A_836] : memref<204800xi32, #tpu.memory_space<hbm>> -> memref<800xi32, #tpu.memory_space<hbm>>
      tpu.wait_dma2 semaphore(%arg22 : memref<!tpu.dma_semaphore, #tpu.memory_space<semaphore_mem>>) src(%dma_wait3A_837 : memref<800xi32, #tpu.memory_space<hbm>>) dst(%dma_wait3A_835 : memref<800xi32, #tpu.memory_space<vmem>>)
      %dma_wait3A_838 = arith.constant 0 : i32
      %dma_wait3A_839 = arith.constant 0 : i32
      %dma_wait3A_840 = tpu.memref_slice %arg20[%dma_wait3A_838, %dma_wait3A_839] : memref<800x64xf32, #tpu.memory_space<vmem>> -> memref<800x64xf32, #tpu.memory_space<vmem>>
      %dma_wait3A_841 = arith.constant 0 : i32
      %dma_wait3A_842 = arith.constant 0 : i32
      %dma_wait3A_843 = tpu.memref_slice %arg16[%dma_wait3A_841, %dma_wait3A_842] : memref<204800x128xf32, #tpu.memory_space<hbm>> -> memref<800x64xf32, #tpu.memory_space<hbm>>
      %dma_wait3A_844 = arith.constant 0 : i32
      %dma_wait3A_845 = arith.constant 0 : i32
      %dma_wait3A_846 = tpu.memref_slice %arg16[%dma_wait3A_844, %dma_wait3A_845] : memref<204800x128xf32, #tpu.memory_space<hbm>> -> memref<800x64xf32, #tpu.memory_space<hbm>>
      %dma_wait3A_847 = arith.constant 0 : i32
      %dma_wait3A_848 = arith.constant 0 : i32
      %dma_wait3A_849 = tpu.memref_slice %arg20[%dma_wait3A_847, %dma_wait3A_848] : memref<800x64xf32, #tpu.memory_space<vmem>> -> memref<800x64xf32, #tpu.memory_space<vmem>>
      tpu.wait_dma2 semaphore(%arg26 : memref<!tpu.dma_semaphore, #tpu.memory_space<semaphore_mem>>) src(%dma_wait3A_849 : memref<800x64xf32, #tpu.memory_space<vmem>>) dst(%dma_wait3A_846 : memref<800x64xf32, #tpu.memory_space<hbm>>)
      %dma_start3A_850 = arith.constant 0 : i32
      %dma_start3A_851 = arith.constant 0 : i32
      %dma_start3A_852 = tpu.memref_slice %arg20[%dma_start3A_850, %dma_start3A_851] : memref<800x64xf32, #tpu.memory_space<vmem>> -> memref<800x64xf32, #tpu.memory_space<vmem>>
      %dma_start3A_853 = arith.constant 0 : i32
      %dma_start3A_854 = tpu.memref_slice %arg18[%dma_start3A_853] : memref<800xi32, #tpu.memory_space<vmem>> -> memref<800xi32, #tpu.memory_space<vmem>>
      %dma_start3A_855 = arith.constant 0 : i32
      %dma_start3A_856 = arith.constant 0 : i32
      %dma_start3A_857 = tpu.memref_slice %arg12[%dma_start3A_855, %dma_start3A_856] : memref<2000016x64xf32, #tpu.memory_space<hbm>> -> memref<2000016x64xf32, #tpu.memory_space<hbm>>
      tpu.enqueue_indirect_dma source(%dma_start3A_857 : memref<2000016x64xf32, #tpu.memory_space<hbm>>) target(%dma_start3A_852 : memref<800x64xf32, #tpu.memory_space<vmem>>) offsets(%dma_start3A_854 : memref<800xi32, #tpu.memory_space<vmem>>) semaphore(%arg24 : memref<!tpu.dma_semaphore, #tpu.memory_space<semaphore_mem>>)
      %add3A_858 = arith.constant 1600 : i32
      %add3A_859 = arith.addi %add3A_799, %add3A_858 : i32
      %min3A = arith.constant 204000 : i32
      %min3A_860 = arith.minsi %add3A_859, %min3A : i32
      %add3A_861 = arith.constant 1600 : i32
      %add3A_862 = arith.addi %add3A_801, %add3A_861 : i32
      %min3A_863 = arith.constant 204000 : i32
      %min3A_864 = arith.minsi %add3A_862, %min3A_863 : i32
      %dma_wait3A_865 = arith.constant 0 : i32
      %dma_wait3A_866 = arith.constant 0 : i32
      %dma_wait3A_867 = tpu.memref_slice %arg19[%dma_wait3A_865, %dma_wait3A_866] : memref<800x64xf32, #tpu.memory_space<vmem>> -> memref<800x64xf32, #tpu.memory_space<vmem>>
      %dma_wait3A_868 = arith.constant 0 : i32
      %dma_wait3A_869 = tpu.memref_slice %arg17[%dma_wait3A_868] : memref<800xi32, #tpu.memory_space<vmem>> -> memref<800xi32, #tpu.memory_space<vmem>>
      %dma_wait3A_870 = arith.constant 0 : i32
      %dma_wait3A_871 = arith.constant 0 : i32
      %dma_wait3A_872 = tpu.memref_slice %arg12[%dma_wait3A_870, %dma_wait3A_871] : memref<2000016x64xf32, #tpu.memory_space<hbm>> -> memref<2000016x64xf32, #tpu.memory_space<hbm>>
      tpu.wait_indirect_dma semaphore(%arg23 : memref<!tpu.dma_semaphore, #tpu.memory_space<semaphore_mem>>) src(%dma_wait3A_872 : memref<2000016x64xf32, #tpu.memory_space<hbm>>) dst(%dma_wait3A_867 : memref<800x64xf32, #tpu.memory_space<vmem>>)
      %dma_start3A_873 = arith.constant 0 : i32
      %dma_start3A_874 = arith.constant 0 : i32
      %dma_start3A_875 = tpu.memref_slice %arg19[%dma_start3A_873, %dma_start3A_874] : memref<800x64xf32, #tpu.memory_space<vmem>> -> memref<800x64xf32, #tpu.memory_space<vmem>>
      %dma_start3A_876 = arith.constant 0 : i32
      %dma_start3A_877 = tpu.memref_slice %arg16[%add3A_799, %dma_start3A_876] : memref<204800x128xf32, #tpu.memory_space<hbm>> -> memref<800x64xf32, #tpu.memory_space<hbm>>
      %dma_start3A_878 = arith.constant 0 : i32
      %dma_start3A_879 = tpu.memref_slice %arg16[%add3A_799, %dma_start3A_878] : memref<204800x128xf32, #tpu.memory_space<hbm>> -> memref<800x64xf32, #tpu.memory_space<hbm>>
      %dma_start3A_880 = arith.constant 0 : i32
      %dma_start3A_881 = arith.constant 0 : i32
      %dma_start3A_882 = tpu.memref_slice %arg19[%dma_start3A_880, %dma_start3A_881] : memref<800x64xf32, #tpu.memory_space<vmem>> -> memref<800x64xf32, #tpu.memory_space<vmem>>
      tpu.enqueue_dma source(%dma_start3A_882 : memref<800x64xf32, #tpu.memory_space<vmem>>) target(%dma_start3A_879 : memref<800x64xf32, #tpu.memory_space<hbm>>) target_semaphore(%arg25 : memref<!tpu.dma_semaphore, #tpu.memory_space<semaphore_mem>>)
      %dma_start3A_883 = arith.constant 0 : i32
      %dma_start3A_884 = tpu.memref_slice %arg17[%dma_start3A_883] : memref<800xi32, #tpu.memory_space<vmem>> -> memref<800xi32, #tpu.memory_space<vmem>>
      %dma_start3A_885 = tpu.memref_slice %arg8[%min3A_860] : memref<204800xi32, #tpu.memory_space<hbm>> -> memref<800xi32, #tpu.memory_space<hbm>>
      %dma_start3A_886 = arith.constant 0 : i32
      %dma_start3A_887 = tpu.memref_slice %arg17[%dma_start3A_886] : memref<800xi32, #tpu.memory_space<vmem>> -> memref<800xi32, #tpu.memory_space<vmem>>
      %dma_start3A_888 = tpu.memref_slice %arg8[%min3A_860] : memref<204800xi32, #tpu.memory_space<hbm>> -> memref<800xi32, #tpu.memory_space<hbm>>
      tpu.enqueue_dma source(%dma_start3A_888 : memref<800xi32, #tpu.memory_space<hbm>>) target(%dma_start3A_887 : memref<800xi32, #tpu.memory_space<vmem>>) target_semaphore(%arg21 : memref<!tpu.dma_semaphore, #tpu.memory_space<semaphore_mem>>)
      %dma_wait3A_889 = arith.constant 0 : i32
      %dma_wait3A_890 = arith.constant 0 : i32
      %dma_wait3A_891 = tpu.memref_slice %arg20[%dma_wait3A_889, %dma_wait3A_890] : memref<800x64xf32, #tpu.memory_space<vmem>> -> memref<800x64xf32, #tpu.memory_space<vmem>>
      %dma_wait3A_892 = arith.constant 0 : i32
      %dma_wait3A_893 = tpu.memref_slice %arg18[%dma_wait3A_892] : memref<800xi32, #tpu.memory_space<vmem>> -> memref<800xi32, #tpu.memory_space<vmem>>
      %dma_wait3A_894 = arith.constant 0 : i32
      %dma_wait3A_895 = arith.constant 0 : i32
      %dma_wait3A_896 = tpu.memref_slice %arg12[%dma_wait3A_894, %dma_wait3A_895] : memref<2000016x64xf32, #tpu.memory_space<hbm>> -> memref<2000016x64xf32, #tpu.memory_space<hbm>>
      tpu.wait_indirect_dma semaphore(%arg24 : memref<!tpu.dma_semaphore, #tpu.memory_space<semaphore_mem>>) src(%dma_wait3A_896 : memref<2000016x64xf32, #tpu.memory_space<hbm>>) dst(%dma_wait3A_891 : memref<800x64xf32, #tpu.memory_space<vmem>>)
      %dma_start3A_897 = arith.constant 0 : i32
      %dma_start3A_898 = arith.constant 0 : i32
      %dma_start3A_899 = tpu.memref_slice %arg20[%dma_start3A_897, %dma_start3A_898] : memref<800x64xf32, #tpu.memory_space<vmem>> -> memref<800x64xf32, #tpu.memory_space<vmem>>
      %dma_start3A_900 = arith.constant 0 : i32
      %dma_start3A_901 = tpu.memref_slice %arg16[%add3A_801, %dma_start3A_900] : memref<204800x128xf32, #tpu.memory_space<hbm>> -> memref<800x64xf32, #tpu.memory_space<hbm>>
      %dma_start3A_902 = arith.constant 0 : i32
      %dma_start3A_903 = tpu.memref_slice %arg16[%add3A_801, %dma_start3A_902] : memref<204800x128xf32, #tpu.memory_space<hbm>> -> memref<800x64xf32, #tpu.memory_space<hbm>>
      %dma_start3A_904 = arith.constant 0 : i32
      %dma_start3A_905 = arith.constant 0 : i32
      %dma_start3A_906 = tpu.memref_slice %arg20[%dma_start3A_904, %dma_start3A_905] : memref<800x64xf32, #tpu.memory_space<vmem>> -> memref<800x64xf32, #tpu.memory_space<vmem>>
      tpu.enqueue_dma source(%dma_start3A_906 : memref<800x64xf32, #tpu.memory_space<vmem>>) target(%dma_start3A_903 : memref<800x64xf32, #tpu.memory_space<hbm>>) target_semaphore(%arg26 : memref<!tpu.dma_semaphore, #tpu.memory_space<semaphore_mem>>)
      %dma_start3A_907 = arith.constant 0 : i32
      %dma_start3A_908 = tpu.memref_slice %arg18[%dma_start3A_907] : memref<800xi32, #tpu.memory_space<vmem>> -> memref<800xi32, #tpu.memory_space<vmem>>
      %dma_start3A_909 = tpu.memref_slice %arg8[%min3A_864] : memref<204800xi32, #tpu.memory_space<hbm>> -> memref<800xi32, #tpu.memory_space<hbm>>
      %dma_start3A_910 = arith.constant 0 : i32
      %dma_start3A_911 = tpu.memref_slice %arg18[%dma_start3A_910] : memref<800xi32, #tpu.memory_space<vmem>> -> memref<800xi32, #tpu.memory_space<vmem>>
      %dma_start3A_912 = tpu.memref_slice %arg8[%min3A_864] : memref<204800xi32, #tpu.memory_space<hbm>> -> memref<800xi32, #tpu.memory_space<hbm>>
      tpu.enqueue_dma source(%dma_start3A_912 : memref<800xi32, #tpu.memory_space<hbm>>) target(%dma_start3A_911 : memref<800xi32, #tpu.memory_space<vmem>>) target_semaphore(%arg22 : memref<!tpu.dma_semaphore, #tpu.memory_space<semaphore_mem>>)
    }
    %scan3A_607 = arith.constant 3 : i32
    %dma_wait3A_608 = arith.constant 0 : i32
    %dma_wait3A_609 = tpu.memref_slice %arg17[%dma_wait3A_608] : memref<800xi32, #tpu.memory_space<vmem>> -> memref<800xi32, #tpu.memory_space<vmem>>
    %dma_wait3A_610 = arith.constant 0 : i32
    %dma_wait3A_611 = tpu.memref_slice %arg8[%dma_wait3A_610] : memref<204800xi32, #tpu.memory_space<hbm>> -> memref<800xi32, #tpu.memory_space<hbm>>
    %dma_wait3A_612 = arith.constant 0 : i32
    %dma_wait3A_613 = tpu.memref_slice %arg17[%dma_wait3A_612] : memref<800xi32, #tpu.memory_space<vmem>> -> memref<800xi32, #tpu.memory_space<vmem>>
    %dma_wait3A_614 = arith.constant 0 : i32
    %dma_wait3A_615 = tpu.memref_slice %arg8[%dma_wait3A_614] : memref<204800xi32, #tpu.memory_space<hbm>> -> memref<800xi32, #tpu.memory_space<hbm>>
    tpu.wait_dma2 semaphore(%arg21 : memref<!tpu.dma_semaphore, #tpu.memory_space<semaphore_mem>>) src(%dma_wait3A_615 : memref<800xi32, #tpu.memory_space<hbm>>) dst(%dma_wait3A_613 : memref<800xi32, #tpu.memory_space<vmem>>)
    %dma_wait3A_616 = arith.constant 0 : i32
    %dma_wait3A_617 = tpu.memref_slice %arg18[%dma_wait3A_616] : memref<800xi32, #tpu.memory_space<vmem>> -> memref<800xi32, #tpu.memory_space<vmem>>
    %dma_wait3A_618 = arith.constant 0 : i32
    %dma_wait3A_619 = tpu.memref_slice %arg8[%dma_wait3A_618] : memref<204800xi32, #tpu.memory_space<hbm>> -> memref<800xi32, #tpu.memory_space<hbm>>
    %dma_wait3A_620 = arith.constant 0 : i32
    %dma_wait3A_621 = tpu.memref_slice %arg18[%dma_wait3A_620] : memref<800xi32, #tpu.memory_space<vmem>> -> memref<800xi32, #tpu.memory_space<vmem>>
    %dma_wait3A_622 = arith.constant 0 : i32
    %dma_wait3A_623 = tpu.memref_slice %arg8[%dma_wait3A_622] : memref<204800xi32, #tpu.memory_space<hbm>> -> memref<800xi32, #tpu.memory_space<hbm>>
    tpu.wait_dma2 semaphore(%arg22 : memref<!tpu.dma_semaphore, #tpu.memory_space<semaphore_mem>>) src(%dma_wait3A_623 : memref<800xi32, #tpu.memory_space<hbm>>) dst(%dma_wait3A_621 : memref<800xi32, #tpu.memory_space<vmem>>)
    %dma_start3A_624 = arith.constant 0 : i32
    %dma_start3A_625 = tpu.memref_slice %arg17[%dma_start3A_624] : memref<800xi32, #tpu.memory_space<vmem>> -> memref<800xi32, #tpu.memory_space<vmem>>
    %dma_start3A_626 = tpu.memref_slice %arg9[%mul3A_186] : memref<204800xi32, #tpu.memory_space<hbm>> -> memref<800xi32, #tpu.memory_space<hbm>>
    %dma_start3A_627 = arith.constant 0 : i32
    %dma_start3A_628 = tpu.memref_slice %arg17[%dma_start3A_627] : memref<800xi32, #tpu.memory_space<vmem>> -> memref<800xi32, #tpu.memory_space<vmem>>
    %dma_start3A_629 = tpu.memref_slice %arg9[%mul3A_186] : memref<204800xi32, #tpu.memory_space<hbm>> -> memref<800xi32, #tpu.memory_space<hbm>>
    tpu.enqueue_dma source(%dma_start3A_629 : memref<800xi32, #tpu.memory_space<hbm>>) target(%dma_start3A_628 : memref<800xi32, #tpu.memory_space<vmem>>) target_semaphore(%arg21 : memref<!tpu.dma_semaphore, #tpu.memory_space<semaphore_mem>>)
    %add3A_630 = arith.constant 800 : i32
    %add3A_631 = arith.addi %mul3A_186, %add3A_630 : i32
    %dma_start3A_632 = arith.constant 0 : i32
    %dma_start3A_633 = tpu.memref_slice %arg18[%dma_start3A_632] : memref<800xi32, #tpu.memory_space<vmem>> -> memref<800xi32, #tpu.memory_space<vmem>>
    %dma_start3A_634 = tpu.memref_slice %arg9[%add3A_631] : memref<204800xi32, #tpu.memory_space<hbm>> -> memref<800xi32, #tpu.memory_space<hbm>>
    %dma_start3A_635 = arith.constant 0 : i32
    %dma_start3A_636 = tpu.memref_slice %arg18[%dma_start3A_635] : memref<800xi32, #tpu.memory_space<vmem>> -> memref<800xi32, #tpu.memory_space<vmem>>
    %dma_start3A_637 = tpu.memref_slice %arg9[%add3A_631] : memref<204800xi32, #tpu.memory_space<hbm>> -> memref<800xi32, #tpu.memory_space<hbm>>
    tpu.enqueue_dma source(%dma_start3A_637 : memref<800xi32, #tpu.memory_space<hbm>>) target(%dma_start3A_636 : memref<800xi32, #tpu.memory_space<vmem>>) target_semaphore(%arg22 : memref<!tpu.dma_semaphore, #tpu.memory_space<semaphore_mem>>)
    %dma_wait3A_638 = arith.constant 0 : i32
    %dma_wait3A_639 = tpu.memref_slice %arg17[%dma_wait3A_638] : memref<800xi32, #tpu.memory_space<vmem>> -> memref<800xi32, #tpu.memory_space<vmem>>
    %dma_wait3A_640 = arith.constant 0 : i32
    %dma_wait3A_641 = tpu.memref_slice %arg9[%dma_wait3A_640] : memref<204800xi32, #tpu.memory_space<hbm>> -> memref<800xi32, #tpu.memory_space<hbm>>
    %dma_wait3A_642 = arith.constant 0 : i32
    %dma_wait3A_643 = tpu.memref_slice %arg17[%dma_wait3A_642] : memref<800xi32, #tpu.memory_space<vmem>> -> memref<800xi32, #tpu.memory_space<vmem>>
    %dma_wait3A_644 = arith.constant 0 : i32
    %dma_wait3A_645 = tpu.memref_slice %arg9[%dma_wait3A_644] : memref<204800xi32, #tpu.memory_space<hbm>> -> memref<800xi32, #tpu.memory_space<hbm>>
    tpu.wait_dma2 semaphore(%arg21 : memref<!tpu.dma_semaphore, #tpu.memory_space<semaphore_mem>>) src(%dma_wait3A_645 : memref<800xi32, #tpu.memory_space<hbm>>) dst(%dma_wait3A_643 : memref<800xi32, #tpu.memory_space<vmem>>)
    %dma_wait3A_646 = arith.constant 0 : i32
    %dma_wait3A_647 = arith.constant 0 : i32
    %dma_wait3A_648 = tpu.memref_slice %arg19[%dma_wait3A_646, %dma_wait3A_647] : memref<800x64xf32, #tpu.memory_space<vmem>> -> memref<800x64xf32, #tpu.memory_space<vmem>>
    %dma_wait3A_649 = arith.constant 0 : i32
    %dma_wait3A_650 = arith.constant 0 : i32
    %dma_wait3A_651 = tpu.memref_slice %arg16[%dma_wait3A_649, %dma_wait3A_650] : memref<204800x128xf32, #tpu.memory_space<hbm>> -> memref<800x64xf32, #tpu.memory_space<hbm>>
    %dma_wait3A_652 = arith.constant 0 : i32
    %dma_wait3A_653 = arith.constant 0 : i32
    %dma_wait3A_654 = tpu.memref_slice %arg16[%dma_wait3A_652, %dma_wait3A_653] : memref<204800x128xf32, #tpu.memory_space<hbm>> -> memref<800x64xf32, #tpu.memory_space<hbm>>
    %dma_wait3A_655 = arith.constant 0 : i32
    %dma_wait3A_656 = arith.constant 0 : i32
    %dma_wait3A_657 = tpu.memref_slice %arg19[%dma_wait3A_655, %dma_wait3A_656] : memref<800x64xf32, #tpu.memory_space<vmem>> -> memref<800x64xf32, #tpu.memory_space<vmem>>
    tpu.wait_dma2 semaphore(%arg25 : memref<!tpu.dma_semaphore, #tpu.memory_space<semaphore_mem>>) src(%dma_wait3A_657 : memref<800x64xf32, #tpu.memory_space<vmem>>) dst(%dma_wait3A_654 : memref<800x64xf32, #tpu.memory_space<hbm>>)
    %dma_start3A_658 = arith.constant 0 : i32
    %dma_start3A_659 = arith.constant 0 : i32
    %dma_start3A_660 = tpu.memref_slice %arg19[%dma_start3A_658, %dma_start3A_659] : memref<800x64xf32, #tpu.memory_space<vmem>> -> memref<800x64xf32, #tpu.memory_space<vmem>>
    %dma_start3A_661 = arith.constant 0 : i32
    %dma_start3A_662 = tpu.memref_slice %arg17[%dma_start3A_661] : memref<800xi32, #tpu.memory_space<vmem>> -> memref<800xi32, #tpu.memory_space<vmem>>
    %dma_start3A_663 = arith.constant 0 : i32
    %dma_start3A_664 = arith.constant 0 : i32
    %dma_start3A_665 = tpu.memref_slice %arg13[%dma_start3A_663, %dma_start3A_664] : memref<200016x64xf32, #tpu.memory_space<hbm>> -> memref<200016x64xf32, #tpu.memory_space<hbm>>
    tpu.enqueue_indirect_dma source(%dma_start3A_665 : memref<200016x64xf32, #tpu.memory_space<hbm>>) target(%dma_start3A_660 : memref<800x64xf32, #tpu.memory_space<vmem>>) offsets(%dma_start3A_662 : memref<800xi32, #tpu.memory_space<vmem>>) semaphore(%arg23 : memref<!tpu.dma_semaphore, #tpu.memory_space<semaphore_mem>>)
    %dma_wait3A_666 = arith.constant 0 : i32
    %dma_wait3A_667 = tpu.memref_slice %arg18[%dma_wait3A_666] : memref<800xi32, #tpu.memory_space<vmem>> -> memref<800xi32, #tpu.memory_space<vmem>>
    %dma_wait3A_668 = arith.constant 0 : i32
    %dma_wait3A_669 = tpu.memref_slice %arg9[%dma_wait3A_668] : memref<204800xi32, #tpu.memory_space<hbm>> -> memref<800xi32, #tpu.memory_space<hbm>>
    %dma_wait3A_670 = arith.constant 0 : i32
    %dma_wait3A_671 = tpu.memref_slice %arg18[%dma_wait3A_670] : memref<800xi32, #tpu.memory_space<vmem>> -> memref<800xi32, #tpu.memory_space<vmem>>
    %dma_wait3A_672 = arith.constant 0 : i32
    %dma_wait3A_673 = tpu.memref_slice %arg9[%dma_wait3A_672] : memref<204800xi32, #tpu.memory_space<hbm>> -> memref<800xi32, #tpu.memory_space<hbm>>
    tpu.wait_dma2 semaphore(%arg22 : memref<!tpu.dma_semaphore, #tpu.memory_space<semaphore_mem>>) src(%dma_wait3A_673 : memref<800xi32, #tpu.memory_space<hbm>>) dst(%dma_wait3A_671 : memref<800xi32, #tpu.memory_space<vmem>>)
    %dma_wait3A_674 = arith.constant 0 : i32
    %dma_wait3A_675 = arith.constant 0 : i32
    %dma_wait3A_676 = tpu.memref_slice %arg20[%dma_wait3A_674, %dma_wait3A_675] : memref<800x64xf32, #tpu.memory_space<vmem>> -> memref<800x64xf32, #tpu.memory_space<vmem>>
    %dma_wait3A_677 = arith.constant 0 : i32
    %dma_wait3A_678 = arith.constant 0 : i32
    %dma_wait3A_679 = tpu.memref_slice %arg16[%dma_wait3A_677, %dma_wait3A_678] : memref<204800x128xf32, #tpu.memory_space<hbm>> -> memref<800x64xf32, #tpu.memory_space<hbm>>
    %dma_wait3A_680 = arith.constant 0 : i32
    %dma_wait3A_681 = arith.constant 0 : i32
    %dma_wait3A_682 = tpu.memref_slice %arg16[%dma_wait3A_680, %dma_wait3A_681] : memref<204800x128xf32, #tpu.memory_space<hbm>> -> memref<800x64xf32, #tpu.memory_space<hbm>>
    %dma_wait3A_683 = arith.constant 0 : i32
    %dma_wait3A_684 = arith.constant 0 : i32
    %dma_wait3A_685 = tpu.memref_slice %arg20[%dma_wait3A_683, %dma_wait3A_684] : memref<800x64xf32, #tpu.memory_space<vmem>> -> memref<800x64xf32, #tpu.memory_space<vmem>>
    tpu.wait_dma2 semaphore(%arg26 : memref<!tpu.dma_semaphore, #tpu.memory_space<semaphore_mem>>) src(%dma_wait3A_685 : memref<800x64xf32, #tpu.memory_space<vmem>>) dst(%dma_wait3A_682 : memref<800x64xf32, #tpu.memory_space<hbm>>)
    %dma_start3A_686 = arith.constant 0 : i32
    %dma_start3A_687 = arith.constant 0 : i32
    %dma_start3A_688 = tpu.memref_slice %arg20[%dma_start3A_686, %dma_start3A_687] : memref<800x64xf32, #tpu.memory_space<vmem>> -> memref<800x64xf32, #tpu.memory_space<vmem>>
    %dma_start3A_689 = arith.constant 0 : i32
    %dma_start3A_690 = tpu.memref_slice %arg18[%dma_start3A_689] : memref<800xi32, #tpu.memory_space<vmem>> -> memref<800xi32, #tpu.memory_space<vmem>>
    %dma_start3A_691 = arith.constant 0 : i32
    %dma_start3A_692 = arith.constant 0 : i32
    %dma_start3A_693 = tpu.memref_slice %arg13[%dma_start3A_691, %dma_start3A_692] : memref<200016x64xf32, #tpu.memory_space<hbm>> -> memref<200016x64xf32, #tpu.memory_space<hbm>>
    tpu.enqueue_indirect_dma source(%dma_start3A_693 : memref<200016x64xf32, #tpu.memory_space<hbm>>) target(%dma_start3A_688 : memref<800x64xf32, #tpu.memory_space<vmem>>) offsets(%dma_start3A_690 : memref<800xi32, #tpu.memory_space<vmem>>) semaphore(%arg24 : memref<!tpu.dma_semaphore, #tpu.memory_space<semaphore_mem>>)
    %dma_wait3A_694 = arith.constant 0 : i32
    %dma_wait3A_695 = arith.constant 0 : i32
    %dma_wait3A_696 = tpu.memref_slice %arg19[%dma_wait3A_694, %dma_wait3A_695] : memref<800x64xf32, #tpu.memory_space<vmem>> -> memref<800x64xf32, #tpu.memory_space<vmem>>
    %dma_wait3A_697 = arith.constant 0 : i32
    %dma_wait3A_698 = tpu.memref_slice %arg17[%dma_wait3A_697] : memref<800xi32, #tpu.memory_space<vmem>> -> memref<800xi32, #tpu.memory_space<vmem>>
    %dma_wait3A_699 = arith.constant 0 : i32
    %dma_wait3A_700 = arith.constant 0 : i32
    %dma_wait3A_701 = tpu.memref_slice %arg13[%dma_wait3A_699, %dma_wait3A_700] : memref<200016x64xf32, #tpu.memory_space<hbm>> -> memref<200016x64xf32, #tpu.memory_space<hbm>>
    tpu.wait_indirect_dma semaphore(%arg23 : memref<!tpu.dma_semaphore, #tpu.memory_space<semaphore_mem>>) src(%dma_wait3A_701 : memref<200016x64xf32, #tpu.memory_space<hbm>>) dst(%dma_wait3A_696 : memref<800x64xf32, #tpu.memory_space<vmem>>)
    %dma_start3A_702 = arith.constant 0 : i32
    %dma_start3A_703 = arith.constant 0 : i32
    %dma_start3A_704 = tpu.memref_slice %arg19[%dma_start3A_702, %dma_start3A_703] : memref<800x64xf32, #tpu.memory_space<vmem>> -> memref<800x64xf32, #tpu.memory_space<vmem>>
    %dma_start3A_705 = arith.constant 64 : i32
    %dma_start3A_706 = tpu.memref_slice %arg16[%mul3A_186, %dma_start3A_705] : memref<204800x128xf32, #tpu.memory_space<hbm>> -> memref<800x64xf32, #tpu.memory_space<hbm>>
    %dma_start3A_707 = arith.constant 64 : i32
    %dma_start3A_708 = tpu.memref_slice %arg16[%mul3A_186, %dma_start3A_707] : memref<204800x128xf32, #tpu.memory_space<hbm>> -> memref<800x64xf32, #tpu.memory_space<hbm>>
    %dma_start3A_709 = arith.constant 0 : i32
    %dma_start3A_710 = arith.constant 0 : i32
    %dma_start3A_711 = tpu.memref_slice %arg19[%dma_start3A_709, %dma_start3A_710] : memref<800x64xf32, #tpu.memory_space<vmem>> -> memref<800x64xf32, #tpu.memory_space<vmem>>
    tpu.enqueue_dma source(%dma_start3A_711 : memref<800x64xf32, #tpu.memory_space<vmem>>) target(%dma_start3A_708 : memref<800x64xf32, #tpu.memory_space<hbm>>) target_semaphore(%arg25 : memref<!tpu.dma_semaphore, #tpu.memory_space<semaphore_mem>>)
    %add3A_712 = arith.constant 1600 : i32
    %add3A_713 = arith.addi %mul3A_186, %add3A_712 : i32
    %dma_start3A_714 = arith.constant 0 : i32
    %dma_start3A_715 = tpu.memref_slice %arg17[%dma_start3A_714] : memref<800xi32, #tpu.memory_space<vmem>> -> memref<800xi32, #tpu.memory_space<vmem>>
    %dma_start3A_716 = tpu.memref_slice %arg9[%add3A_713] : memref<204800xi32, #tpu.memory_space<hbm>> -> memref<800xi32, #tpu.memory_space<hbm>>
    %dma_start3A_717 = arith.constant 0 : i32
    %dma_start3A_718 = tpu.memref_slice %arg17[%dma_start3A_717] : memref<800xi32, #tpu.memory_space<vmem>> -> memref<800xi32, #tpu.memory_space<vmem>>
    %dma_start3A_719 = tpu.memref_slice %arg9[%add3A_713] : memref<204800xi32, #tpu.memory_space<hbm>> -> memref<800xi32, #tpu.memory_space<hbm>>
    tpu.enqueue_dma source(%dma_start3A_719 : memref<800xi32, #tpu.memory_space<hbm>>) target(%dma_start3A_718 : memref<800xi32, #tpu.memory_space<vmem>>) target_semaphore(%arg21 : memref<!tpu.dma_semaphore, #tpu.memory_space<semaphore_mem>>)
    %dma_wait3A_720 = arith.constant 0 : i32
    %dma_wait3A_721 = arith.constant 0 : i32
    %dma_wait3A_722 = tpu.memref_slice %arg20[%dma_wait3A_720, %dma_wait3A_721] : memref<800x64xf32, #tpu.memory_space<vmem>> -> memref<800x64xf32, #tpu.memory_space<vmem>>
    %dma_wait3A_723 = arith.constant 0 : i32
    %dma_wait3A_724 = tpu.memref_slice %arg18[%dma_wait3A_723] : memref<800xi32, #tpu.memory_space<vmem>> -> memref<800xi32, #tpu.memory_space<vmem>>
    %dma_wait3A_725 = arith.constant 0 : i32
    %dma_wait3A_726 = arith.constant 0 : i32
    %dma_wait3A_727 = tpu.memref_slice %arg13[%dma_wait3A_725, %dma_wait3A_726] : memref<200016x64xf32, #tpu.memory_space<hbm>> -> memref<200016x64xf32, #tpu.memory_space<hbm>>
    tpu.wait_indirect_dma semaphore(%arg24 : memref<!tpu.dma_semaphore, #tpu.memory_space<semaphore_mem>>) src(%dma_wait3A_727 : memref<200016x64xf32, #tpu.memory_space<hbm>>) dst(%dma_wait3A_722 : memref<800x64xf32, #tpu.memory_space<vmem>>)
    %add3A_728 = arith.constant 800 : i32
    %add3A_729 = arith.addi %mul3A_186, %add3A_728 : i32
    %dma_start3A_730 = arith.constant 0 : i32
    %dma_start3A_731 = arith.constant 0 : i32
    %dma_start3A_732 = tpu.memref_slice %arg20[%dma_start3A_730, %dma_start3A_731] : memref<800x64xf32, #tpu.memory_space<vmem>> -> memref<800x64xf32, #tpu.memory_space<vmem>>
    %dma_start3A_733 = arith.constant 64 : i32
    %dma_start3A_734 = tpu.memref_slice %arg16[%add3A_729, %dma_start3A_733] : memref<204800x128xf32, #tpu.memory_space<hbm>> -> memref<800x64xf32, #tpu.memory_space<hbm>>
    %dma_start3A_735 = arith.constant 64 : i32
    %dma_start3A_736 = tpu.memref_slice %arg16[%add3A_729, %dma_start3A_735] : memref<204800x128xf32, #tpu.memory_space<hbm>> -> memref<800x64xf32, #tpu.memory_space<hbm>>
    %dma_start3A_737 = arith.constant 0 : i32
    %dma_start3A_738 = arith.constant 0 : i32
    %dma_start3A_739 = tpu.memref_slice %arg20[%dma_start3A_737, %dma_start3A_738] : memref<800x64xf32, #tpu.memory_space<vmem>> -> memref<800x64xf32, #tpu.memory_space<vmem>>
    tpu.enqueue_dma source(%dma_start3A_739 : memref<800x64xf32, #tpu.memory_space<vmem>>) target(%dma_start3A_736 : memref<800x64xf32, #tpu.memory_space<hbm>>) target_semaphore(%arg26 : memref<!tpu.dma_semaphore, #tpu.memory_space<semaphore_mem>>)
    %add3A_740 = arith.constant 2400 : i32
    %add3A_741 = arith.addi %mul3A_186, %add3A_740 : i32
    %dma_start3A_742 = arith.constant 0 : i32
    %dma_start3A_743 = tpu.memref_slice %arg18[%dma_start3A_742] : memref<800xi32, #tpu.memory_space<vmem>> -> memref<800xi32, #tpu.memory_space<vmem>>
    %dma_start3A_744 = tpu.memref_slice %arg9[%add3A_741] : memref<204800xi32, #tpu.memory_space<hbm>> -> memref<800xi32, #tpu.memory_space<hbm>>
    %dma_start3A_745 = arith.constant 0 : i32
    %dma_start3A_746 = tpu.memref_slice %arg18[%dma_start3A_745] : memref<800xi32, #tpu.memory_space<vmem>> -> memref<800xi32, #tpu.memory_space<vmem>>
    %dma_start3A_747 = tpu.memref_slice %arg9[%add3A_741] : memref<204800xi32, #tpu.memory_space<hbm>> -> memref<800xi32, #tpu.memory_space<hbm>>
    tpu.enqueue_dma source(%dma_start3A_747 : memref<800xi32, #tpu.memory_space<hbm>>) target(%dma_start3A_746 : memref<800xi32, #tpu.memory_space<vmem>>) target_semaphore(%arg22 : memref<!tpu.dma_semaphore, #tpu.memory_space<semaphore_mem>>)
    %scan3A_748 = arith.constant 0 : i32
    %scan3A_749 = arith.constant 1 : i32
    %scan3A_750 = arith.constant 3 : i32
    %scan3A_751 = arith.addi %scan3A_749, %scan3A_750 : i32
    %scan3A_752 = arith.constant 1 : i32
    scf.for %scan3A_794 = %scan3A_749 to %scan3A_751 step %scan3A_752  : i32 {
      %mul3A_795 = arith.constant 2 : i32
      %mul3A_796 = arith.muli %mul3A_795, %scan3A_794 : i32
      %mul3A_797 = arith.constant 800 : i32
      %mul3A_798 = arith.muli %mul3A_796, %mul3A_797 : i32
      %add3A_799 = arith.addi %mul3A_186, %mul3A_798 : i32
      %add3A_800 = arith.constant 800 : i32
      %add3A_801 = arith.addi %add3A_799, %add3A_800 : i32
      %dma_wait3A_802 = arith.constant 0 : i32
      %dma_wait3A_803 = tpu.memref_slice %arg17[%dma_wait3A_802] : memref<800xi32, #tpu.memory_space<vmem>> -> memref<800xi32, #tpu.memory_space<vmem>>
      %dma_wait3A_804 = arith.constant 0 : i32
      %dma_wait3A_805 = tpu.memref_slice %arg9[%dma_wait3A_804] : memref<204800xi32, #tpu.memory_space<hbm>> -> memref<800xi32, #tpu.memory_space<hbm>>
      %dma_wait3A_806 = arith.constant 0 : i32
      %dma_wait3A_807 = tpu.memref_slice %arg17[%dma_wait3A_806] : memref<800xi32, #tpu.memory_space<vmem>> -> memref<800xi32, #tpu.memory_space<vmem>>
      %dma_wait3A_808 = arith.constant 0 : i32
      %dma_wait3A_809 = tpu.memref_slice %arg9[%dma_wait3A_808] : memref<204800xi32, #tpu.memory_space<hbm>> -> memref<800xi32, #tpu.memory_space<hbm>>
      tpu.wait_dma2 semaphore(%arg21 : memref<!tpu.dma_semaphore, #tpu.memory_space<semaphore_mem>>) src(%dma_wait3A_809 : memref<800xi32, #tpu.memory_space<hbm>>) dst(%dma_wait3A_807 : memref<800xi32, #tpu.memory_space<vmem>>)
      %dma_wait3A_810 = arith.constant 0 : i32
      %dma_wait3A_811 = arith.constant 0 : i32
      %dma_wait3A_812 = tpu.memref_slice %arg19[%dma_wait3A_810, %dma_wait3A_811] : memref<800x64xf32, #tpu.memory_space<vmem>> -> memref<800x64xf32, #tpu.memory_space<vmem>>
      %dma_wait3A_813 = arith.constant 0 : i32
      %dma_wait3A_814 = arith.constant 64 : i32
      %dma_wait3A_815 = tpu.memref_slice %arg16[%dma_wait3A_813, %dma_wait3A_814] : memref<204800x128xf32, #tpu.memory_space<hbm>> -> memref<800x64xf32, #tpu.memory_space<hbm>>
      %dma_wait3A_816 = arith.constant 0 : i32
      %dma_wait3A_817 = arith.constant 64 : i32
      %dma_wait3A_818 = tpu.memref_slice %arg16[%dma_wait3A_816, %dma_wait3A_817] : memref<204800x128xf32, #tpu.memory_space<hbm>> -> memref<800x64xf32, #tpu.memory_space<hbm>>
      %dma_wait3A_819 = arith.constant 0 : i32
      %dma_wait3A_820 = arith.constant 0 : i32
      %dma_wait3A_821 = tpu.memref_slice %arg19[%dma_wait3A_819, %dma_wait3A_820] : memref<800x64xf32, #tpu.memory_space<vmem>> -> memref<800x64xf32, #tpu.memory_space<vmem>>
      tpu.wait_dma2 semaphore(%arg25 : memref<!tpu.dma_semaphore, #tpu.memory_space<semaphore_mem>>) src(%dma_wait3A_821 : memref<800x64xf32, #tpu.memory_space<vmem>>) dst(%dma_wait3A_818 : memref<800x64xf32, #tpu.memory_space<hbm>>)
      %dma_start3A_822 = arith.constant 0 : i32
      %dma_start3A_823 = arith.constant 0 : i32
      %dma_start3A_824 = tpu.memref_slice %arg19[%dma_start3A_822, %dma_start3A_823] : memref<800x64xf32, #tpu.memory_space<vmem>> -> memref<800x64xf32, #tpu.memory_space<vmem>>
      %dma_start3A_825 = arith.constant 0 : i32
      %dma_start3A_826 = tpu.memref_slice %arg17[%dma_start3A_825] : memref<800xi32, #tpu.memory_space<vmem>> -> memref<800xi32, #tpu.memory_space<vmem>>
      %dma_start3A_827 = arith.constant 0 : i32
      %dma_start3A_828 = arith.constant 0 : i32
      %dma_start3A_829 = tpu.memref_slice %arg13[%dma_start3A_827, %dma_start3A_828] : memref<200016x64xf32, #tpu.memory_space<hbm>> -> memref<200016x64xf32, #tpu.memory_space<hbm>>
      tpu.enqueue_indirect_dma source(%dma_start3A_829 : memref<200016x64xf32, #tpu.memory_space<hbm>>) target(%dma_start3A_824 : memref<800x64xf32, #tpu.memory_space<vmem>>) offsets(%dma_start3A_826 : memref<800xi32, #tpu.memory_space<vmem>>) semaphore(%arg23 : memref<!tpu.dma_semaphore, #tpu.memory_space<semaphore_mem>>)
      %dma_wait3A_830 = arith.constant 0 : i32
      %dma_wait3A_831 = tpu.memref_slice %arg18[%dma_wait3A_830] : memref<800xi32, #tpu.memory_space<vmem>> -> memref<800xi32, #tpu.memory_space<vmem>>
      %dma_wait3A_832 = arith.constant 0 : i32
      %dma_wait3A_833 = tpu.memref_slice %arg9[%dma_wait3A_832] : memref<204800xi32, #tpu.memory_space<hbm>> -> memref<800xi32, #tpu.memory_space<hbm>>
      %dma_wait3A_834 = arith.constant 0 : i32
      %dma_wait3A_835 = tpu.memref_slice %arg18[%dma_wait3A_834] : memref<800xi32, #tpu.memory_space<vmem>> -> memref<800xi32, #tpu.memory_space<vmem>>
      %dma_wait3A_836 = arith.constant 0 : i32
      %dma_wait3A_837 = tpu.memref_slice %arg9[%dma_wait3A_836] : memref<204800xi32, #tpu.memory_space<hbm>> -> memref<800xi32, #tpu.memory_space<hbm>>
      tpu.wait_dma2 semaphore(%arg22 : memref<!tpu.dma_semaphore, #tpu.memory_space<semaphore_mem>>) src(%dma_wait3A_837 : memref<800xi32, #tpu.memory_space<hbm>>) dst(%dma_wait3A_835 : memref<800xi32, #tpu.memory_space<vmem>>)
      %dma_wait3A_838 = arith.constant 0 : i32
      %dma_wait3A_839 = arith.constant 0 : i32
      %dma_wait3A_840 = tpu.memref_slice %arg20[%dma_wait3A_838, %dma_wait3A_839] : memref<800x64xf32, #tpu.memory_space<vmem>> -> memref<800x64xf32, #tpu.memory_space<vmem>>
      %dma_wait3A_841 = arith.constant 0 : i32
      %dma_wait3A_842 = arith.constant 64 : i32
      %dma_wait3A_843 = tpu.memref_slice %arg16[%dma_wait3A_841, %dma_wait3A_842] : memref<204800x128xf32, #tpu.memory_space<hbm>> -> memref<800x64xf32, #tpu.memory_space<hbm>>
      %dma_wait3A_844 = arith.constant 0 : i32
      %dma_wait3A_845 = arith.constant 64 : i32
      %dma_wait3A_846 = tpu.memref_slice %arg16[%dma_wait3A_844, %dma_wait3A_845] : memref<204800x128xf32, #tpu.memory_space<hbm>> -> memref<800x64xf32, #tpu.memory_space<hbm>>
      %dma_wait3A_847 = arith.constant 0 : i32
      %dma_wait3A_848 = arith.constant 0 : i32
      %dma_wait3A_849 = tpu.memref_slice %arg20[%dma_wait3A_847, %dma_wait3A_848] : memref<800x64xf32, #tpu.memory_space<vmem>> -> memref<800x64xf32, #tpu.memory_space<vmem>>
      tpu.wait_dma2 semaphore(%arg26 : memref<!tpu.dma_semaphore, #tpu.memory_space<semaphore_mem>>) src(%dma_wait3A_849 : memref<800x64xf32, #tpu.memory_space<vmem>>) dst(%dma_wait3A_846 : memref<800x64xf32, #tpu.memory_space<hbm>>)
      %dma_start3A_850 = arith.constant 0 : i32
      %dma_start3A_851 = arith.constant 0 : i32
      %dma_start3A_852 = tpu.memref_slice %arg20[%dma_start3A_850, %dma_start3A_851] : memref<800x64xf32, #tpu.memory_space<vmem>> -> memref<800x64xf32, #tpu.memory_space<vmem>>
      %dma_start3A_853 = arith.constant 0 : i32
      %dma_start3A_854 = tpu.memref_slice %arg18[%dma_start3A_853] : memref<800xi32, #tpu.memory_space<vmem>> -> memref<800xi32, #tpu.memory_space<vmem>>
      %dma_start3A_855 = arith.constant 0 : i32
      %dma_start3A_856 = arith.constant 0 : i32
      %dma_start3A_857 = tpu.memref_slice %arg13[%dma_start3A_855, %dma_start3A_856] : memref<200016x64xf32, #tpu.memory_space<hbm>> -> memref<200016x64xf32, #tpu.memory_space<hbm>>
      tpu.enqueue_indirect_dma source(%dma_start3A_857 : memref<200016x64xf32, #tpu.memory_space<hbm>>) target(%dma_start3A_852 : memref<800x64xf32, #tpu.memory_space<vmem>>) offsets(%dma_start3A_854 : memref<800xi32, #tpu.memory_space<vmem>>) semaphore(%arg24 : memref<!tpu.dma_semaphore, #tpu.memory_space<semaphore_mem>>)
      %add3A_858 = arith.constant 1600 : i32
      %add3A_859 = arith.addi %add3A_799, %add3A_858 : i32
      %min3A = arith.constant 204000 : i32
      %min3A_860 = arith.minsi %add3A_859, %min3A : i32
      %add3A_861 = arith.constant 1600 : i32
      %add3A_862 = arith.addi %add3A_801, %add3A_861 : i32
      %min3A_863 = arith.constant 204000 : i32
      %min3A_864 = arith.minsi %add3A_862, %min3A_863 : i32
      %dma_wait3A_865 = arith.constant 0 : i32
      %dma_wait3A_866 = arith.constant 0 : i32
      %dma_wait3A_867 = tpu.memref_slice %arg19[%dma_wait3A_865, %dma_wait3A_866] : memref<800x64xf32, #tpu.memory_space<vmem>> -> memref<800x64xf32, #tpu.memory_space<vmem>>
      %dma_wait3A_868 = arith.constant 0 : i32
      %dma_wait3A_869 = tpu.memref_slice %arg17[%dma_wait3A_868] : memref<800xi32, #tpu.memory_space<vmem>> -> memref<800xi32, #tpu.memory_space<vmem>>
      %dma_wait3A_870 = arith.constant 0 : i32
      %dma_wait3A_871 = arith.constant 0 : i32
      %dma_wait3A_872 = tpu.memref_slice %arg13[%dma_wait3A_870, %dma_wait3A_871] : memref<200016x64xf32, #tpu.memory_space<hbm>> -> memref<200016x64xf32, #tpu.memory_space<hbm>>
      tpu.wait_indirect_dma semaphore(%arg23 : memref<!tpu.dma_semaphore, #tpu.memory_space<semaphore_mem>>) src(%dma_wait3A_872 : memref<200016x64xf32, #tpu.memory_space<hbm>>) dst(%dma_wait3A_867 : memref<800x64xf32, #tpu.memory_space<vmem>>)
      %dma_start3A_873 = arith.constant 0 : i32
      %dma_start3A_874 = arith.constant 0 : i32
      %dma_start3A_875 = tpu.memref_slice %arg19[%dma_start3A_873, %dma_start3A_874] : memref<800x64xf32, #tpu.memory_space<vmem>> -> memref<800x64xf32, #tpu.memory_space<vmem>>
      %dma_start3A_876 = arith.constant 64 : i32
      %dma_start3A_877 = tpu.memref_slice %arg16[%add3A_799, %dma_start3A_876] : memref<204800x128xf32, #tpu.memory_space<hbm>> -> memref<800x64xf32, #tpu.memory_space<hbm>>
      %dma_start3A_878 = arith.constant 64 : i32
      %dma_start3A_879 = tpu.memref_slice %arg16[%add3A_799, %dma_start3A_878] : memref<204800x128xf32, #tpu.memory_space<hbm>> -> memref<800x64xf32, #tpu.memory_space<hbm>>
      %dma_start3A_880 = arith.constant 0 : i32
      %dma_start3A_881 = arith.constant 0 : i32
      %dma_start3A_882 = tpu.memref_slice %arg19[%dma_start3A_880, %dma_start3A_881] : memref<800x64xf32, #tpu.memory_space<vmem>> -> memref<800x64xf32, #tpu.memory_space<vmem>>
      tpu.enqueue_dma source(%dma_start3A_882 : memref<800x64xf32, #tpu.memory_space<vmem>>) target(%dma_start3A_879 : memref<800x64xf32, #tpu.memory_space<hbm>>) target_semaphore(%arg25 : memref<!tpu.dma_semaphore, #tpu.memory_space<semaphore_mem>>)
      %dma_start3A_883 = arith.constant 0 : i32
      %dma_start3A_884 = tpu.memref_slice %arg17[%dma_start3A_883] : memref<800xi32, #tpu.memory_space<vmem>> -> memref<800xi32, #tpu.memory_space<vmem>>
      %dma_start3A_885 = tpu.memref_slice %arg9[%min3A_860] : memref<204800xi32, #tpu.memory_space<hbm>> -> memref<800xi32, #tpu.memory_space<hbm>>
      %dma_start3A_886 = arith.constant 0 : i32
      %dma_start3A_887 = tpu.memref_slice %arg17[%dma_start3A_886] : memref<800xi32, #tpu.memory_space<vmem>> -> memref<800xi32, #tpu.memory_space<vmem>>
      %dma_start3A_888 = tpu.memref_slice %arg9[%min3A_860] : memref<204800xi32, #tpu.memory_space<hbm>> -> memref<800xi32, #tpu.memory_space<hbm>>
      tpu.enqueue_dma source(%dma_start3A_888 : memref<800xi32, #tpu.memory_space<hbm>>) target(%dma_start3A_887 : memref<800xi32, #tpu.memory_space<vmem>>) target_semaphore(%arg21 : memref<!tpu.dma_semaphore, #tpu.memory_space<semaphore_mem>>)
      %dma_wait3A_889 = arith.constant 0 : i32
      %dma_wait3A_890 = arith.constant 0 : i32
      %dma_wait3A_891 = tpu.memref_slice %arg20[%dma_wait3A_889, %dma_wait3A_890] : memref<800x64xf32, #tpu.memory_space<vmem>> -> memref<800x64xf32, #tpu.memory_space<vmem>>
      %dma_wait3A_892 = arith.constant 0 : i32
      %dma_wait3A_893 = tpu.memref_slice %arg18[%dma_wait3A_892] : memref<800xi32, #tpu.memory_space<vmem>> -> memref<800xi32, #tpu.memory_space<vmem>>
      %dma_wait3A_894 = arith.constant 0 : i32
      %dma_wait3A_895 = arith.constant 0 : i32
      %dma_wait3A_896 = tpu.memref_slice %arg13[%dma_wait3A_894, %dma_wait3A_895] : memref<200016x64xf32, #tpu.memory_space<hbm>> -> memref<200016x64xf32, #tpu.memory_space<hbm>>
      tpu.wait_indirect_dma semaphore(%arg24 : memref<!tpu.dma_semaphore, #tpu.memory_space<semaphore_mem>>) src(%dma_wait3A_896 : memref<200016x64xf32, #tpu.memory_space<hbm>>) dst(%dma_wait3A_891 : memref<800x64xf32, #tpu.memory_space<vmem>>)
      %dma_start3A_897 = arith.constant 0 : i32
      %dma_start3A_898 = arith.constant 0 : i32
      %dma_start3A_899 = tpu.memref_slice %arg20[%dma_start3A_897, %dma_start3A_898] : memref<800x64xf32, #tpu.memory_space<vmem>> -> memref<800x64xf32, #tpu.memory_space<vmem>>
      %dma_start3A_900 = arith.constant 64 : i32
      %dma_start3A_901 = tpu.memref_slice %arg16[%add3A_801, %dma_start3A_900] : memref<204800x128xf32, #tpu.memory_space<hbm>> -> memref<800x64xf32, #tpu.memory_space<hbm>>
      %dma_start3A_902 = arith.constant 64 : i32
      %dma_start3A_903 = tpu.memref_slice %arg16[%add3A_801, %dma_start3A_902] : memref<204800x128xf32, #tpu.memory_space<hbm>> -> memref<800x64xf32, #tpu.memory_space<hbm>>
      %dma_start3A_904 = arith.constant 0 : i32
      %dma_start3A_905 = arith.constant 0 : i32
      %dma_start3A_906 = tpu.memref_slice %arg20[%dma_start3A_904, %dma_start3A_905] : memref<800x64xf32, #tpu.memory_space<vmem>> -> memref<800x64xf32, #tpu.memory_space<vmem>>
      tpu.enqueue_dma source(%dma_start3A_906 : memref<800x64xf32, #tpu.memory_space<vmem>>) target(%dma_start3A_903 : memref<800x64xf32, #tpu.memory_space<hbm>>) target_semaphore(%arg26 : memref<!tpu.dma_semaphore, #tpu.memory_space<semaphore_mem>>)
      %dma_start3A_907 = arith.constant 0 : i32
      %dma_start3A_908 = tpu.memref_slice %arg18[%dma_start3A_907] : memref<800xi32, #tpu.memory_space<vmem>> -> memref<800xi32, #tpu.memory_space<vmem>>
      %dma_start3A_909 = tpu.memref_slice %arg9[%min3A_864] : memref<204800xi32, #tpu.memory_space<hbm>> -> memref<800xi32, #tpu.memory_space<hbm>>
      %dma_start3A_910 = arith.constant 0 : i32
      %dma_start3A_911 = tpu.memref_slice %arg18[%dma_start3A_910] : memref<800xi32, #tpu.memory_space<vmem>> -> memref<800xi32, #tpu.memory_space<vmem>>
      %dma_start3A_912 = tpu.memref_slice %arg9[%min3A_864] : memref<204800xi32, #tpu.memory_space<hbm>> -> memref<800xi32, #tpu.memory_space<hbm>>
      tpu.enqueue_dma source(%dma_start3A_912 : memref<800xi32, #tpu.memory_space<hbm>>) target(%dma_start3A_911 : memref<800xi32, #tpu.memory_space<vmem>>) target_semaphore(%arg22 : memref<!tpu.dma_semaphore, #tpu.memory_space<semaphore_mem>>)
    }
    %scan3A_753 = arith.constant 3 : i32
    %dma_wait3A_754 = arith.constant 0 : i32
    %dma_wait3A_755 = tpu.memref_slice %arg17[%dma_wait3A_754] : memref<800xi32, #tpu.memory_space<vmem>> -> memref<800xi32, #tpu.memory_space<vmem>>
    %dma_wait3A_756 = arith.constant 0 : i32
    %dma_wait3A_757 = tpu.memref_slice %arg9[%dma_wait3A_756] : memref<204800xi32, #tpu.memory_space<hbm>> -> memref<800xi32, #tpu.memory_space<hbm>>
    %dma_wait3A_758 = arith.constant 0 : i32
    %dma_wait3A_759 = tpu.memref_slice %arg17[%dma_wait3A_758] : memref<800xi32, #tpu.memory_space<vmem>> -> memref<800xi32, #tpu.memory_space<vmem>>
    %dma_wait3A_760 = arith.constant 0 : i32
    %dma_wait3A_761 = tpu.memref_slice %arg9[%dma_wait3A_760] : memref<204800xi32, #tpu.memory_space<hbm>> -> memref<800xi32, #tpu.memory_space<hbm>>
    tpu.wait_dma2 semaphore(%arg21 : memref<!tpu.dma_semaphore, #tpu.memory_space<semaphore_mem>>) src(%dma_wait3A_761 : memref<800xi32, #tpu.memory_space<hbm>>) dst(%dma_wait3A_759 : memref<800xi32, #tpu.memory_space<vmem>>)
    %dma_wait3A_762 = arith.constant 0 : i32
    %dma_wait3A_763 = tpu.memref_slice %arg18[%dma_wait3A_762] : memref<800xi32, #tpu.memory_space<vmem>> -> memref<800xi32, #tpu.memory_space<vmem>>
    %dma_wait3A_764 = arith.constant 0 : i32
    %dma_wait3A_765 = tpu.memref_slice %arg9[%dma_wait3A_764] : memref<204800xi32, #tpu.memory_space<hbm>> -> memref<800xi32, #tpu.memory_space<hbm>>
    %dma_wait3A_766 = arith.constant 0 : i32
    %dma_wait3A_767 = tpu.memref_slice %arg18[%dma_wait3A_766] : memref<800xi32, #tpu.memory_space<vmem>> -> memref<800xi32, #tpu.memory_space<vmem>>
    %dma_wait3A_768 = arith.constant 0 : i32
    %dma_wait3A_769 = tpu.memref_slice %arg9[%dma_wait3A_768] : memref<204800xi32, #tpu.memory_space<hbm>> -> memref<800xi32, #tpu.memory_space<hbm>>
    tpu.wait_dma2 semaphore(%arg22 : memref<!tpu.dma_semaphore, #tpu.memory_space<semaphore_mem>>) src(%dma_wait3A_769 : memref<800xi32, #tpu.memory_space<hbm>>) dst(%dma_wait3A_767 : memref<800xi32, #tpu.memory_space<vmem>>)
    %dma_wait3A_770 = arith.constant 0 : i32
    %dma_wait3A_771 = arith.constant 0 : i32
    %dma_wait3A_772 = tpu.memref_slice %arg19[%dma_wait3A_770, %dma_wait3A_771] : memref<800x64xf32, #tpu.memory_space<vmem>> -> memref<800x64xf32, #tpu.memory_space<vmem>>
    %dma_wait3A_773 = arith.constant 0 : i32
    %dma_wait3A_774 = arith.constant 64 : i32
    %dma_wait3A_775 = tpu.memref_slice %arg16[%dma_wait3A_773, %dma_wait3A_774] : memref<204800x128xf32, #tpu.memory_space<hbm>> -> memref<800x64xf32, #tpu.memory_space<hbm>>
    %dma_wait3A_776 = arith.constant 0 : i32
    %dma_wait3A_777 = arith.constant 64 : i32
    %dma_wait3A_778 = tpu.memref_slice %arg16[%dma_wait3A_776, %dma_wait3A_777] : memref<204800x128xf32, #tpu.memory_space<hbm>> -> memref<800x64xf32, #tpu.memory_space<hbm>>
    %dma_wait3A_779 = arith.constant 0 : i32
    %dma_wait3A_780 = arith.constant 0 : i32
    %dma_wait3A_781 = tpu.memref_slice %arg19[%dma_wait3A_779, %dma_wait3A_780] : memref<800x64xf32, #tpu.memory_space<vmem>> -> memref<800x64xf32, #tpu.memory_space<vmem>>
    tpu.wait_dma2 semaphore(%arg25 : memref<!tpu.dma_semaphore, #tpu.memory_space<semaphore_mem>>) src(%dma_wait3A_781 : memref<800x64xf32, #tpu.memory_space<vmem>>) dst(%dma_wait3A_778 : memref<800x64xf32, #tpu.memory_space<hbm>>)
    %dma_wait3A_782 = arith.constant 0 : i32
    %dma_wait3A_783 = arith.constant 0 : i32
    %dma_wait3A_784 = tpu.memref_slice %arg20[%dma_wait3A_782, %dma_wait3A_783] : memref<800x64xf32, #tpu.memory_space<vmem>> -> memref<800x64xf32, #tpu.memory_space<vmem>>
    %dma_wait3A_785 = arith.constant 0 : i32
    %dma_wait3A_786 = arith.constant 64 : i32
    %dma_wait3A_787 = tpu.memref_slice %arg16[%dma_wait3A_785, %dma_wait3A_786] : memref<204800x128xf32, #tpu.memory_space<hbm>> -> memref<800x64xf32, #tpu.memory_space<hbm>>
    %dma_wait3A_788 = arith.constant 0 : i32
    %dma_wait3A_789 = arith.constant 64 : i32
    %dma_wait3A_790 = tpu.memref_slice %arg16[%dma_wait3A_788, %dma_wait3A_789] : memref<204800x128xf32, #tpu.memory_space<hbm>> -> memref<800x64xf32, #tpu.memory_space<hbm>>
    %dma_wait3A_791 = arith.constant 0 : i32
    %dma_wait3A_792 = arith.constant 0 : i32
    %dma_wait3A_793 = tpu.memref_slice %arg20[%dma_wait3A_791, %dma_wait3A_792] : memref<800x64xf32, #tpu.memory_space<vmem>> -> memref<800x64xf32, #tpu.memory_space<vmem>>
    tpu.wait_dma2 semaphore(%arg26 : memref<!tpu.dma_semaphore, #tpu.memory_space<semaphore_mem>>) src(%dma_wait3A_793 : memref<800x64xf32, #tpu.memory_space<vmem>>) dst(%dma_wait3A_790 : memref<800x64xf32, #tpu.memory_space<hbm>>)
    return
  }
}

</mosaic_0001>

<sc_bundles>
// kernel: _run.3.cloned.1.call-start
scs
__scs_entry_jumppad:
0x0: {  	(pc) =	sbr.rel $0x88, $3  }
0x1: {  	(tag) =	ssettag $0x0;
	lr =	simm.s32 $0x1  }
0x2: {  	[smem:$0x3F95] =	sst lr;
	_ =	strace $0xD0000000  }
0x3: {  	_ = 	snop  }
0x4: {  	_ = 	snop  }
0x5: {  	_ = 	snop  }
0x6: {  	_ = 	snop  }
0x7: {  	_ = 	snop  }
__scs_overlays_trampoline_lowered:
0x8: {  	[smem:$0x3FA4] =	sst s0  }
0x9: {  	[smem:$0x3FA5] =	sst s1  }
0xa: {  	[smem:$0x3FA6] =	sst s2  }
0xb: {  	[smem:$0x3FA7] =	sst s3  }
0xc: {  	[smem:$0x3FA8] =	sst s4  }
0xd: {  	[smem:$0x3FA9] =	sst s5  }
0xe: {  	[smem:$0x3FAA] =	sst s6  }
0xf: {  	[smem:$0x3FAB] =	sst s7  }
0x10: {  	[smem:$0x3FAC] =	sst s8  }
0x11: {  	[smem:$0x3FAD] =	sst s9;
	s0 =	simm.s32 @!p0 $0x0  }
0x12: {  	s1 =	sld [smem:$0x3F93];
	s0 =	simm.s32 @p0 $0x1  }
0x13: {  	[smem:$0x3FAE] =	sst s0;
	s0 =	simm.s32 @!p1 $0x0  }
0x14: {  	s2 =	sld [smem:$0x3F92];
	s0 =	simm.s32 @p1 $0x1  }
0x15: {  	[smem:$0x3FAF] =	sst s0;
	s0 =	simm.s32 @!p2 $0x0  }
0x16: {  	s3 =	sld [smem:$0x3FDB];
	s0 =	simm.s32 @p2 $0x1  }
0x17: {  	s4 =	simm.s32 $0x1BF5;
	[smem:$0x3FB1] =	sst s0  }
0x18: {  	s0 =	sld [smem:$0x3F94];
	_ =	swait.ge [sflag:s4], $0x0  }
0x19: {  	s7 =	sld [smem:$0x3F95]  }
0x1a: {  	s8 =	sadd.s32 $0xFFFFE003, lr  }
0x1b: {  	s9 =	sadd.s32 $0xFFFFFEF7, lr;
	s5 =	simm.s32 $0xFFFFFFFF;
	p2 =	slt.u32 s8, $0xFFFFF086  }
0x1c: {  	p1 =	slt.u32 s9, $0xF7A;
	s5 =	simm.s32 @!p2 $0x0  }
0x1d: {  	s5 =	simm.s32 @p1 $0x1;
	p0 =	seq.s32 s7, s2  }
0x1e: {  	s7 =	smul.u32 @!p0 $0xF7A, s2;
	p2 =	seq.s32 @!p0 s5, $0x0  }
0x1f: {  	s9 =	smul.u32 $0xF7A, s1;
	s8 =	simm.s32 @!p0 $0x1BF5;
	p2 =	por !p2, p0  }
0x20: {  	[sflag:s8] =	ssyncset.s32 @!p0 $0xFFFFF086;
	s6 =	sadd.s32 @!p0 s3, s7;
	s7 =	simm.s32 @!p0 $0x108  }
0x21: {  	s3 =	sadd.s32 s3, s9;
	s6 =	sadd.s32 @!p0 $0x88, s6;
	s7 =	simm.s32 @p2 $0x1082  }
0x22: {  	[simem:s7], [sflag:s8] =	dma.local @!p0 [hbm:s6], $0xF7A  }
0x23: {  	s9 =	sor.u32 $0xD0000000, s2;
	s6 =	simm.s32 $0x108;
	_ =	swait.ge @!p0 [sflag:s8], $0x0  }
0x24: {  	s3 =	sadd.s32 $0x88, s3;
	s6 =	simm.s32 @!p1 $0x1082;
	[sflag:s4] =	ssyncset.s32 $0xFFFFF086  }
0x25: {  	[simem:s6], [sflag:s4] =	dma.local [hbm:s3], $0xF7A  }
0x26: {  	[smem:$0x3F95] =	sst s1;
	(tag) =	ssettag s2;
	_ =	strace s9  }
0x27: {  	s1 =	sld [smem:$0x3FA5]  }
0x28: {  	s2 =	sld [smem:$0x3FA6]  }
0x29: {  	s4 =	sld [smem:$0x3FA8]  }
0x2a: {  	p0 =	seq.s32 s5, $0x0;
	s5 =	sld [smem:$0x3FA9]  }
0x2b: {  	s6 =	sld [smem:$0x3FAA]  }
0x2c: {  	s7 =	sld [smem:$0x3FAB]  }
0x2d: {  	s3 =	simm.s32 $0x108;
	s8 =	sld [smem:$0x3FAC]  }
0x2e: {  	s3 =	simm.s32 @!p0 $0x1082;
	s9 =	sld [smem:$0x3FAD]  }
0x2f: {  	lr =	sadd.s32 s0, s3;
	s0 =	sld [smem:$0x3FA4]  }
0x30: {  	s3 =	sld [smem:$0x3FA7]  }
0x31: {  	[smem:$0x3FB0] =	sst s10  }
0x32: {  	s10 =	sld [smem:$0x3FAE];
	_ =	sdelay $0x3  }
0x33: {  	p0 =	seq.s32 s10, $0x1;
	s10 =	sld [smem:$0x3FB0];
	_ =	sdelay $0x3  }
0x34: {  	[smem:$0x3FB0] =	sst s10  }
0x35: {  	s10 =	sld [smem:$0x3FAF];
	_ =	sdelay $0x3  }
0x36: {  	p1 =	seq.s32 s10, $0x1;
	s10 =	sld [smem:$0x3FB0];
	_ =	sdelay $0x3  }
0x37: {  	[smem:$0x3FB0] =	sst s10  }
0x38: {  	s10 =	sld [smem:$0x3FB1]  }
0x39: {  	_ = 	snop;
	(pc) =	sbr.ind lr, $3  }
0x3a: {  	_ = 	snop  }
0x3b: {  	_ = 	snop  }
0x3c: {  	p2 =	seq.s32 s10, $0x1;
	s10 =	sld [smem:$0x3FB0]  }
0x3d: {  	_ =	shalt  }
0x3e: {  	_ =	shalt  }
0x3f: {  	_ =	shalt  }
0x40: {  	_ =	shalt  }
0x41: {  	_ =	shalt  }
0x42: {  	_ =	shalt  }
0x43: {  	_ =	shalt  }
0x44: {  	_ =	shalt  }
0x45: {  	_ =	shalt  }
0x46: {  	_ =	shalt  }
0x47: {  	_ =	shalt  }
0x48: {  	_ =	shalt  }
0x49: {  	_ =	shalt  }
0x4a: {  	_ =	shalt  }
0x4b: {  	_ =	shalt  }
0x4c: {  	_ =	shalt  }
0x4d: {  	_ =	shalt  }
0x4e: {  	_ =	shalt  }
0x4f: {  	_ =	shalt  }
0x50: {  	_ =	shalt  }
0x51: {  	_ =	shalt  }
0x52: {  	_ =	shalt  }
0x53: {  	_ =	shalt  }
0x54: {  	_ =	shalt  }
0x55: {  	_ =	shalt  }
0x56: {  	_ =	shalt  }
0x57: {  	_ =	shalt  }
0x58: {  	_ =	shalt  }
0x59: {  	_ =	shalt  }
0x5a: {  	_ =	shalt  }
0x5b: {  	_ =	shalt  }
0x5c: {  	_ =	shalt  }
0x5d: {  	_ =	shalt  }
0x5e: {  	_ =	shalt  }
0x5f: {  	_ =	shalt  }
0x60: {  	_ =	shalt  }
0x61: {  	_ =	shalt  }
0x62: {  	_ =	shalt  }
0x63: {  	_ =	shalt  }
0x64: {  	_ =	shalt  }
0x65: {  	_ =	shalt  }
0x66: {  	_ =	shalt  }
0x67: {  	_ =	shalt  }
0x68: {  	_ =	shalt  }
0x69: {  	_ =	shalt  }
0x6a: {  	_ =	shalt  }
0x6b: {  	_ =	shalt  }
0x6c: {  	_ =	shalt  }
0x6d: {  	_ =	shalt  }
0x6e: {  	_ =	shalt  }
0x6f: {  	_ =	shalt  }
0x70: {  	_ =	shalt  }
0x71: {  	_ =	shalt  }
0x72: {  	_ =	shalt  }
0x73: {  	_ =	shalt  }
0x74: {  	_ =	shalt  }
0x75: {  	_ =	shalt  }
0x76: {  	_ =	shalt  }
0x77: {  	_ =	shalt  }
0x78: {  	_ =	shalt  }
0x79: {  	_ =	shalt  }
0x7a: {  	_ =	shalt  }
0x7b: {  	_ =	shalt  }
0x7c: {  	_ =	shalt  }
0x7d: {  	_ =	shalt  }
0x7e: {  	_ =	shalt  }
0x7f: {  	_ =	shalt  }
0x80: {  	_ =	shalt  }
0x81: {  	_ =	shalt  }
0x82: {  	_ =	shalt  }
0x83: {  	_ =	shalt  }
0x84: {  	_ =	shalt  }
0x85: {  	_ =	shalt  }
0x86: {  	_ =	shalt  }
0x87: {  	_ =	shalt  }
.Lfunc_end0:
.L_simem_size_0:
called_computation_lowered:
.L_overlay_start_0:
0x88: {  	s2 =	sld [smem:$0x3FD9]  }
0x89: {  	s3 =	sld [smem:$0x3FFE];
	_ =	sdelay $0x1  }
0x8a: {  	s1 =	srdreg.scid  }
0x8b: {  	s0 =	sand.u32 $0x1, s1  }
0x8c: {  	s28 =	sshll.u32 s0, $0xA;
	s2 =	sadd.s32 s3, s2  }
0x8d: {  	s2 =	sadd.s32 s2, s28  }
0x8e: {  	[smem:$0x3FBC] =	sst s2  }
0x8f: {  	_ = 	snop  }
0x90: {  	s2 =	sld [smem:$0x3FC9]  }
0x91: {  	s29 =	sld [smem:$0x3FC8]  }
0x92: {  	s4 =	sld [smem:$0x3FC7]  }
0x93: {  	s5 =	sld [smem:$0x3FC6]  }
0x94: {  	s6 =	sld [smem:$0x3FC5]  }
0x95: {  	s7 =	sld [smem:$0x3FD0]  }
0x96: {  	s8 =	sld [smem:$0x3FC4]  }
0x97: {  	s9 =	sld [smem:$0x3FC3]  }
0x98: {  	s11 =	simm.s32 $0xA;
	s12 =	simm.s32 $0x10;
	s10 =	sld [smem:$0x3FC2]  }
0x99: {  	[smem:s12], [sflag:s11] =	dma.local [hbm:s7], $0x1  }
0x9a: {  	_ =	swait.eq [sflag:s11], $0x1  }
0x9b: {  	s30 =	sld [smem:$0x10];
	[sflag:s11] =	ssyncset.done $0x0  }
0x9c: {  	s31 =	sld [smem:$0x11];
	[sflag:s11] =	ssyncadd.s32 $0xFFFFFFFF  }
0x9d: {  	s18 =	sld [smem:$0x12];
	(tm) =	ssettm $0x1  }
0x9e: {  	s13 =	sld [smem:$0x3FFB];
	_ =	sdelay $0x3  }
0x9f: {  	_ =	strace s13  }
0xa0: {  	s13 =	sld [smem:$0x3FFC];
	_ =	sdelay $0x3  }
0xa1: {  	_ =	strace s13  }
0xa2: {  	s13 =	sld [smem:$0x3FFD];
	_ =	sdelay $0x3  }
0xa3: {  	_ =	strace s13  }
0xa4: {  	_ =	strace $0x8FFFFFFF  }
0xa5: {  	s19 =	sld [smem:$0x3FDB];
	_ =	sdelay $0x1  }
0xa6: {  	s14 =	simm.s32 $_scs_section_size  }
0xa7: {  	s15 =	simm.s32 $_size__tile_overlayer_lowered;
	s16 =	simm.s32 $_tile_overlayer_lowered  }
0xa8: {  	s22 =	simm.s32 $0x1BFF;
	s21 =	sshll.u32 s16, $0x1;
	s13 =	sadd.s32 s14, s19  }
0xa9: {  	s17 =	simm.s32 $0x0;
	s20 =	sshll.u32 s15, $0x1;
	s15 =	sadd.s32 s21, s13  }
0xaa: {  	[timem:s17], [sflag:s22] =	dma.local [hbm:s15], s20  }
0xab: {  	_ =	swait.ge [sflag:s22], s20  }
0xac: {  	s14 =	ssub.s32 $0x0, s20;
	[sflag:s22] =	ssyncset.done $0x0  }
0xad: {  	[sflag:s22] =	ssyncadd.s32 s14;
	_ =	sdelay $0x1  }
0xae: {  	s23 =	simm.s32 $0x1B8B  }
0xaf: {  	_ =	swait.ge [sflag:s23], $0x1  }
0xb0: {  	[sflag:s23] =	ssyncset.done $0x0  }
0xb1: {  	s25 =	simm.s32 $0x1B8E;
	s24 =	sld [smem:$0x3FFE];
	[sflag:s23] =	ssyncadd.s32 $0xFFFFFFFF  }
0xb2: {  	s26 =	simm.s32 $execute0_lowered;
	[smem:$0x3FD2] =	sst s25  }
0xb3: {  	s15 =	sshll.u32 s26, $0x1;
	_ =	strace $0x80000046;
	[dreg:$0x1] =	wrdreg $0xFFFFFFFF  }
0xb4: {  	s28 =	simm.s32 $_size_execute0_lowered;
	s13 =	sadd.s32 s13, s15;
	[dreg:$0x0] =	wrdreg $0x0  }
0xb5: {  	s15 =	sshll.u32 s28, $0x1;
	[dreg:$0x2] =	wrdreg s13  }
0xb6: {  	[dreg:$0x3] =	wrdreg s15  }
0xb7: {  	[dreg:$0x4] =	wrdreg $0xC0  }
0xb8: {  	_ =	task [dreg:s17], $0x5FFFF  }
0xb9: {  	[dreg:$0x1] =	wrdreg $0xFFFFFFFF  }
0xba: {  	[dreg:$0x0] =	wrdreg $0x60  }
0xbb: {  	[dreg:$0x2] =	wrdreg s2  }
0xbc: {  	[dreg:$0x3] =	wrdreg s29  }
0xbd: {  	[dreg:$0x4] =	wrdreg s4  }
0xbe: {  	[dreg:$0x5] =	wrdreg s5  }
0xbf: {  	[dreg:$0x6] =	wrdreg s6  }
0xc0: {  	[dreg:$0x7] =	wrdreg s8  }
0xc1: {  	[dreg:$0x8] =	wrdreg s9  }
0xc2: {  	[dreg:$0x9] =	wrdreg s10  }
0xc3: {  	[dreg:$0xa] =	wrdreg s24  }
0xc4: {  	[dreg:$0xb] =	wrdreg s30  }
0xc5: {  	[dreg:$0xc] =	wrdreg s31  }
0xc6: {  	[dreg:$0xd] =	wrdreg s18  }
0xc7: {  	[dreg:$0xe] =	wrdreg $0x9  }
0xc8: {  	_ =	task.clear_ibuf [dreg:s17], $0xFFFFF;
	_ =	strace $0x90000046  }
0xc9: {  	s29 =	simm.s32 $0x9;
	_ =	strace $0x80000048  }
0xca: {  	_ =	swait.ge [sflag:s29], $0x1  }
0xcb: {  	[sflag:s29] =	ssyncadd.s32 $0xFFFFFFFF  }
0xcc: {  	_ =	strace $0x90000048  }
0xcd: {  	_ =	sfence  }
0xce: {  	s30 =	sld [smem:$0x0];
	_ =	sdelay $0x2  }
0xcf: {  	s31 =	sshll.u32 s1, $0xD;
	s1 =	sshrl.u32 s1, $0x2  }
0xd0: {  	s3 =	sand.u32 $0x4000, s31;
	s1 =	sadd.s32 s1, s30  }
0xd1: {  	s0 =	sor.u32 s3, s0;
	s1 =	sshll.u32 s1, $0x11  }
0xd2: {  	s0 =	sor.u32 s1, s0  }
0xd3: {  	s0 =	sadd.s32 $0x8F2B, s0  }
0xd4: {  	[sflag:s0] =	ssyncadd.remote.s32 $0x1  }
0xd5: {  	_ =	sfence.sel $0xFFFF  }
0xd6: {  	[dreg:$0x0] =	wrdreg $0xFFFFFFFF;
	(pc) =	sbr.abs _section_cstart, $3  }
0xd7: {  	[dreg:$0x1] =	wrdreg $0xFFFFFFFF  }
0xd8: {  	_ =	task.clear_ibuf [dreg:s17], $0x2FFFF;
	_ =	strace $0x9FFFFFFF  }
0xd9: {  	(tm) =	ssettm $0x7FFFFFFF  }
tec
execute0_lowered:
.L_overlay_start_1:
0x0: {  	(tag) =	ssettag $0x1  }
0x1: {  	s1 =	rddreg [dreg:$0x0]  }
0x2: {  	s10 =	rddreg [dreg:$0x1]  }
0x3: {  	s11 =	rddreg [dreg:$0x2]  }
0x4: {  	s12 =	rddreg [dreg:$0x3]  }
0x5: {  	s8 =	rddreg [dreg:$0x4]  }
0x6: {  	s7 =	rddreg [dreg:$0x5]  }
0x7: {  	s4 =	rddreg [dreg:$0x6]  }
0x8: {  	s0 =	rddreg [dreg:$0x7]  }
0x9: {  	s3 =	rddreg [dreg:$0x8]  }
0xa: {  	s2 =	rddreg [dreg:$0x9]  }
0xb: {  	s9 =	rddreg [dreg:$0xa]  }
0xc: {  	s6 =	srdreg.scid;
	s13 =	stileid.u32  }
0xd: {  	s5 =	rddreg [dreg:$0xb];
	s6 =	sand.u32 $0x1, s6;
	s13 =	sshll.u32 s13, $0x1  }
0xe: {  	[dreg:$0xe] =	wrdreg s2;
	s2 =	simm.s32 $0x0;
	s14 =	sor.u32 s6, s13  }
0xf: {  	s24 =	sadd.s32 $0x187600, s3;
	[smem:$0x7FF] =	sst s2;
	s15 =	sshll.u32 s14, $0x4  }
0x10: {  	_ =	strace $0x80000047;
	[dreg:$0xd] =	wrdreg s24;
	s1 =	sadd.s32 s1, s15  }
0x11: {  	s26 =	sadd.s32 s10, s15;
	[dreg:$0xf] =	wrdreg s1  }
0x12: {  	s25 =	sshll.u32 s14, $0xC;
	s13 =	sadd.s32 s11, s15;
	[dreg:$0x10] =	wrdreg s26  }
0x13: {  	s16 =	sadd.s32 s25, s3;
	s18 =	sadd.s32 s12, s15;
	[dreg:$0x12] =	wrdreg s13  }
0x14: {  	s10 =	sadd.s32 $0x30E200, s16;
	[dreg:$0x14] =	wrdreg s18  }
0x15: {  	s17 =	sadd.s32 $0x30E208, s16;
	[dreg:$0x11] =	wrdreg s10  }
0x16: {  	s19 =	sadd.s32 $0x30E210, s16;
	s13 =	smul.u32 $0x1900, s14;
	[dreg:$0x13] =	wrdreg s17  }
0x17: {  	s20 =	sadd.s32 $0x30E218, s16;
	s14 =	smul.u32 $0x19000, s14;
	[dreg:$0x15] =	wrdreg s19  }
0x18: {  	[dreg:$0x16] =	wrdreg s20  }
0x19: {  	s15 =	sshrl.u32 s13, $0x3;
	s21 =	sadd.s32 $0x320, s13;
	s24 =	sadd.s32 s9, s14  }
0x1a: {  	s12 =	sadd.s32 $0x640, s13;
	s22 =	sadd.s32 s8, s15;
	[dreg:$0x19] =	wrdreg s24  }
0x1b: {  	s11 =	sshrl.u32 s21, $0x3;
	s19 =	sadd.s32 s7, s15;
	[dreg:$0x17] =	wrdreg s22  }
0x1c: {  	s16 =	sshrl.u32 s12, $0x3;
	s23 =	sadd.s32 s8, s11;
	[dreg:$0x1d] =	wrdreg s19  }
0x1d: {  	s1 =	sshll.u32 s21, $0x4;
	s25 =	sadd.s32 s8, s16;
	[dreg:$0x18] =	wrdreg s23  }
0x1e: {  	s17 =	sadd.s32 $0x12C, s15;
	s26 =	sadd.s32 s9, s1;
	[dreg:$0x1a] =	wrdreg s25  }
0x1f: {  	s18 =	sadd.s32 s8, s17;
	[dreg:$0x1b] =	wrdreg s26  }
0x20: {  	s20 =	sadd.s32 s7, s11;
	[dreg:$0x1c] =	wrdreg s18  }
0x21: {  	s22 =	sadd.s32 s7, s16;
	[dreg:$0x1e] =	wrdreg s20  }
0x22: {  	s24 =	sadd.s32 s7, s17;
	[smem:$0x7CC] =	sst s22  }
0x23: {  	s19 =	sor.u32 $0x8, s1;
	s1 =	sadd.s32 s5, s1;
	[smem:$0x7CE] =	sst s24  }
0x24: {  	s23 =	sadd.s32 s9, s19;
	[smem:$0x7D3] =	sst s1  }
0x25: {  	s25 =	sadd.s32 s4, s15;
	[smem:$0x7CD] =	sst s23  }
0x26: {  	s26 =	sadd.s32 s4, s11;
	[smem:$0x7CF] =	sst s25  }
0x27: {  	s20 =	sadd.s32 s5, s14;
	[smem:$0x7D0] =	sst s26  }
0x28: {  	s22 =	sadd.s32 s4, s17;
	[smem:$0x7D1] =	sst s20  }
0x29: {  	s24 =	sadd.s32 s0, s11;
	[smem:$0x7D4] =	sst s22  }
0x2a: {  	s10 =	sadd.s32 s5, s19;
	[smem:$0x7D6] =	sst s24  }
0x2b: {  	s18 =	sor.u32 $0x8, s14;
	s11 =	sadd.s32 s0, s17;
	[smem:$0x7D9] =	sst s10  }
0x2c: {  	s21 =	sadd.s32 s9, s18;
	[smem:$0x7DA] =	sst s11  }
0x2d: {  	s23 =	sadd.s32 s0, s15;
	[dreg:$0x1f] =	wrdreg s21  }
0x2e: {  	s25 =	sadd.s32 s5, s18;
	[smem:$0x7D5] =	sst s23  }
0x2f: {  	s26 =	sadd.s32 s0, s16;
	s10 =	sshll.u32 s12, $0x4;
	[smem:$0x7D7] =	sst s25  }
0x30: {  	s11 =	sadd.s32 $0x190, s15;
	s21 =	sadd.s32 s4, s16;
	[smem:$0x7D8] =	sst s26  }
0x31: {  	s18 =	sadd.s32 $0x3200, s9;
	s16 =	sadd.s32 s9, s10;
	[smem:$0x7D2] =	sst s21  }
0x32: {  	s12 =	sadd.s32 $0x1F4, s15;
	s17 =	sadd.s32 s8, s11;
	[smem:$0x7DB] =	sst s16  }
0x33: {  	s15 =	sadd.s32 $0x2BC, s15;
	s19 =	sadd.s32 s10, s18;
	[smem:$0x7DC] =	sst s17  }
0x34: {  	s20 =	sadd.s32 s8, s12;
	s25 =	sadd.s32 s8, s15;
	[smem:$0x7DD] =	sst s19  }
0x35: {  	s21 =	sadd.s32 $0x12C0, s13;
	s13 =	sadd.s32 $0xC800, s14;
	[smem:$0x7DE] =	sst s20  }
0x36: {  	[smem:$0x7E2] =	sst s25;
	s25 =	sadd.s32 s7, s11;
	s22 =	sadd.s32 s9, s13  }
0x37: {  	s14 =	sshrl.u32 s21, $0x3;
	s24 =	sadd.s32 s13, s18;
	[smem:$0x7E8] =	sst s25  }
0x38: {  	s26 =	smin.u32 s21, $0x316A0;
	s16 =	sshll.u32 s21, $0x4;
	[smem:$0x7DF] =	sst s22  }
0x39: {  	s21 =	smin.u32 s21, $0x31380;
	s23 =	sadd.s32 s8, s14;
	[smem:$0x7E1] =	sst s24  }
0x3a: {  	s19 =	sshrl.u32 s26, $0x3;
	s20 =	sadd.s32 s9, s16;
	[smem:$0x7E0] =	sst s23  }
0x3b: {  	s22 =	sadd.s32 s16, s18;
	s17 =	sadd.s32 $0xC8, s19;
	[smem:$0x7E3] =	sst s20  }
0x3c: {  	s19 =	sshrl.u32 s21, $0x3;
	[smem:$0x7E5] =	sst s22;
	s21 =	sadd.s32 s7, s14  }
0x3d: {  	s1 =	sadd.s32 s8, s17;
	[smem:$0x7EC] =	sst s21  }
0x3e: {  	s25 =	sadd.s32 s7, s17;
	[smem:$0x7E4] =	sst s1  }
0x3f: {  	s21 =	sadd.s32 s4, s12;
	[smem:$0x7F0] =	sst s25  }
0x40: {  	s18 =	sadd.s32 $0x12C, s19;
	[smem:$0x7F6] =	sst s21  }
0x41: {  	s19 =	sadd.s32 $0x8, s9;
	s23 =	sadd.s32 s8, s18;
	s1 =	rddreg [dreg:$0xf]  }
0x42: {  	s24 =	sadd.s32 s10, s19;
	[smem:$0x7E6] =	sst s23  }
0x43: {  	s8 =	sadd.s32 $0x3208, s9;
	s9 =	sadd.s32 s7, s12;
	[smem:$0x7E7] =	sst s24  }
0x44: {  	s20 =	sadd.s32 s13, s19;
	[smem:$0x7EA] =	sst s9  }
0x45: {  	s26 =	sadd.s32 s10, s8;
	[smem:$0x7EB] =	sst s20  }
0x46: {  	p0 =	por $0x0, $0x0;
	s22 =	sadd.s32 s13, s8;
	[smem:$0x7E9] =	sst s26  }
0x47: {  	s28 =	sadd.s32 $0x1E85400, s3;
	s23 =	sadd.s32 s7, s15;
	[smem:$0x7ED] =	sst s22  }
0x48: {  	s6 =	ssub.s32 $0x2, s6;
	s24 =	sadd.s32 s16, s19;
	[smem:$0x7EE] =	sst s23  }
0x49: {  	s3 =	sadd.s32 $0xA00, s3;
	s9 =	sadd.s32 s5, s10;
	[smem:$0x7EF] =	sst s24  }
0x4a: {  	s25 =	sshrl.u32 s6, $0x1;
	s19 =	sadd.s32 s4, s11;
	[smem:$0x7F3] =	sst s9  }
0x4b: {  	s6 =	ssub.s32 s6, s25;
	s25 =	sadd.s32 s4, s17;
	[smem:$0x7F4] =	sst s19  }
0x4c: {  	s26 =	sadd.s32 s16, s8;
	s8 =	sadd.s32 s7, s18;
	[smem:$0x7FC] =	sst s25  }
0x4d: {  	s7 =	sadd.s32 $0x3200, s5;
	s22 =	sadd.s32 s5, s13;
	[smem:$0x7F1] =	sst s26  }
0x4e: {  	s23 =	sadd.s32 s4, s14;
	s9 =	sadd.s32 $0x8, s5;
	[smem:$0x7F2] =	sst s8  }
0x4f: {  	s31 =	smax.u32 s6, $0x1;
	s20 =	sadd.s32 s10, s7;
	[smem:$0x7F7] =	sst s22  }
0x50: {  	[smem:$0x7F8] =	sst s23;
	s24 =	sadd.s32 s13, s7;
	s26 =	sadd.s32 s4, s15  }
0x51: {  	s8 =	sadd.s32 s5, s16;
	s5 =	sadd.s32 $0x3208, s5;
	s30 =	sadd.s32 s16, s7  }
0x52: {  	s25 =	sadd.s32 s10, s9;
	s21 =	sadd.s32 s13, s9;
	s22 =	sadd.s32 s0, s14  }
0x53: {  	s9 =	sadd.s32 s16, s9;
	s7 =	sadd.s32 s0, s18;
	[smem:$0x7F5] =	sst s20  }
0x54: {  	s14 =	simm.s32 $0xCE40;
	p1 =	sne.s32 s31, $0x1;
	[smem:$0x7F9] =	sst s24  }
0x55: {  	s29 =	sadd.s32 $0xFFFFFFFF, s31;
	s31 =	simm.s32 $0x100;
	[smem:$0x7FA] =	sst s26  }
0x56: {  	[smem:$0x7FB] =	sst s8;
	s26 =	sadd.s32 s4, s18;
	s23 =	sadd.s32 s10, s5  }
0x57: {  	s24 =	sadd.s32 s0, s12;
	s19 =	sadd.s32 s13, s5;
	s20 =	sadd.s32 s0, s15  }
.Ltmp0:
0x58: {  	s10 =	sadd.s32 s0, s17;
	s6 =	sadd.s32 s16, s5;
	(pc) =	sbr.rel @!p1 .LBB2_1-.Ltmp0, $4  }
0x59: {  	s8 =	simm.s32 $0x320;
	s4 =	simm.s32 $0x1;
	s12 =	simm.s32 $0x80  }
0x5a: {  	s15 =	simm.s32 $0x640;
	s5 =	simm.s32 $0x2;
	s18 =	simm.s32 $0x3  }
0x5b: {  	s16 =	simm.s32 $0x40;
	s17 =	simm.s32 $0x4;
	s13 =	simm.s32 $0x5  }
0x5c: {  	[smem:$0x7FD] =	sst s26;
	s26 =	sadd.s32 s0, s11;
	s11 =	simm.s32 $0x6  }
0x5d: {  	[smem:$0x7CB] =	sst s29  }
0x5e: {  	[tilespmem:s2], [sflag:$0x1] =	stream.linear.gather [hbm4b:s1+s2], $0x80, $0x38;
	[tilespmem:$0x19640] =	vst v63  }
0x5f: {  	s0 =	rddreg [dreg:$0x10]  }
0x60: {  	[tilespmem:s8], [sflag:$0x2] =	stream.linear.gather [hbm4b:s0+s2], $0x80, $0x38;
	[tilespmem:$0x19640] =	vst v63  }
0x61: {  	_ =	swait.ge [sflag:s4], $0x80  }
0x62: {  	[sflag:s4] =	ssyncset.done $0x0  }
0x63: {  	s1 =	rddreg [dreg:$0xd];
	[sflag:s4] =	ssyncadd.s32 $0xFFFFFF80  }
0x64: {  	[tilespmem:s15], [sflag:$0x3] =	stream.indirect.gather [hbm4b:s1+s12], $0x40, s2, s12, $0xb8;
	[tilespmem:$0x19640] =	vst v63  }
0x65: {  	_ =	swait.ge [sflag:s5], $0x80  }
0x66: {  	[sflag:s5] =	ssyncset.done $0x0  }
0x67: {  	s29 =	rddreg [dreg:$0xe];
	[sflag:s5] =	ssyncadd.s32 $0xFFFFFF80  }
0x68: {  	[tilespmem:s14], [sflag:$0x4] =	stream.indirect.gather [hbm4b:s29+s12], $0x40, s8, s12, $0xb8;
	[tilespmem:$0x19640] =	vst v63  }
0x69: {  	_ =	swait.ge [sflag:s18], $0x2000  }
0x6a: {  	[sflag:s18] =	ssyncset.done $0x0  }
0x6b: {  	s1 =	rddreg [dreg:$0x11];
	[sflag:s18] =	ssyncadd.s32 $0xFFFFE000  }
0x6c: {  	[hbm4b:s1+s16] =	stream.strided.scatter [tilespmem:s15], [sflag:$0x5], $0x2000, s31, s16, $0x38;
	[tilespmem:$0x19640] =	vst v63  }
0x6d: {  	s29 =	rddreg [dreg:$0x12]  }
0x6e: {  	[tilespmem:s2], [sflag:$0x1] =	stream.linear.gather [hbm4b:s29+s2], $0x80, $0x38;
	[tilespmem:$0x19640] =	vst v63  }
0x6f: {  	_ =	swait.ge [sflag:s17], $0x2000  }
0x70: {  	[sflag:s17] =	ssyncset.done $0x0  }
0x71: {  	s1 =	rddreg [dreg:$0x13];
	[sflag:s17] =	ssyncadd.s32 $0xFFFFE000  }
0x72: {  	[hbm4b:s1+s16] =	stream.strided.scatter [tilespmem:s14], [sflag:$0x6], $0x2000, s31, s16, $0x38;
	[tilespmem:$0x19640] =	vst v63  }
0x73: {  	s29 =	rddreg [dreg:$0x14]  }
0x74: {  	[tilespmem:s8], [sflag:$0x2] =	stream.linear.gather [hbm4b:s29+s2], $0x80, $0x38;
	[tilespmem:$0x19640] =	vst v63  }
0x75: {  	_ =	swait.ge [sflag:s4], $0x80  }
0x76: {  	[sflag:s4] =	ssyncset.done $0x0  }
0x77: {  	[sflag:s4] =	ssyncadd.s32 $0xFFFFFF80  }
0x78: {  	_ =	swait.ge [sflag:s13], $0x2000  }
0x79: {  	[sflag:s13] =	ssyncset.done $0x0  }
0x7a: {  	[sflag:s13] =	ssyncadd.s32 $0xFFFFE000  }
0x7b: {  	[tilespmem:s15], [sflag:$0x3] =	stream.indirect.gather [hbm4b:s28+s12], $0x40, s2, s12, $0xb8;
	[tilespmem:$0x19640] =	vst v63  }
0x7c: {  	_ =	swait.ge [sflag:s5], $0x80  }
0x7d: {  	[sflag:s5] =	ssyncset.done $0x0  }
0x7e: {  	[sflag:s5] =	ssyncadd.s32 $0xFFFFFF80  }
0x7f: {  	_ =	swait.ge [sflag:s11], $0x2000  }
0x80: {  	[sflag:s11] =	ssyncset.done $0x0  }
0x81: {  	[sflag:s11] =	ssyncadd.s32 $0xFFFFE000  }
0x82: {  	[tilespmem:s14], [sflag:$0x4] =	stream.indirect.gather [hbm4b:s3+s12], $0x40, s8, s12, $0xb8;
	[tilespmem:$0x19640] =	vst v63  }
0x83: {  	_ =	swait.ge [sflag:s18], $0x2000  }
0x84: {  	[sflag:s18] =	ssyncset.done $0x0  }
0x85: {  	s1 =	rddreg [dreg:$0x15];
	[sflag:s18] =	ssyncadd.s32 $0xFFFFE000  }
0x86: {  	[hbm4b:s1+s16] =	stream.strided.scatter [tilespmem:s15], [sflag:$0x5], $0x2000, s31, s16, $0x38;
	[tilespmem:$0x19640] =	vst v63  }
0x87: {  	_ =	swait.ge [sflag:s17], $0x2000  }
0x88: {  	[sflag:s17] =	ssyncset.done $0x0  }
0x89: {  	s29 =	rddreg [dreg:$0x16];
	[sflag:s17] =	ssyncadd.s32 $0xFFFFE000  }
0x8a: {  	[hbm4b:s29+s16] =	stream.strided.scatter [tilespmem:s14], [sflag:$0x6], $0x2000, s31, s16, $0x38;
	[tilespmem:$0x19640] =	vst v63  }
0x8b: {  	s1 =	rddreg [dreg:$0x17]  }
0x8c: {  	[tilespmem:s2], [sflag:$0x1] =	stream.linear.gather [hbm4b:s1+s2], $0x320, $0x38;
	[tilespmem:$0x19640] =	vst v63  }
0x8d: {  	s29 =	rddreg [dreg:$0x18]  }
0x8e: {  	[tilespmem:s8], [sflag:$0x2] =	stream.linear.gather [hbm4b:s29+s2], $0x320, $0x38;
	[tilespmem:$0x19640] =	vst v63  }
0x8f: {  	_ =	swait.ge [sflag:s4], $0x320  }
0x90: {  	[sflag:s4] =	ssyncset.done $0x0  }
0x91: {  	[sflag:s4] =	ssyncadd.s32 $0xFFFFFCE0  }
0x92: {  	_ =	swait.ge [sflag:s13], $0x2000  }
0x93: {  	[sflag:s13] =	ssyncset.done $0x0  }
0x94: {  	[sflag:s13] =	ssyncadd.s32 $0xFFFFE000  }
0x95: {  	[tilespmem:s15], [sflag:$0x3] =	stream.indirect.gather [hbm4b:s28+s8], $0x40, s2, s8, $0xb8;
	[tilespmem:$0x19640] =	vst v63  }
0x96: {  	_ =	swait.ge [sflag:s5], $0x320  }
0x97: {  	[sflag:s5] =	ssyncset.done $0x0  }
0x98: {  	[sflag:s5] =	ssyncadd.s32 $0xFFFFFCE0  }
0x99: {  	_ =	swait.ge [sflag:s11], $0x2000  }
0x9a: {  	[sflag:s11] =	ssyncset.done $0x0  }
0x9b: {  	[sflag:s11] =	ssyncadd.s32 $0xFFFFE000  }
0x9c: {  	[tilespmem:s14], [sflag:$0x4] =	stream.indirect.gather [hbm4b:s28+s8], $0x40, s8, s8, $0xb8;
	[tilespmem:$0x19640] =	vst v63  }
0x9d: {  	_ =	swait.ge [sflag:s18], $0xC800  }
0x9e: {  	[sflag:s18] =	ssyncset.done $0x0  }
0x9f: {  	s1 =	rddreg [dreg:$0x19];
	[sflag:s18] =	ssyncadd.s32 $0xFFFF3800  }
0xa0: {  	[hbm4b:s1+s16] =	stream.strided.scatter [tilespmem:s15], [sflag:$0x5], $0xC800, s12, s16, $0x38;
	[tilespmem:$0x19640] =	vst v63  }
0xa1: {  	s29 =	rddreg [dreg:$0x1a]  }
0xa2: {  	[tilespmem:s2], [sflag:$0x1] =	stream.linear.gather [hbm4b:s29+s2], $0x320, $0x38;
	[tilespmem:$0x19640] =	vst v63  }
0xa3: {  	_ =	swait.ge [sflag:s17], $0xC800  }
0xa4: {  	[sflag:s17] =	ssyncset.done $0x0  }
0xa5: {  	s1 =	rddreg [dreg:$0x1b];
	[sflag:s17] =	ssyncadd.s32 $0xFFFF3800  }
0xa6: {  	[hbm4b:s1+s16] =	stream.strided.scatter [tilespmem:s14], [sflag:$0x6], $0xC800, s12, s16, $0x38;
	[tilespmem:$0x19640] =	vst v63  }
0xa7: {  	s29 =	rddreg [dreg:$0x1c]  }
0xa8: {  	[tilespmem:s8], [sflag:$0x2] =	stream.linear.gather [hbm4b:s29+s2], $0x320, $0x38;
	[tilespmem:$0x19640] =	vst v63  }
0xa9: {  	_ =	swait.ge [sflag:s4], $0x320  }
0xaa: {  	[sflag:s4] =	ssyncset.done $0x0  }
0xab: {  	[sflag:s4] =	ssyncadd.s32 $0xFFFFFCE0  }
0xac: {  	_ =	swait.ge [sflag:s13], $0xC800  }
0xad: {  	[sflag:s13] =	ssyncset.done $0x0  }
0xae: {  	[sflag:s13] =	ssyncadd.s32 $0xFFFF3800  }
0xaf: {  	[tilespmem:s15], [sflag:$0x3] =	stream.indirect.gather [hbm4b:s28+s8], $0x40, s2, s8, $0xb8;
	[tilespmem:$0x19640] =	vst v63  }
0xb0: {  	_ =	swait.ge [sflag:s5], $0x320  }
0xb1: {  	[sflag:s5] =	ssyncset.done $0x0  }
0xb2: {  	[sflag:s5] =	ssyncadd.s32 $0xFFFFFCE0  }
0xb3: {  	_ =	swait.ge [sflag:s11], $0xC800  }
0xb4: {  	[sflag:s11] =	ssyncset.done $0x0  }
0xb5: {  	[sflag:s11] =	ssyncadd.s32 $0xFFFF3800  }
0xb6: {  	[tilespmem:s14], [sflag:$0x4] =	stream.indirect.gather [hbm4b:s28+s8], $0x40, s8, s8, $0xb8;
	[tilespmem:$0x19640] =	vst v63  }
0xb7: {  	_ =	swait.ge [sflag:s18], $0xC800  }
0xb8: {  	s1 =	sld [smem:$0x7DB]  }
0xb9: {  	[sflag:s18] =	ssyncset.done $0x0  }
0xba: {  	s29 =	sld [smem:$0x7DC];
	[sflag:s18] =	ssyncadd.s32 $0xFFFF3800  }
0xbb: {  	[hbm4b:s1+s16] =	stream.strided.scatter [tilespmem:s15], [sflag:$0x5], $0xC800, s12, s16, $0x38;
	[tilespmem:$0x19640] =	vst v63  }
0xbc: {  	_ = 	snop  }
0xbd: {  	[tilespmem:s2], [sflag:$0x1] =	stream.linear.gather [hbm4b:s29+s2], $0x320, $0x38;
	[tilespmem:$0x19640] =	vst v63  }
0xbe: {  	_ =	swait.ge [sflag:s17], $0xC800  }
0xbf: {  	s1 =	sld [smem:$0x7DD]  }
0xc0: {  	[sflag:s17] =	ssyncset.done $0x0  }
0xc1: {  	s29 =	sld [smem:$0x7DE];
	[sflag:s17] =	ssyncadd.s32 $0xFFFF3800  }
0xc2: {  	[hbm4b:s1+s16] =	stream.strided.scatter [tilespmem:s14], [sflag:$0x6], $0xC800, s12, s16, $0x38;
	[tilespmem:$0x19640] =	vst v63  }
0xc3: {  	_ = 	snop  }
0xc4: {  	[tilespmem:s8], [sflag:$0x2] =	stream.linear.gather [hbm4b:s29+s2], $0x320, $0x38;
	[tilespmem:$0x19640] =	vst v63  }
0xc5: {  	_ =	swait.ge [sflag:s4], $0x320  }
0xc6: {  	[sflag:s4] =	ssyncset.done $0x0  }
0xc7: {  	[sflag:s4] =	ssyncadd.s32 $0xFFFFFCE0  }
0xc8: {  	_ =	swait.ge [sflag:s13], $0xC800  }
0xc9: {  	[sflag:s13] =	ssyncset.done $0x0  }
0xca: {  	[sflag:s13] =	ssyncadd.s32 $0xFFFF3800  }
0xcb: {  	[tilespmem:s15], [sflag:$0x3] =	stream.indirect.gather [hbm4b:s28+s8], $0x40, s2, s8, $0xb8;
	[tilespmem:$0x19640] =	vst v63  }
0xcc: {  	_ =	swait.ge [sflag:s5], $0x320  }
0xcd: {  	[sflag:s5] =	ssyncset.done $0x0  }
0xce: {  	[sflag:s5] =	ssyncadd.s32 $0xFFFFFCE0  }
0xcf: {  	_ =	swait.ge [sflag:s11], $0xC800  }
0xd0: {  	[sflag:s11] =	ssyncset.done $0x0  }
0xd1: {  	[sflag:s11] =	ssyncadd.s32 $0xFFFF3800  }
0xd2: {  	[tilespmem:s14], [sflag:$0x4] =	stream.indirect.gather [hbm4b:s28+s8], $0x40, s8, s8, $0xb8;
	[tilespmem:$0x19640] =	vst v63  }
0xd3: {  	_ =	swait.ge [sflag:s18], $0xC800  }
0xd4: {  	s1 =	sld [smem:$0x7DF]  }
0xd5: {  	[sflag:s18] =	ssyncset.done $0x0  }
0xd6: {  	s29 =	sld [smem:$0x7E0];
	[sflag:s18] =	ssyncadd.s32 $0xFFFF3800  }
0xd7: {  	[hbm4b:s1+s16] =	stream.strided.scatter [tilespmem:s15], [sflag:$0x5], $0xC800, s12, s16, $0x38;
	[tilespmem:$0x19640] =	vst v63  }
0xd8: {  	_ = 	snop  }
0xd9: {  	[tilespmem:s2], [sflag:$0x1] =	stream.linear.gather [hbm4b:s29+s2], $0x320, $0x38;
	[tilespmem:$0x19640] =	vst v63  }
0xda: {  	_ =	swait.ge [sflag:s17], $0xC800  }
0xdb: {  	s1 =	sld [smem:$0x7E1]  }
0xdc: {  	[sflag:s17] =	ssyncset.done $0x0  }
0xdd: {  	s29 =	sld [smem:$0x7E2];
	[sflag:s17] =	ssyncadd.s32 $0xFFFF3800  }
0xde: {  	[hbm4b:s1+s16] =	stream.strided.scatter [tilespmem:s14], [sflag:$0x6], $0xC800, s12, s16, $0x38;
	[tilespmem:$0x19640] =	vst v63  }
0xdf: {  	_ = 	snop  }
0xe0: {  	[tilespmem:s8], [sflag:$0x2] =	stream.linear.gather [hbm4b:s29+s2], $0x320, $0x38;
	[tilespmem:$0x19640] =	vst v63  }
0xe1: {  	_ =	swait.ge [sflag:s4], $0x320  }
0xe2: {  	[sflag:s4] =	ssyncset.done $0x0  }
0xe3: {  	[sflag:s4] =	ssyncadd.s32 $0xFFFFFCE0  }
0xe4: {  	_ =	swait.ge [sflag:s13], $0xC800  }
0xe5: {  	[sflag:s13] =	ssyncset.done $0x0  }
0xe6: {  	[sflag:s13] =	ssyncadd.s32 $0xFFFF3800  }
0xe7: {  	[tilespmem:s15], [sflag:$0x3] =	stream.indirect.gather [hbm4b:s28+s8], $0x40, s2, s8, $0xb8;
	[tilespmem:$0x19640] =	vst v63  }
0xe8: {  	_ =	swait.ge [sflag:s5], $0x320  }
0xe9: {  	[sflag:s5] =	ssyncset.done $0x0  }
0xea: {  	[sflag:s5] =	ssyncadd.s32 $0xFFFFFCE0  }
0xeb: {  	_ =	swait.ge [sflag:s11], $0xC800  }
0xec: {  	[sflag:s11] =	ssyncset.done $0x0  }
0xed: {  	[sflag:s11] =	ssyncadd.s32 $0xFFFF3800  }
0xee: {  	[tilespmem:s14], [sflag:$0x4] =	stream.indirect.gather [hbm4b:s28+s8], $0x40, s8, s8, $0xb8;
	[tilespmem:$0x19640] =	vst v63  }
0xef: {  	_ =	swait.ge [sflag:s18], $0xC800  }
0xf0: {  	s1 =	sld [smem:$0x7E3]  }
0xf1: {  	[sflag:s18] =	ssyncset.done $0x0  }
0xf2: {  	s29 =	sld [smem:$0x7E4];
	[sflag:s18] =	ssyncadd.s32 $0xFFFF3800  }
0xf3: {  	[hbm4b:s1+s16] =	stream.strided.scatter [tilespmem:s15], [sflag:$0x5], $0xC800, s12, s16, $0x38;
	[tilespmem:$0x19640] =	vst v63  }
0xf4: {  	_ = 	snop  }
0xf5: {  	[tilespmem:s2], [sflag:$0x1] =	stream.linear.gather [hbm4b:s29+s2], $0x320, $0x38;
	[tilespmem:$0x19640] =	vst v63  }
0xf6: {  	_ =	swait.ge [sflag:s17], $0xC800  }
0xf7: {  	s1 =	sld [smem:$0x7E5]  }
0xf8: {  	[sflag:s17] =	ssyncset.done $0x0  }
0xf9: {  	s29 =	sld [smem:$0x7E6];
	[sflag:s17] =	ssyncadd.s32 $0xFFFF3800  }
0xfa: {  	[hbm4b:s1+s16] =	stream.strided.scatter [tilespmem:s14], [sflag:$0x6], $0xC800, s12, s16, $0x38;
	[tilespmem:$0x19640] =	vst v63  }
0xfb: {  	_ = 	snop  }
0xfc: {  	[tilespmem:s8], [sflag:$0x2] =	stream.linear.gather [hbm4b:s29+s2], $0x320, $0x38;
	[tilespmem:$0x19640] =	vst v63  }
0xfd: {  	_ =	swait.ge [sflag:s4], $0x320  }
0xfe: {  	[sflag:s4] =	ssyncset.done $0x0  }
0xff: {  	[sflag:s4] =	ssyncadd.s32 $0xFFFFFCE0  }
0x100: {  	_ =	swait.ge [sflag:s5], $0x320  }
0x101: {  	[sflag:s5] =	ssyncset.done $0x0  }
0x102: {  	s1 =	rddreg [dreg:$0x1d];
	[sflag:s5] =	ssyncadd.s32 $0xFFFFFCE0  }
0x103: {  	[tilespmem:s2], [sflag:$0x1] =	stream.linear.gather [hbm4b:s1+s2], $0x320, $0x38;
	[tilespmem:$0x19640] =	vst v63  }
0x104: {  	s29 =	rddreg [dreg:$0x1e]  }
0x105: {  	[tilespmem:s8], [sflag:$0x2] =	stream.linear.gather [hbm4b:s29+s2], $0x320, $0x38;
	[tilespmem:$0x19640] =	vst v63  }
0x106: {  	_ =	swait.ge [sflag:s4], $0x320  }
0x107: {  	[sflag:s4] =	ssyncset.done $0x0  }
0x108: {  	[sflag:s4] =	ssyncadd.s32 $0xFFFFFCE0  }
0x109: {  	_ =	swait.ge [sflag:s13], $0xC800  }
0x10a: {  	[sflag:s13] =	ssyncset.done $0x0  }
0x10b: {  	[sflag:s13] =	ssyncadd.s32 $0xFFFF3800  }
0x10c: {  	[tilespmem:s15], [sflag:$0x3] =	stream.indirect.gather [hbm4b:s3+s8], $0x40, s2, s8, $0xb8;
	[tilespmem:$0x19640] =	vst v63  }
0x10d: {  	_ =	swait.ge [sflag:s5], $0x320  }
0x10e: {  	[sflag:s5] =	ssyncset.done $0x0  }
0x10f: {  	[sflag:s5] =	ssyncadd.s32 $0xFFFFFCE0  }
0x110: {  	_ =	swait.ge [sflag:s11], $0xC800  }
0x111: {  	[sflag:s11] =	ssyncset.done $0x0  }
0x112: {  	[sflag:s11] =	ssyncadd.s32 $0xFFFF3800  }
0x113: {  	[tilespmem:s14], [sflag:$0x4] =	stream.indirect.gather [hbm4b:s3+s8], $0x40, s8, s8, $0xb8;
	[tilespmem:$0x19640] =	vst v63  }
0x114: {  	_ =	swait.ge [sflag:s18], $0xC800  }
0x115: {  	s1 =	rddreg [dreg:$0x1f];
	[sflag:s18] =	ssyncset.done $0x0  }
0x116: {  	s29 =	sld [smem:$0x7CC];
	[sflag:s18] =	ssyncadd.s32 $0xFFFF3800  }
0x117: {  	[hbm4b:s1+s16] =	stream.strided.scatter [tilespmem:s15], [sflag:$0x5], $0xC800, s12, s16, $0x38;
	[tilespmem:$0x19640] =	vst v63  }
0x118: {  	_ = 	snop  }
0x119: {  	[tilespmem:s2], [sflag:$0x1] =	stream.linear.gather [hbm4b:s29+s2], $0x320, $0x38;
	[tilespmem:$0x19640] =	vst v63  }
0x11a: {  	_ =	swait.ge [sflag:s17], $0xC800  }
0x11b: {  	s1 =	sld [smem:$0x7CD]  }
0x11c: {  	[sflag:s17] =	ssyncset.done $0x0  }
0x11d: {  	s29 =	sld [smem:$0x7CE];
	[sflag:s17] =	ssyncadd.s32 $0xFFFF3800  }
0x11e: {  	[hbm4b:s1+s16] =	stream.strided.scatter [tilespmem:s14], [sflag:$0x6], $0xC800, s12, s16, $0x38;
	[tilespmem:$0x19640] =	vst v63  }
0x11f: {  	_ = 	snop  }
0x120: {  	[tilespmem:s8], [sflag:$0x2] =	stream.linear.gather [hbm4b:s29+s2], $0x320, $0x38;
	[tilespmem:$0x19640] =	vst v63  }
0x121: {  	_ =	swait.ge [sflag:s4], $0x320  }
0x122: {  	[sflag:s4] =	ssyncset.done $0x0  }
0x123: {  	[sflag:s4] =	ssyncadd.s32 $0xFFFFFCE0  }
0x124: {  	_ =	swait.ge [sflag:s13], $0xC800  }
0x125: {  	[sflag:s13] =	ssyncset.done $0x0  }
0x126: {  	[sflag:s13] =	ssyncadd.s32 $0xFFFF3800  }
0x127: {  	[tilespmem:s15], [sflag:$0x3] =	stream.indirect.gather [hbm4b:s3+s8], $0x40, s2, s8, $0xb8;
	[tilespmem:$0x19640] =	vst v63  }
0x128: {  	_ =	swait.ge [sflag:s5], $0x320  }
0x129: {  	[sflag:s5] =	ssyncset.done $0x0  }
0x12a: {  	[sflag:s5] =	ssyncadd.s32 $0xFFFFFCE0  }
0x12b: {  	_ =	swait.ge [sflag:s11], $0xC800  }
0x12c: {  	[sflag:s11] =	ssyncset.done $0x0  }
0x12d: {  	[sflag:s11] =	ssyncadd.s32 $0xFFFF3800  }
0x12e: {  	[tilespmem:s14], [sflag:$0x4] =	stream.indirect.gather [hbm4b:s3+s8], $0x40, s8, s8, $0xb8;
	[tilespmem:$0x19640] =	vst v63  }
0x12f: {  	_ =	swait.ge [sflag:s18], $0xC800  }
0x130: {  	s1 =	sld [smem:$0x7E7]  }
0x131: {  	[sflag:s18] =	ssyncset.done $0x0  }
0x132: {  	s29 =	sld [smem:$0x7E8];
	[sflag:s18] =	ssyncadd.s32 $0xFFFF3800  }
0x133: {  	[hbm4b:s1+s16] =	stream.strided.scatter [tilespmem:s15], [sflag:$0x5], $0xC800, s12, s16, $0x38;
	[tilespmem:$0x19640] =	vst v63  }
0x134: {  	_ = 	snop  }
0x135: {  	[tilespmem:s2], [sflag:$0x1] =	stream.linear.gather [hbm4b:s29+s2], $0x320, $0x38;
	[tilespmem:$0x19640] =	vst v63  }
0x136: {  	_ =	swait.ge [sflag:s17], $0xC800  }
0x137: {  	s1 =	sld [smem:$0x7E9]  }
0x138: {  	[sflag:s17] =	ssyncset.done $0x0  }
0x139: {  	s29 =	sld [smem:$0x7EA];
	[sflag:s17] =	ssyncadd.s32 $0xFFFF3800  }
0x13a: {  	[hbm4b:s1+s16] =	stream.strided.scatter [tilespmem:s14], [sflag:$0x6], $0xC800, s12, s16, $0x38;
	[tilespmem:$0x19640] =	vst v63  }
0x13b: {  	_ = 	snop  }
0x13c: {  	[tilespmem:s8], [sflag:$0x2] =	stream.linear.gather [hbm4b:s29+s2], $0x320, $0x38;
	[tilespmem:$0x19640] =	vst v63  }
0x13d: {  	_ =	swait.ge [sflag:s4], $0x320  }
0x13e: {  	[sflag:s4] =	ssyncset.done $0x0  }
0x13f: {  	[sflag:s4] =	ssyncadd.s32 $0xFFFFFCE0  }
0x140: {  	_ =	swait.ge [sflag:s13], $0xC800  }
0x141: {  	[sflag:s13] =	ssyncset.done $0x0  }
0x142: {  	[sflag:s13] =	ssyncadd.s32 $0xFFFF3800  }
0x143: {  	[tilespmem:s15], [sflag:$0x3] =	stream.indirect.gather [hbm4b:s3+s8], $0x40, s2, s8, $0xb8;
	[tilespmem:$0x19640] =	vst v63  }
0x144: {  	_ =	swait.ge [sflag:s5], $0x320  }
0x145: {  	[sflag:s5] =	ssyncset.done $0x0  }
0x146: {  	[sflag:s5] =	ssyncadd.s32 $0xFFFFFCE0  }
0x147: {  	_ =	swait.ge [sflag:s11], $0xC800  }
0x148: {  	[sflag:s11] =	ssyncset.done $0x0  }
0x149: {  	[sflag:s11] =	ssyncadd.s32 $0xFFFF3800  }
0x14a: {  	[tilespmem:s14], [sflag:$0x4] =	stream.indirect.gather [hbm4b:s3+s8], $0x40, s8, s8, $0xb8;
	[tilespmem:$0x19640] =	vst v63  }
0x14b: {  	_ =	swait.ge [sflag:s18], $0xC800  }
0x14c: {  	s1 =	sld [smem:$0x7EB]  }
0x14d: {  	[sflag:s18] =	ssyncset.done $0x0  }
0x14e: {  	s29 =	sld [smem:$0x7EC];
	[sflag:s18] =	ssyncadd.s32 $0xFFFF3800  }
0x14f: {  	[hbm4b:s1+s16] =	stream.strided.scatter [tilespmem:s15], [sflag:$0x5], $0xC800, s12, s16, $0x38;
	[tilespmem:$0x19640] =	vst v63  }
0x150: {  	_ = 	snop  }
0x151: {  	[tilespmem:s2], [sflag:$0x1] =	stream.linear.gather [hbm4b:s29+s2], $0x320, $0x38;
	[tilespmem:$0x19640] =	vst v63  }
0x152: {  	_ =	swait.ge [sflag:s17], $0xC800  }
0x153: {  	s1 =	sld [smem:$0x7ED]  }
0x154: {  	[sflag:s17] =	ssyncset.done $0x0  }
0x155: {  	s29 =	sld [smem:$0x7EE];
	[sflag:s17] =	ssyncadd.s32 $0xFFFF3800  }
0x156: {  	[hbm4b:s1+s16] =	stream.strided.scatter [tilespmem:s14], [sflag:$0x6], $0xC800, s12, s16, $0x38;
	[tilespmem:$0x19640] =	vst v63  }
0x157: {  	_ = 	snop  }
0x158: {  	[tilespmem:s8], [sflag:$0x2] =	stream.linear.gather [hbm4b:s29+s2], $0x320, $0x38;
	[tilespmem:$0x19640] =	vst v63  }
0x159: {  	_ =	swait.ge [sflag:s4], $0x320  }
0x15a: {  	[sflag:s4] =	ssyncset.done $0x0  }
0x15b: {  	[sflag:s4] =	ssyncadd.s32 $0xFFFFFCE0  }
0x15c: {  	_ =	swait.ge [sflag:s13], $0xC800  }
0x15d: {  	[sflag:s13] =	ssyncset.done $0x0  }
0x15e: {  	[sflag:s13] =	ssyncadd.s32 $0xFFFF3800  }
0x15f: {  	[tilespmem:s15], [sflag:$0x3] =	stream.indirect.gather [hbm4b:s3+s8], $0x40, s2, s8, $0xb8;
	[tilespmem:$0x19640] =	vst v63  }
0x160: {  	_ =	swait.ge [sflag:s5], $0x320  }
0x161: {  	[sflag:s5] =	ssyncset.done $0x0  }
0x162: {  	[sflag:s5] =	ssyncadd.s32 $0xFFFFFCE0  }
0x163: {  	_ =	swait.ge [sflag:s11], $0xC800  }
0x164: {  	[sflag:s11] =	ssyncset.done $0x0  }
0x165: {  	[sflag:s11] =	ssyncadd.s32 $0xFFFF3800  }
0x166: {  	[tilespmem:s14], [sflag:$0x4] =	stream.indirect.gather [hbm4b:s3+s8], $0x40, s8, s8, $0xb8;
	[tilespmem:$0x19640] =	vst v63  }
0x167: {  	_ =	swait.ge [sflag:s18], $0xC800  }
0x168: {  	s1 =	sld [smem:$0x7EF]  }
0x169: {  	[sflag:s18] =	ssyncset.done $0x0  }
0x16a: {  	s29 =	sld [smem:$0x7F0];
	[sflag:s18] =	ssyncadd.s32 $0xFFFF3800  }
0x16b: {  	[hbm4b:s1+s16] =	stream.strided.scatter [tilespmem:s15], [sflag:$0x5], $0xC800, s12, s16, $0x38;
	[tilespmem:$0x19640] =	vst v63  }
0x16c: {  	_ = 	snop  }
0x16d: {  	[tilespmem:s2], [sflag:$0x1] =	stream.linear.gather [hbm4b:s29+s2], $0x320, $0x38;
	[tilespmem:$0x19640] =	vst v63  }
0x16e: {  	_ =	swait.ge [sflag:s17], $0xC800  }
0x16f: {  	s1 =	sld [smem:$0x7F1]  }
0x170: {  	[sflag:s17] =	ssyncset.done $0x0  }
0x171: {  	s29 =	sld [smem:$0x7F2];
	[sflag:s17] =	ssyncadd.s32 $0xFFFF3800  }
0x172: {  	[hbm4b:s1+s16] =	stream.strided.scatter [tilespmem:s14], [sflag:$0x6], $0xC800, s12, s16, $0x38;
	[tilespmem:$0x19640] =	vst v63  }
0x173: {  	_ = 	snop  }
0x174: {  	[tilespmem:s8], [sflag:$0x2] =	stream.linear.gather [hbm4b:s29+s2], $0x320, $0x38;
	[tilespmem:$0x19640] =	vst v63  }
0x175: {  	_ =	swait.ge [sflag:s4], $0x320  }
0x176: {  	[sflag:s4] =	ssyncset.done $0x0  }
0x177: {  	[sflag:s4] =	ssyncadd.s32 $0xFFFFFCE0  }
0x178: {  	_ =	swait.ge [sflag:s5], $0x320  }
0x179: {  	s1 =	sld [smem:$0x7CF]  }
0x17a: {  	[sflag:s5] =	ssyncset.done $0x0  }
0x17b: {  	s29 =	sld [smem:$0x7D0];
	[sflag:s5] =	ssyncadd.s32 $0xFFFFFCE0  }
0x17c: {  	[tilespmem:s2], [sflag:$0x1] =	stream.linear.gather [hbm4b:s1+s2], $0x320, $0x38;
	[tilespmem:$0x19640] =	vst v63  }
0x17d: {  	_ = 	snop  }
0x17e: {  	[tilespmem:s8], [sflag:$0x2] =	stream.linear.gather [hbm4b:s29+s2], $0x320, $0x38;
	[tilespmem:$0x19640] =	vst v63  }
0x17f: {  	_ =	swait.ge [sflag:s4], $0x320  }
0x180: {  	[sflag:s4] =	ssyncset.done $0x0  }
0x181: {  	[sflag:s4] =	ssyncadd.s32 $0xFFFFFCE0  }
0x182: {  	_ =	swait.ge [sflag:s13], $0xC800  }
0x183: {  	[sflag:s13] =	ssyncset.done $0x0  }
0x184: {  	[sflag:s13] =	ssyncadd.s32 $0xFFFF3800  }
0x185: {  	[tilespmem:s15], [sflag:$0x3] =	stream.indirect.gather [hbm4b:s28+s8], $0x40, s2, s8, $0xb8;
	[tilespmem:$0x19640] =	vst v63  }
0x186: {  	_ =	swait.ge [sflag:s5], $0x320  }
0x187: {  	[sflag:s5] =	ssyncset.done $0x0  }
0x188: {  	[sflag:s5] =	ssyncadd.s32 $0xFFFFFCE0  }
0x189: {  	_ =	swait.ge [sflag:s11], $0xC800  }
0x18a: {  	[sflag:s11] =	ssyncset.done $0x0  }
0x18b: {  	[sflag:s11] =	ssyncadd.s32 $0xFFFF3800  }
0x18c: {  	[tilespmem:s14], [sflag:$0x4] =	stream.indirect.gather [hbm4b:s28+s8], $0x40, s8, s8, $0xb8;
	[tilespmem:$0x19640] =	vst v63  }
0x18d: {  	_ =	swait.ge [sflag:s18], $0xC800  }
0x18e: {  	s1 =	sld [smem:$0x7D1]  }
0x18f: {  	[sflag:s18] =	ssyncset.done $0x0  }
0x190: {  	s29 =	sld [smem:$0x7D2];
	[sflag:s18] =	ssyncadd.s32 $0xFFFF3800  }
0x191: {  	[hbm4b:s1+s16] =	stream.strided.scatter [tilespmem:s15], [sflag:$0x5], $0xC800, s12, s16, $0x38;
	[tilespmem:$0x19640] =	vst v63  }
0x192: {  	_ = 	snop  }
0x193: {  	[tilespmem:s2], [sflag:$0x1] =	stream.linear.gather [hbm4b:s29+s2], $0x320, $0x38;
	[tilespmem:$0x19640] =	vst v63  }
0x194: {  	_ =	swait.ge [sflag:s17], $0xC800  }
0x195: {  	s1 =	sld [smem:$0x7D3]  }
0x196: {  	[sflag:s17] =	ssyncset.done $0x0  }
0x197: {  	s29 =	sld [smem:$0x7D4];
	[sflag:s17] =	ssyncadd.s32 $0xFFFF3800  }
0x198: {  	[hbm4b:s1+s16] =	stream.strided.scatter [tilespmem:s14], [sflag:$0x6], $0xC800, s12, s16, $0x38;
	[tilespmem:$0x19640] =	vst v63  }
0x199: {  	_ = 	snop  }
0x19a: {  	[tilespmem:s8], [sflag:$0x2] =	stream.linear.gather [hbm4b:s29+s2], $0x320, $0x38;
	[tilespmem:$0x19640] =	vst v63  }
0x19b: {  	_ =	swait.ge [sflag:s4], $0x320  }
0x19c: {  	[sflag:s4] =	ssyncset.done $0x0  }
0x19d: {  	[sflag:s4] =	ssyncadd.s32 $0xFFFFFCE0  }
0x19e: {  	_ =	swait.ge [sflag:s13], $0xC800  }
0x19f: {  	[sflag:s13] =	ssyncset.done $0x0  }
0x1a0: {  	[sflag:s13] =	ssyncadd.s32 $0xFFFF3800  }
0x1a1: {  	[tilespmem:s15], [sflag:$0x3] =	stream.indirect.gather [hbm4b:s28+s8], $0x40, s2, s8, $0xb8;
	[tilespmem:$0x19640] =	vst v63  }
0x1a2: {  	_ =	swait.ge [sflag:s5], $0x320  }
0x1a3: {  	[sflag:s5] =	ssyncset.done $0x0  }
0x1a4: {  	[sflag:s5] =	ssyncadd.s32 $0xFFFFFCE0  }
0x1a5: {  	_ =	swait.ge [sflag:s11], $0xC800  }
0x1a6: {  	[sflag:s11] =	ssyncset.done $0x0  }
0x1a7: {  	[sflag:s11] =	ssyncadd.s32 $0xFFFF3800  }
0x1a8: {  	[tilespmem:s14], [sflag:$0x4] =	stream.indirect.gather [hbm4b:s28+s8], $0x40, s8, s8, $0xb8;
	[tilespmem:$0x19640] =	vst v63  }
0x1a9: {  	_ =	swait.ge [sflag:s18], $0xC800  }
0x1aa: {  	s1 =	sld [smem:$0x7F3]  }
0x1ab: {  	[sflag:s18] =	ssyncset.done $0x0  }
0x1ac: {  	s29 =	sld [smem:$0x7F4];
	[sflag:s18] =	ssyncadd.s32 $0xFFFF3800  }
0x1ad: {  	[hbm4b:s1+s16] =	stream.strided.scatter [tilespmem:s15], [sflag:$0x5], $0xC800, s12, s16, $0x38;
	[tilespmem:$0x19640] =	vst v63  }
0x1ae: {  	_ = 	snop  }
0x1af: {  	[tilespmem:s2], [sflag:$0x1] =	stream.linear.gather [hbm4b:s29+s2], $0x320, $0x38;
	[tilespmem:$0x19640] =	vst v63  }
0x1b0: {  	_ =	swait.ge [sflag:s17], $0xC800  }
0x1b1: {  	s1 =	sld [smem:$0x7F5]  }
0x1b2: {  	[sflag:s17] =	ssyncset.done $0x0  }
0x1b3: {  	s29 =	sld [smem:$0x7F6];
	[sflag:s17] =	ssyncadd.s32 $0xFFFF3800  }
0x1b4: {  	[hbm4b:s1+s16] =	stream.strided.scatter [tilespmem:s14], [sflag:$0x6], $0xC800, s12, s16, $0x38;
	[tilespmem:$0x19640] =	vst v63  }
0x1b5: {  	_ = 	snop  }
0x1b6: {  	[tilespmem:s8], [sflag:$0x2] =	stream.linear.gather [hbm4b:s29+s2], $0x320, $0x38;
	[tilespmem:$0x19640] =	vst v63  }
0x1b7: {  	_ =	swait.ge [sflag:s4], $0x320  }
0x1b8: {  	[sflag:s4] =	ssyncset.done $0x0  }
0x1b9: {  	[sflag:s4] =	ssyncadd.s32 $0xFFFFFCE0  }
0x1ba: {  	_ =	swait.ge [sflag:s13], $0xC800  }
0x1bb: {  	[sflag:s13] =	ssyncset.done $0x0  }
0x1bc: {  	[sflag:s13] =	ssyncadd.s32 $0xFFFF3800  }
0x1bd: {  	[tilespmem:s15], [sflag:$0x3] =	stream.indirect.gather [hbm4b:s28+s8], $0x40, s2, s8, $0xb8;
	[tilespmem:$0x19640] =	vst v63  }
0x1be: {  	_ =	swait.ge [sflag:s5], $0x320  }
0x1bf: {  	[sflag:s5] =	ssyncset.done $0x0  }
0x1c0: {  	[sflag:s5] =	ssyncadd.s32 $0xFFFFFCE0  }
0x1c1: {  	_ =	swait.ge [sflag:s11], $0xC800  }
0x1c2: {  	[sflag:s11] =	ssyncset.done $0x0  }
0x1c3: {  	[sflag:s11] =	ssyncadd.s32 $0xFFFF3800  }
0x1c4: {  	[tilespmem:s14], [sflag:$0x4] =	stream.indirect.gather [hbm4b:s28+s8], $0x40, s8, s8, $0xb8;
	[tilespmem:$0x19640] =	vst v63  }
0x1c5: {  	_ =	swait.ge [sflag:s18], $0xC800  }
0x1c6: {  	s1 =	sld [smem:$0x7F7]  }
0x1c7: {  	[sflag:s18] =	ssyncset.done $0x0  }
0x1c8: {  	s29 =	sld [smem:$0x7F8];
	[sflag:s18] =	ssyncadd.s32 $0xFFFF3800  }
0x1c9: {  	[hbm4b:s1+s16] =	stream.strided.scatter [tilespmem:s15], [sflag:$0x5], $0xC800, s12, s16, $0x38;
	[tilespmem:$0x19640] =	vst v63  }
0x1ca: {  	_ = 	snop  }
0x1cb: {  	[tilespmem:s2], [sflag:$0x1] =	stream.linear.gather [hbm4b:s29+s2], $0x320, $0x38;
	[tilespmem:$0x19640] =	vst v63  }
0x1cc: {  	_ =	swait.ge [sflag:s17], $0xC800  }
0x1cd: {  	s1 =	sld [smem:$0x7F9]  }
0x1ce: {  	[sflag:s17] =	ssyncset.done $0x0  }
0x1cf: {  	s29 =	sld [smem:$0x7FA];
	[sflag:s17] =	ssyncadd.s32 $0xFFFF3800  }
0x1d0: {  	[hbm4b:s1+s16] =	stream.strided.scatter [tilespmem:s14], [sflag:$0x6], $0xC800, s12, s16, $0x38;
	[tilespmem:$0x19640] =	vst v63  }
0x1d1: {  	_ = 	snop  }
0x1d2: {  	[tilespmem:s8], [sflag:$0x2] =	stream.linear.gather [hbm4b:s29+s2], $0x320, $0x38;
	[tilespmem:$0x19640] =	vst v63  }
0x1d3: {  	_ =	swait.ge [sflag:s4], $0x320  }
0x1d4: {  	[sflag:s4] =	ssyncset.done $0x0  }
0x1d5: {  	[sflag:s4] =	ssyncadd.s32 $0xFFFFFCE0  }
0x1d6: {  	_ =	swait.ge [sflag:s13], $0xC800  }
0x1d7: {  	[sflag:s13] =	ssyncset.done $0x0  }
0x1d8: {  	[sflag:s13] =	ssyncadd.s32 $0xFFFF3800  }
0x1d9: {  	[tilespmem:s15], [sflag:$0x3] =	stream.indirect.gather [hbm4b:s28+s8], $0x40, s2, s8, $0xb8;
	[tilespmem:$0x19640] =	vst v63  }
0x1da: {  	_ =	swait.ge [sflag:s5], $0x320  }
0x1db: {  	[sflag:s5] =	ssyncset.done $0x0  }
0x1dc: {  	[sflag:s5] =	ssyncadd.s32 $0xFFFFFCE0  }
0x1dd: {  	_ =	swait.ge [sflag:s11], $0xC800  }
0x1de: {  	[sflag:s11] =	ssyncset.done $0x0  }
0x1df: {  	[sflag:s11] =	ssyncadd.s32 $0xFFFF3800  }
0x1e0: {  	[tilespmem:s14], [sflag:$0x4] =	stream.indirect.gather [hbm4b:s28+s8], $0x40, s8, s8, $0xb8;
	[tilespmem:$0x19640] =	vst v63  }
0x1e1: {  	_ =	swait.ge [sflag:s18], $0xC800  }
0x1e2: {  	s1 =	sld [smem:$0x7FB]  }
0x1e3: {  	[sflag:s18] =	ssyncset.done $0x0  }
0x1e4: {  	s29 =	sld [smem:$0x7FC];
	[sflag:s18] =	ssyncadd.s32 $0xFFFF3800  }
0x1e5: {  	[hbm4b:s1+s16] =	stream.strided.scatter [tilespmem:s15], [sflag:$0x5], $0xC800, s12, s16, $0x38;
	[tilespmem:$0x19640] =	vst v63  }
0x1e6: {  	_ = 	snop  }
0x1e7: {  	[tilespmem:s2], [sflag:$0x1] =	stream.linear.gather [hbm4b:s29+s2], $0x320, $0x38;
	[tilespmem:$0x19640] =	vst v63  }
0x1e8: {  	_ =	swait.ge [sflag:s17], $0xC800  }
0x1e9: {  	[sflag:s17] =	ssyncset.done $0x0  }
0x1ea: {  	s0 =	sld [smem:$0x7FD];
	[sflag:s17] =	ssyncadd.s32 $0xFFFF3800  }
0x1eb: {  	[hbm4b:s30+s16] =	stream.strided.scatter [tilespmem:s14], [sflag:$0x6], $0xC800, s12, s16, $0x38;
	[tilespmem:$0x19640] =	vst v63  }
0x1ec: {  	_ = 	snop  }
0x1ed: {  	[tilespmem:s8], [sflag:$0x2] =	stream.linear.gather [hbm4b:s0+s2], $0x320, $0x38;
	[tilespmem:$0x19640] =	vst v63  }
0x1ee: {  	_ =	swait.ge [sflag:s4], $0x320  }
0x1ef: {  	[sflag:s4] =	ssyncset.done $0x0  }
0x1f0: {  	[sflag:s4] =	ssyncadd.s32 $0xFFFFFCE0  }
0x1f1: {  	_ =	swait.ge [sflag:s5], $0x320  }
0x1f2: {  	s1 =	sld [smem:$0x7D5]  }
0x1f3: {  	[sflag:s5] =	ssyncset.done $0x0  }
0x1f4: {  	s29 =	sld [smem:$0x7D6];
	[sflag:s5] =	ssyncadd.s32 $0xFFFFFCE0  }
0x1f5: {  	[tilespmem:s2], [sflag:$0x1] =	stream.linear.gather [hbm4b:s1+s2], $0x320, $0x38;
	[tilespmem:$0x19640] =	vst v63  }
0x1f6: {  	_ = 	snop  }
0x1f7: {  	[tilespmem:s8], [sflag:$0x2] =	stream.linear.gather [hbm4b:s29+s2], $0x320, $0x38;
	[tilespmem:$0x19640] =	vst v63  }
0x1f8: {  	_ =	swait.ge [sflag:s4], $0x320  }
0x1f9: {  	[sflag:s4] =	ssyncset.done $0x0  }
0x1fa: {  	[sflag:s4] =	ssyncadd.s32 $0xFFFFFCE0  }
0x1fb: {  	_ =	swait.ge [sflag:s13], $0xC800  }
0x1fc: {  	[sflag:s13] =	ssyncset.done $0x0  }
0x1fd: {  	[sflag:s13] =	ssyncadd.s32 $0xFFFF3800  }
0x1fe: {  	[tilespmem:s15], [sflag:$0x3] =	stream.indirect.gather [hbm4b:s3+s8], $0x40, s2, s8, $0xb8;
	[tilespmem:$0x19640] =	vst v63  }
0x1ff: {  	_ =	swait.ge [sflag:s5], $0x320  }
0x200: {  	[sflag:s5] =	ssyncset.done $0x0  }
0x201: {  	[sflag:s5] =	ssyncadd.s32 $0xFFFFFCE0  }
0x202: {  	_ =	swait.ge [sflag:s11], $0xC800  }
0x203: {  	[sflag:s11] =	ssyncset.done $0x0  }
0x204: {  	[sflag:s11] =	ssyncadd.s32 $0xFFFF3800  }
0x205: {  	[tilespmem:s14], [sflag:$0x4] =	stream.indirect.gather [hbm4b:s3+s8], $0x40, s8, s8, $0xb8;
	[tilespmem:$0x19640] =	vst v63  }
0x206: {  	_ =	swait.ge [sflag:s18], $0xC800  }
0x207: {  	s1 =	sld [smem:$0x7D7]  }
0x208: {  	[sflag:s18] =	ssyncset.done $0x0  }
0x209: {  	s29 =	sld [smem:$0x7D8];
	[sflag:s18] =	ssyncadd.s32 $0xFFFF3800  }
0x20a: {  	[hbm4b:s1+s16] =	stream.strided.scatter [tilespmem:s15], [sflag:$0x5], $0xC800, s12, s16, $0x38;
	[tilespmem:$0x19640] =	vst v63  }
0x20b: {  	_ = 	snop  }
0x20c: {  	[tilespmem:s2], [sflag:$0x1] =	stream.linear.gather [hbm4b:s29+s2], $0x320, $0x38;
	[tilespmem:$0x19640] =	vst v63  }
0x20d: {  	_ =	swait.ge [sflag:s17], $0xC800  }
0x20e: {  	s1 =	sld [smem:$0x7D9]  }
0x20f: {  	[sflag:s17] =	ssyncset.done $0x0  }
0x210: {  	s29 =	sld [smem:$0x7DA];
	[sflag:s17] =	ssyncadd.s32 $0xFFFF3800  }
0x211: {  	[hbm4b:s1+s16] =	stream.strided.scatter [tilespmem:s14], [sflag:$0x6], $0xC800, s12, s16, $0x38;
	[tilespmem:$0x19640] =	vst v63  }
0x212: {  	_ = 	snop  }
0x213: {  	[tilespmem:s8], [sflag:$0x2] =	stream.linear.gather [hbm4b:s29+s2], $0x320, $0x38;
	[tilespmem:$0x19640] =	vst v63  }
0x214: {  	_ =	swait.ge [sflag:s4], $0x320  }
0x215: {  	[sflag:s4] =	ssyncset.done $0x0  }
0x216: {  	[sflag:s4] =	ssyncadd.s32 $0xFFFFFCE0  }
0x217: {  	_ =	swait.ge [sflag:s13], $0xC800  }
0x218: {  	[sflag:s13] =	ssyncset.done $0x0  }
0x219: {  	[sflag:s13] =	ssyncadd.s32 $0xFFFF3800  }
0x21a: {  	[tilespmem:s15], [sflag:$0x3] =	stream.indirect.gather [hbm4b:s3+s8], $0x40, s2, s8, $0xb8;
	[tilespmem:$0x19640] =	vst v63  }
0x21b: {  	_ =	swait.ge [sflag:s5], $0x320  }
0x21c: {  	[sflag:s5] =	ssyncset.done $0x0  }
0x21d: {  	[sflag:s5] =	ssyncadd.s32 $0xFFFFFCE0  }
0x21e: {  	_ =	swait.ge [sflag:s11], $0xC800  }
0x21f: {  	[sflag:s11] =	ssyncset.done $0x0  }
0x220: {  	[sflag:s11] =	ssyncadd.s32 $0xFFFF3800  }
0x221: {  	[tilespmem:s14], [sflag:$0x4] =	stream.indirect.gather [hbm4b:s3+s8], $0x40, s8, s8, $0xb8;
	[tilespmem:$0x19640] =	vst v63  }
0x222: {  	_ =	swait.ge [sflag:s18], $0xC800  }
0x223: {  	[sflag:s18] =	ssyncset.done $0x0  }
0x224: {  	[sflag:s18] =	ssyncadd.s32 $0xFFFF3800  }
0x225: {  	[hbm4b:s25+s16] =	stream.strided.scatter [tilespmem:s15], [sflag:$0x5], $0xC800, s12, s16, $0x38;
	[tilespmem:$0x19640] =	vst v63  }
0x226: {  	_ = 	snop  }
0x227: {  	[tilespmem:s2], [sflag:$0x1] =	stream.linear.gather [hbm4b:s26+s2], $0x320, $0x38;
	[tilespmem:$0x19640] =	vst v63  }
0x228: {  	_ =	swait.ge [sflag:s17], $0xC800  }
0x229: {  	[sflag:s17] =	ssyncset.done $0x0  }
0x22a: {  	[sflag:s17] =	ssyncadd.s32 $0xFFFF3800  }
0x22b: {  	[hbm4b:s23+s16] =	stream.strided.scatter [tilespmem:s14], [sflag:$0x6], $0xC800, s12, s16, $0x38;
	[tilespmem:$0x19640] =	vst v63  }
0x22c: {  	_ = 	snop  }
0x22d: {  	[tilespmem:s8], [sflag:$0x2] =	stream.linear.gather [hbm4b:s24+s2], $0x320, $0x38;
	[tilespmem:$0x19640] =	vst v63  }
0x22e: {  	_ =	swait.ge [sflag:s4], $0x320  }
0x22f: {  	[sflag:s4] =	ssyncset.done $0x0  }
0x230: {  	[sflag:s4] =	ssyncadd.s32 $0xFFFFFCE0  }
0x231: {  	_ =	swait.ge [sflag:s13], $0xC800  }
0x232: {  	[sflag:s13] =	ssyncset.done $0x0  }
0x233: {  	[sflag:s13] =	ssyncadd.s32 $0xFFFF3800  }
0x234: {  	[tilespmem:s15], [sflag:$0x3] =	stream.indirect.gather [hbm4b:s3+s8], $0x40, s2, s8, $0xb8;
	[tilespmem:$0x19640] =	vst v63  }
0x235: {  	_ =	swait.ge [sflag:s5], $0x320  }
0x236: {  	[sflag:s5] =	ssyncset.done $0x0  }
0x237: {  	[sflag:s5] =	ssyncadd.s32 $0xFFFFFCE0  }
0x238: {  	_ =	swait.ge [sflag:s11], $0xC800  }
0x239: {  	[sflag:s11] =	ssyncset.done $0x0  }
0x23a: {  	[sflag:s11] =	ssyncadd.s32 $0xFFFF3800  }
0x23b: {  	[tilespmem:s14], [sflag:$0x4] =	stream.indirect.gather [hbm4b:s3+s8], $0x40, s8, s8, $0xb8;
	[tilespmem:$0x19640] =	vst v63  }
0x23c: {  	_ =	swait.ge [sflag:s18], $0xC800  }
0x23d: {  	[sflag:s18] =	ssyncset.done $0x0  }
0x23e: {  	[sflag:s18] =	ssyncadd.s32 $0xFFFF3800  }
0x23f: {  	[hbm4b:s21+s16] =	stream.strided.scatter [tilespmem:s15], [sflag:$0x5], $0xC800, s12, s16, $0x38;
	[tilespmem:$0x19640] =	vst v63  }
0x240: {  	_ = 	snop  }
0x241: {  	[tilespmem:s2], [sflag:$0x1] =	stream.linear.gather [hbm4b:s22+s2], $0x320, $0x38;
	[tilespmem:$0x19640] =	vst v63  }
0x242: {  	_ =	swait.ge [sflag:s17], $0xC800  }
0x243: {  	[sflag:s17] =	ssyncset.done $0x0  }
0x244: {  	[sflag:s17] =	ssyncadd.s32 $0xFFFF3800  }
0x245: {  	[hbm4b:s19+s16] =	stream.strided.scatter [tilespmem:s14], [sflag:$0x6], $0xC800, s12, s16, $0x38;
	[tilespmem:$0x19640] =	vst v63  }
0x246: {  	_ = 	snop  }
0x247: {  	[tilespmem:s8], [sflag:$0x2] =	stream.linear.gather [hbm4b:s20+s2], $0x320, $0x38;
	[tilespmem:$0x19640] =	vst v63  }
0x248: {  	_ =	swait.ge [sflag:s4], $0x320  }
0x249: {  	[sflag:s4] =	ssyncset.done $0x0  }
0x24a: {  	[sflag:s4] =	ssyncadd.s32 $0xFFFFFCE0  }
0x24b: {  	_ =	swait.ge [sflag:s13], $0xC800  }
0x24c: {  	[sflag:s13] =	ssyncset.done $0x0  }
0x24d: {  	[sflag:s13] =	ssyncadd.s32 $0xFFFF3800  }
0x24e: {  	[tilespmem:s15], [sflag:$0x3] =	stream.indirect.gather [hbm4b:s3+s8], $0x40, s2, s8, $0xb8;
	[tilespmem:$0x19640] =	vst v63  }
0x24f: {  	_ =	swait.ge [sflag:s5], $0x320  }
0x250: {  	[sflag:s5] =	ssyncset.done $0x0  }
0x251: {  	[sflag:s5] =	ssyncadd.s32 $0xFFFFFCE0  }
0x252: {  	_ =	swait.ge [sflag:s11], $0xC800  }
0x253: {  	[sflag:s11] =	ssyncset.done $0x0  }
0x254: {  	[sflag:s11] =	ssyncadd.s32 $0xFFFF3800  }
0x255: {  	[tilespmem:s14], [sflag:$0x4] =	stream.indirect.gather [hbm4b:s3+s8], $0x40, s8, s8, $0xb8;
	[tilespmem:$0x19640] =	vst v63  }
0x256: {  	_ =	swait.ge [sflag:s18], $0xC800  }
0x257: {  	[sflag:s18] =	ssyncset.done $0x0  }
0x258: {  	[sflag:s18] =	ssyncadd.s32 $0xFFFF3800  }
0x259: {  	[hbm4b:s9+s16] =	stream.strided.scatter [tilespmem:s15], [sflag:$0x5], $0xC800, s12, s16, $0x38;
	[tilespmem:$0x19640] =	vst v63  }
0x25a: {  	_ = 	snop  }
0x25b: {  	[tilespmem:s2], [sflag:$0x1] =	stream.linear.gather [hbm4b:s10+s2], $0x320, $0x38;
	[tilespmem:$0x19640] =	vst v63  }
0x25c: {  	_ =	swait.ge [sflag:s17], $0xC800  }
0x25d: {  	[sflag:s17] =	ssyncset.done $0x0  }
0x25e: {  	[sflag:s17] =	ssyncadd.s32 $0xFFFF3800  }
0x25f: {  	[hbm4b:s6+s16] =	stream.strided.scatter [tilespmem:s14], [sflag:$0x6], $0xC800, s12, s16, $0x38;
	[tilespmem:$0x19640] =	vst v63  }
0x260: {  	_ = 	snop  }
0x261: {  	[tilespmem:s8], [sflag:$0x2] =	stream.linear.gather [hbm4b:s7+s2], $0x320, $0x38;
	[tilespmem:$0x19640] =	vst v63  }
0x262: {  	_ =	swait.ge [sflag:s4], $0x320  }
0x263: {  	[sflag:s4] =	ssyncset.done $0x0  }
0x264: {  	[sflag:s4] =	ssyncadd.s32 $0xFFFFFCE0  }
0x265: {  	_ =	swait.ge [sflag:s5], $0x320  }
0x266: {  	[sflag:s5] =	ssyncset.done $0x0  }
0x267: {  	[sflag:s5] =	ssyncadd.s32 $0xFFFFFCE0  }
0x268: {  	_ =	swait.ge [sflag:s13], $0xC800  }
0x269: {  	s29 =	sld [smem:$0x7CB];
	_ =	sdelay $0x2  }
0x26a: {  	p1 =	sne.s32 s29, $0x1  }
.Ltmp1:
0x26b: {  	_ = 	snop;
	(pc) =	sbr.rel @!p1 .LBB2_3-.Ltmp1, $4  }
0x26c: {  	[sflag:s13] =	ssyncset.done $0x0  }
0x26d: {  	[sflag:s13] =	ssyncadd.s32 $0xFFFF3800  }
0x26e: {  	p0 =	por $0x1, $0x1;
	_ =	swait.ge [sflag:s11], $0xC800  }
0x26f: {  	s0 =	sadd.s32 $0xFFFFFFFF, s29;
	s1 =	rddreg [dreg:$0xf];
	[sflag:s11] =	ssyncset.done $0x0  }
.LBB2_4:
0x270: {  	[sflag:s11] =	ssyncadd.s32 $0xFFFF3800;
	s29 =	smov.u32 s26  }
0x271: {  	s26 =	smov.u32 s25;
	s25 =	smov.u32 s24;
	s24 =	smov.u32 s23  }
0x272: {  	s23 =	smov.u32 s22;
	s22 =	smov.u32 s21;
	s21 =	smov.u32 s20  }
0x273: {  	s20 =	smov.u32 s19;
	s19 =	smov.u32 s10;
	s10 =	smov.u32 s9  }
0x274: {  	[tilespmem:s2], [sflag:$0x1] =	stream.linear.gather [hbm4b:s1+s2], $0x80, $0x38;
	[tilespmem:$0x19640] =	vst v63  }
0x275: {  	s9 =	smov.u32 s7;
	s7 =	smov.u32 s6;
	s6 =	rddreg [dreg:$0x10]  }
0x276: {  	[tilespmem:s8], [sflag:$0x2] =	stream.linear.gather [hbm4b:s6+s2], $0x80, $0x38;
	[tilespmem:$0x19640] =	vst v63  }
0x277: {  	_ =	swait.ge [sflag:s4], $0x80  }
0x278: {  	[sflag:s4] =	ssyncset.done $0x0  }
0x279: {  	s6 =	rddreg [dreg:$0xd];
	[sflag:s4] =	ssyncadd.s32 $0xFFFFFF80  }
0x27a: {  	[tilespmem:s15], [sflag:$0x3] =	stream.indirect.gather [hbm4b:s6+s12], $0x40, s2, s12, $0xb8;
	[tilespmem:$0x19640] =	vst v63  }
0x27b: {  	_ =	swait.ge [sflag:s5], $0x80  }
0x27c: {  	[sflag:s5] =	ssyncset.done $0x0  }
0x27d: {  	s6 =	rddreg [dreg:$0xe];
	[sflag:s5] =	ssyncadd.s32 $0xFFFFFF80  }
0x27e: {  	[tilespmem:s14], [sflag:$0x4] =	stream.indirect.gather [hbm4b:s6+s12], $0x40, s8, s12, $0xb8;
	[tilespmem:$0x19640] =	vst v63  }
0x27f: {  	_ =	swait.ge [sflag:s18], $0x2000  }
0x280: {  	[sflag:s18] =	ssyncset.done $0x0  }
0x281: {  	s1 =	rddreg [dreg:$0x11];
	[sflag:s18] =	ssyncadd.s32 $0xFFFFE000  }
0x282: {  	[hbm4b:s1+s16] =	stream.strided.scatter [tilespmem:s15], [sflag:$0x5], $0x2000, s31, s16, $0x38;
	[tilespmem:$0x19640] =	vst v63  }
0x283: {  	s6 =	rddreg [dreg:$0x12]  }
0x284: {  	[tilespmem:s2], [sflag:$0x1] =	stream.linear.gather [hbm4b:s6+s2], $0x80, $0x38;
	[tilespmem:$0x19640] =	vst v63  }
0x285: {  	_ =	swait.ge [sflag:s17], $0x2000  }
0x286: {  	[sflag:s17] =	ssyncset.done $0x0  }
0x287: {  	s1 =	rddreg [dreg:$0x13];
	[sflag:s17] =	ssyncadd.s32 $0xFFFFE000  }
0x288: {  	[hbm4b:s1+s16] =	stream.strided.scatter [tilespmem:s14], [sflag:$0x6], $0x2000, s31, s16, $0x38;
	[tilespmem:$0x19640] =	vst v63  }
0x289: {  	s6 =	rddreg [dreg:$0x14]  }
0x28a: {  	[tilespmem:s8], [sflag:$0x2] =	stream.linear.gather [hbm4b:s6+s2], $0x80, $0x38;
	[tilespmem:$0x19640] =	vst v63  }
0x28b: {  	_ =	swait.ge [sflag:s4], $0x80  }
0x28c: {  	[sflag:s4] =	ssyncset.done $0x0  }
0x28d: {  	[sflag:s4] =	ssyncadd.s32 $0xFFFFFF80  }
0x28e: {  	_ =	swait.ge [sflag:s13], $0x2000  }
0x28f: {  	[sflag:s13] =	ssyncset.done $0x0  }
0x290: {  	[sflag:s13] =	ssyncadd.s32 $0xFFFFE000  }
0x291: {  	[tilespmem:s15], [sflag:$0x3] =	stream.indirect.gather [hbm4b:s28+s12], $0x40, s2, s12, $0xb8;
	[tilespmem:$0x19640] =	vst v63  }
0x292: {  	_ =	swait.ge [sflag:s5], $0x80  }
0x293: {  	[sflag:s5] =	ssyncset.done $0x0  }
0x294: {  	[sflag:s5] =	ssyncadd.s32 $0xFFFFFF80  }
0x295: {  	_ =	swait.ge [sflag:s11], $0x2000  }
0x296: {  	[sflag:s11] =	ssyncset.done $0x0  }
0x297: {  	[sflag:s11] =	ssyncadd.s32 $0xFFFFE000  }
0x298: {  	[tilespmem:s14], [sflag:$0x4] =	stream.indirect.gather [hbm4b:s3+s12], $0x40, s8, s12, $0xb8;
	[tilespmem:$0x19640] =	vst v63  }
0x299: {  	_ =	swait.ge [sflag:s18], $0x2000  }
0x29a: {  	[sflag:s18] =	ssyncset.done $0x0  }
0x29b: {  	s6 =	rddreg [dreg:$0x15];
	[sflag:s18] =	ssyncadd.s32 $0xFFFFE000  }
0x29c: {  	[hbm4b:s6+s16] =	stream.strided.scatter [tilespmem:s15], [sflag:$0x5], $0x2000, s31, s16, $0x38;
	[tilespmem:$0x19640] =	vst v63  }
0x29d: {  	_ =	swait.ge [sflag:s17], $0x2000  }
0x29e: {  	[sflag:s17] =	ssyncset.done $0x0  }
0x29f: {  	s1 =	rddreg [dreg:$0x16];
	[sflag:s17] =	ssyncadd.s32 $0xFFFFE000  }
0x2a0: {  	[hbm4b:s1+s16] =	stream.strided.scatter [tilespmem:s14], [sflag:$0x6], $0x2000, s31, s16, $0x38;
	[tilespmem:$0x19640] =	vst v63  }
0x2a1: {  	s6 =	rddreg [dreg:$0x17]  }
0x2a2: {  	[tilespmem:s2], [sflag:$0x1] =	stream.linear.gather [hbm4b:s6+s2], $0x320, $0x38;
	[tilespmem:$0x19640] =	vst v63  }
0x2a3: {  	s1 =	rddreg [dreg:$0x18]  }
0x2a4: {  	[tilespmem:s8], [sflag:$0x2] =	stream.linear.gather [hbm4b:s1+s2], $0x320, $0x38;
	[tilespmem:$0x19640] =	vst v63  }
0x2a5: {  	_ =	swait.ge [sflag:s4], $0x320  }
0x2a6: {  	[sflag:s4] =	ssyncset.done $0x0  }
0x2a7: {  	[sflag:s4] =	ssyncadd.s32 $0xFFFFFCE0  }
0x2a8: {  	_ =	swait.ge [sflag:s13], $0x2000  }
0x2a9: {  	[sflag:s13] =	ssyncset.done $0x0  }
0x2aa: {  	[sflag:s13] =	ssyncadd.s32 $0xFFFFE000  }
0x2ab: {  	[tilespmem:s15], [sflag:$0x3] =	stream.indirect.gather [hbm4b:s28+s8], $0x40, s2, s8, $0xb8;
	[tilespmem:$0x19640] =	vst v63  }
0x2ac: {  	_ =	swait.ge [sflag:s5], $0x320  }
0x2ad: {  	[sflag:s5] =	ssyncset.done $0x0  }
0x2ae: {  	[sflag:s5] =	ssyncadd.s32 $0xFFFFFCE0  }
0x2af: {  	_ =	swait.ge [sflag:s11], $0x2000  }
0x2b0: {  	[sflag:s11] =	ssyncset.done $0x0  }
0x2b1: {  	[sflag:s11] =	ssyncadd.s32 $0xFFFFE000  }
0x2b2: {  	[tilespmem:s14], [sflag:$0x4] =	stream.indirect.gather [hbm4b:s28+s8], $0x40, s8, s8, $0xb8;
	[tilespmem:$0x19640] =	vst v63  }
0x2b3: {  	_ =	swait.ge [sflag:s18], $0xC800  }
0x2b4: {  	[sflag:s18] =	ssyncset.done $0x0  }
0x2b5: {  	s1 =	rddreg [dreg:$0x19];
	[sflag:s18] =	ssyncadd.s32 $0xFFFF3800  }
0x2b6: {  	[hbm4b:s1+s16] =	stream.strided.scatter [tilespmem:s15], [sflag:$0x5], $0xC800, s12, s16, $0x38;
	[tilespmem:$0x19640] =	vst v63  }
0x2b7: {  	s6 =	rddreg [dreg:$0x1a]  }
0x2b8: {  	[tilespmem:s2], [sflag:$0x1] =	stream.linear.gather [hbm4b:s6+s2], $0x320, $0x38;
	[tilespmem:$0x19640] =	vst v63  }
0x2b9: {  	_ =	swait.ge [sflag:s17], $0xC800  }
0x2ba: {  	[sflag:s17] =	ssyncset.done $0x0  }
0x2bb: {  	s1 =	rddreg [dreg:$0x1b];
	[sflag:s17] =	ssyncadd.s32 $0xFFFF3800  }
0x2bc: {  	[hbm4b:s1+s16] =	stream.strided.scatter [tilespmem:s14], [sflag:$0x6], $0xC800, s12, s16, $0x38;
	[tilespmem:$0x19640] =	vst v63  }
0x2bd: {  	s6 =	rddreg [dreg:$0x1c]  }
0x2be: {  	[tilespmem:s8], [sflag:$0x2] =	stream.linear.gather [hbm4b:s6+s2], $0x320, $0x38;
	[tilespmem:$0x19640] =	vst v63  }
0x2bf: {  	_ =	swait.ge [sflag:s4], $0x320  }
0x2c0: {  	[sflag:s4] =	ssyncset.done $0x0  }
0x2c1: {  	[sflag:s4] =	ssyncadd.s32 $0xFFFFFCE0  }
0x2c2: {  	_ =	swait.ge [sflag:s13], $0xC800  }
0x2c3: {  	[sflag:s13] =	ssyncset.done $0x0  }
0x2c4: {  	[sflag:s13] =	ssyncadd.s32 $0xFFFF3800  }
0x2c5: {  	[tilespmem:s15], [sflag:$0x3] =	stream.indirect.gather [hbm4b:s28+s8], $0x40, s2, s8, $0xb8;
	[tilespmem:$0x19640] =	vst v63  }
0x2c6: {  	_ =	swait.ge [sflag:s5], $0x320  }
0x2c7: {  	[sflag:s5] =	ssyncset.done $0x0  }
0x2c8: {  	[sflag:s5] =	ssyncadd.s32 $0xFFFFFCE0  }
0x2c9: {  	_ =	swait.ge [sflag:s11], $0xC800  }
0x2ca: {  	[sflag:s11] =	ssyncset.done $0x0  }
0x2cb: {  	[sflag:s11] =	ssyncadd.s32 $0xFFFF3800  }
0x2cc: {  	[tilespmem:s14], [sflag:$0x4] =	stream.indirect.gather [hbm4b:s28+s8], $0x40, s8, s8, $0xb8;
	[tilespmem:$0x19640] =	vst v63  }
0x2cd: {  	_ =	swait.ge [sflag:s18], $0xC800  }
0x2ce: {  	s1 =	sld [smem:$0x7DB]  }
0x2cf: {  	[sflag:s18] =	ssyncset.done $0x0  }
0x2d0: {  	s6 =	sld [smem:$0x7DC];
	[sflag:s18] =	ssyncadd.s32 $0xFFFF3800  }
0x2d1: {  	[hbm4b:s1+s16] =	stream.strided.scatter [tilespmem:s15], [sflag:$0x5], $0xC800, s12, s16, $0x38;
	[tilespmem:$0x19640] =	vst v63  }
0x2d2: {  	_ = 	snop  }
0x2d3: {  	[tilespmem:s2], [sflag:$0x1] =	stream.linear.gather [hbm4b:s6+s2], $0x320, $0x38;
	[tilespmem:$0x19640] =	vst v63  }
0x2d4: {  	_ =	swait.ge [sflag:s17], $0xC800  }
0x2d5: {  	s1 =	sld [smem:$0x7DD]  }
0x2d6: {  	[sflag:s17] =	ssyncset.done $0x0  }
0x2d7: {  	s6 =	sld [smem:$0x7DE];
	[sflag:s17] =	ssyncadd.s32 $0xFFFF3800  }
0x2d8: {  	[hbm4b:s1+s16] =	stream.strided.scatter [tilespmem:s14], [sflag:$0x6], $0xC800, s12, s16, $0x38;
	[tilespmem:$0x19640] =	vst v63  }
0x2d9: {  	_ = 	snop  }
0x2da: {  	[tilespmem:s8], [sflag:$0x2] =	stream.linear.gather [hbm4b:s6+s2], $0x320, $0x38;
	[tilespmem:$0x19640] =	vst v63  }
0x2db: {  	_ =	swait.ge [sflag:s4], $0x320  }
0x2dc: {  	[sflag:s4] =	ssyncset.done $0x0  }
0x2dd: {  	[sflag:s4] =	ssyncadd.s32 $0xFFFFFCE0  }
0x2de: {  	_ =	swait.ge [sflag:s13], $0xC800  }
0x2df: {  	[sflag:s13] =	ssyncset.done $0x0  }
0x2e0: {  	[sflag:s13] =	ssyncadd.s32 $0xFFFF3800  }
0x2e1: {  	[tilespmem:s15], [sflag:$0x3] =	stream.indirect.gather [hbm4b:s28+s8], $0x40, s2, s8, $0xb8;
	[tilespmem:$0x19640] =	vst v63  }
0x2e2: {  	_ =	swait.ge [sflag:s5], $0x320  }
0x2e3: {  	[sflag:s5] =	ssyncset.done $0x0  }
0x2e4: {  	[sflag:s5] =	ssyncadd.s32 $0xFFFFFCE0  }
0x2e5: {  	_ =	swait.ge [sflag:s11], $0xC800  }
0x2e6: {  	[sflag:s11] =	ssyncset.done $0x0  }
0x2e7: {  	[sflag:s11] =	ssyncadd.s32 $0xFFFF3800  }
0x2e8: {  	[tilespmem:s14], [sflag:$0x4] =	stream.indirect.gather [hbm4b:s28+s8], $0x40, s8, s8, $0xb8;
	[tilespmem:$0x19640] =	vst v63  }
0x2e9: {  	_ =	swait.ge [sflag:s18], $0xC800  }
0x2ea: {  	s1 =	sld [smem:$0x7DF]  }
0x2eb: {  	[sflag:s18] =	ssyncset.done $0x0  }
0x2ec: {  	s6 =	sld [smem:$0x7E0];
	[sflag:s18] =	ssyncadd.s32 $0xFFFF3800  }
0x2ed: {  	[hbm4b:s1+s16] =	stream.strided.scatter [tilespmem:s15], [sflag:$0x5], $0xC800, s12, s16, $0x38;
	[tilespmem:$0x19640] =	vst v63  }
0x2ee: {  	_ = 	snop  }
0x2ef: {  	[tilespmem:s2], [sflag:$0x1] =	stream.linear.gather [hbm4b:s6+s2], $0x320, $0x38;
	[tilespmem:$0x19640] =	vst v63  }
0x2f0: {  	_ =	swait.ge [sflag:s17], $0xC800  }
0x2f1: {  	s1 =	sld [smem:$0x7E1]  }
0x2f2: {  	[sflag:s17] =	ssyncset.done $0x0  }
0x2f3: {  	s6 =	sld [smem:$0x7E2];
	[sflag:s17] =	ssyncadd.s32 $0xFFFF3800  }
0x2f4: {  	[hbm4b:s1+s16] =	stream.strided.scatter [tilespmem:s14], [sflag:$0x6], $0xC800, s12, s16, $0x38;
	[tilespmem:$0x19640] =	vst v63  }
0x2f5: {  	_ = 	snop  }
0x2f6: {  	[tilespmem:s8], [sflag:$0x2] =	stream.linear.gather [hbm4b:s6+s2], $0x320, $0x38;
	[tilespmem:$0x19640] =	vst v63  }
0x2f7: {  	_ =	swait.ge [sflag:s4], $0x320  }
0x2f8: {  	[sflag:s4] =	ssyncset.done $0x0  }
0x2f9: {  	[sflag:s4] =	ssyncadd.s32 $0xFFFFFCE0  }
0x2fa: {  	_ =	swait.ge [sflag:s13], $0xC800  }
0x2fb: {  	[sflag:s13] =	ssyncset.done $0x0  }
0x2fc: {  	[sflag:s13] =	ssyncadd.s32 $0xFFFF3800  }
0x2fd: {  	[tilespmem:s15], [sflag:$0x3] =	stream.indirect.gather [hbm4b:s28+s8], $0x40, s2, s8, $0xb8;
	[tilespmem:$0x19640] =	vst v63  }
0x2fe: {  	_ =	swait.ge [sflag:s5], $0x320  }
0x2ff: {  	[sflag:s5] =	ssyncset.done $0x0  }
0x300: {  	[sflag:s5] =	ssyncadd.s32 $0xFFFFFCE0  }
0x301: {  	_ =	swait.ge [sflag:s11], $0xC800  }
0x302: {  	[sflag:s11] =	ssyncset.done $0x0  }
0x303: {  	[sflag:s11] =	ssyncadd.s32 $0xFFFF3800  }
0x304: {  	[tilespmem:s14], [sflag:$0x4] =	stream.indirect.gather [hbm4b:s28+s8], $0x40, s8, s8, $0xb8;
	[tilespmem:$0x19640] =	vst v63  }
0x305: {  	_ =	swait.ge [sflag:s18], $0xC800  }
0x306: {  	s1 =	sld [smem:$0x7E3]  }
0x307: {  	[sflag:s18] =	ssyncset.done $0x0  }
0x308: {  	s6 =	sld [smem:$0x7E4];
	[sflag:s18] =	ssyncadd.s32 $0xFFFF3800  }
0x309: {  	[hbm4b:s1+s16] =	stream.strided.scatter [tilespmem:s15], [sflag:$0x5], $0xC800, s12, s16, $0x38;
	[tilespmem:$0x19640] =	vst v63  }
0x30a: {  	_ = 	snop  }
0x30b: {  	[tilespmem:s2], [sflag:$0x1] =	stream.linear.gather [hbm4b:s6+s2], $0x320, $0x38;
	[tilespmem:$0x19640] =	vst v63  }
0x30c: {  	_ =	swait.ge [sflag:s17], $0xC800  }
0x30d: {  	s1 =	sld [smem:$0x7E5]  }
0x30e: {  	[sflag:s17] =	ssyncset.done $0x0  }
0x30f: {  	s6 =	sld [smem:$0x7E6];
	[sflag:s17] =	ssyncadd.s32 $0xFFFF3800  }
0x310: {  	[hbm4b:s1+s16] =	stream.strided.scatter [tilespmem:s14], [sflag:$0x6], $0xC800, s12, s16, $0x38;
	[tilespmem:$0x19640] =	vst v63  }
0x311: {  	_ = 	snop  }
0x312: {  	[tilespmem:s8], [sflag:$0x2] =	stream.linear.gather [hbm4b:s6+s2], $0x320, $0x38;
	[tilespmem:$0x19640] =	vst v63  }
0x313: {  	_ =	swait.ge [sflag:s4], $0x320  }
0x314: {  	[sflag:s4] =	ssyncset.done $0x0  }
0x315: {  	[sflag:s4] =	ssyncadd.s32 $0xFFFFFCE0  }
0x316: {  	_ =	swait.ge [sflag:s5], $0x320  }
0x317: {  	[sflag:s5] =	ssyncset.done $0x0  }
0x318: {  	s1 =	rddreg [dreg:$0x1d];
	[sflag:s5] =	ssyncadd.s32 $0xFFFFFCE0  }
0x319: {  	[tilespmem:s2], [sflag:$0x1] =	stream.linear.gather [hbm4b:s1+s2], $0x320, $0x38;
	[tilespmem:$0x19640] =	vst v63  }
0x31a: {  	s6 =	rddreg [dreg:$0x1e]  }
0x31b: {  	[tilespmem:s8], [sflag:$0x2] =	stream.linear.gather [hbm4b:s6+s2], $0x320, $0x38;
	[tilespmem:$0x19640] =	vst v63  }
0x31c: {  	_ =	swait.ge [sflag:s4], $0x320  }
0x31d: {  	[sflag:s4] =	ssyncset.done $0x0  }
0x31e: {  	[sflag:s4] =	ssyncadd.s32 $0xFFFFFCE0  }
0x31f: {  	_ =	swait.ge [sflag:s13], $0xC800  }
0x320: {  	[sflag:s13] =	ssyncset.done $0x0  }
0x321: {  	[sflag:s13] =	ssyncadd.s32 $0xFFFF3800  }
0x322: {  	[tilespmem:s15], [sflag:$0x3] =	stream.indirect.gather [hbm4b:s3+s8], $0x40, s2, s8, $0xb8;
	[tilespmem:$0x19640] =	vst v63  }
0x323: {  	_ =	swait.ge [sflag:s5], $0x320  }
0x324: {  	[sflag:s5] =	ssyncset.done $0x0  }
0x325: {  	[sflag:s5] =	ssyncadd.s32 $0xFFFFFCE0  }
0x326: {  	_ =	swait.ge [sflag:s11], $0xC800  }
0x327: {  	[sflag:s11] =	ssyncset.done $0x0  }
0x328: {  	[sflag:s11] =	ssyncadd.s32 $0xFFFF3800  }
0x329: {  	[tilespmem:s14], [sflag:$0x4] =	stream.indirect.gather [hbm4b:s3+s8], $0x40, s8, s8, $0xb8;
	[tilespmem:$0x19640] =	vst v63  }
0x32a: {  	_ =	swait.ge [sflag:s18], $0xC800  }
0x32b: {  	s1 =	rddreg [dreg:$0x1f];
	[sflag:s18] =	ssyncset.done $0x0  }
0x32c: {  	s6 =	sld [smem:$0x7CC];
	[sflag:s18] =	ssyncadd.s32 $0xFFFF3800  }
0x32d: {  	[hbm4b:s1+s16] =	stream.strided.scatter [tilespmem:s15], [sflag:$0x5], $0xC800, s12, s16, $0x38;
	[tilespmem:$0x19640] =	vst v63  }
0x32e: {  	_ = 	snop  }
0x32f: {  	[tilespmem:s2], [sflag:$0x1] =	stream.linear.gather [hbm4b:s6+s2], $0x320, $0x38;
	[tilespmem:$0x19640] =	vst v63  }
0x330: {  	_ =	swait.ge [sflag:s17], $0xC800  }
0x331: {  	s1 =	sld [smem:$0x7CD]  }
0x332: {  	[sflag:s17] =	ssyncset.done $0x0  }
0x333: {  	s6 =	sld [smem:$0x7CE];
	[sflag:s17] =	ssyncadd.s32 $0xFFFF3800  }
0x334: {  	[hbm4b:s1+s16] =	stream.strided.scatter [tilespmem:s14], [sflag:$0x6], $0xC800, s12, s16, $0x38;
	[tilespmem:$0x19640] =	vst v63  }
0x335: {  	_ = 	snop  }
0x336: {  	[tilespmem:s8], [sflag:$0x2] =	stream.linear.gather [hbm4b:s6+s2], $0x320, $0x38;
	[tilespmem:$0x19640] =	vst v63  }
0x337: {  	_ =	swait.ge [sflag:s4], $0x320  }
0x338: {  	[sflag:s4] =	ssyncset.done $0x0  }
0x339: {  	[sflag:s4] =	ssyncadd.s32 $0xFFFFFCE0  }
0x33a: {  	_ =	swait.ge [sflag:s13], $0xC800  }
0x33b: {  	[sflag:s13] =	ssyncset.done $0x0  }
0x33c: {  	[sflag:s13] =	ssyncadd.s32 $0xFFFF3800  }
0x33d: {  	[tilespmem:s15], [sflag:$0x3] =	stream.indirect.gather [hbm4b:s3+s8], $0x40, s2, s8, $0xb8;
	[tilespmem:$0x19640] =	vst v63  }
0x33e: {  	_ =	swait.ge [sflag:s5], $0x320  }
0x33f: {  	[sflag:s5] =	ssyncset.done $0x0  }
0x340: {  	[sflag:s5] =	ssyncadd.s32 $0xFFFFFCE0  }
0x341: {  	_ =	swait.ge [sflag:s11], $0xC800  }
0x342: {  	[sflag:s11] =	ssyncset.done $0x0  }
0x343: {  	[sflag:s11] =	ssyncadd.s32 $0xFFFF3800  }
0x344: {  	[tilespmem:s14], [sflag:$0x4] =	stream.indirect.gather [hbm4b:s3+s8], $0x40, s8, s8, $0xb8;
	[tilespmem:$0x19640] =	vst v63  }
0x345: {  	_ =	swait.ge [sflag:s18], $0xC800  }
0x346: {  	s1 =	sld [smem:$0x7E7]  }
0x347: {  	[sflag:s18] =	ssyncset.done $0x0  }
0x348: {  	s6 =	sld [smem:$0x7E8];
	[sflag:s18] =	ssyncadd.s32 $0xFFFF3800  }
0x349: {  	[hbm4b:s1+s16] =	stream.strided.scatter [tilespmem:s15], [sflag:$0x5], $0xC800, s12, s16, $0x38;
	[tilespmem:$0x19640] =	vst v63  }
0x34a: {  	_ = 	snop  }
0x34b: {  	[tilespmem:s2], [sflag:$0x1] =	stream.linear.gather [hbm4b:s6+s2], $0x320, $0x38;
	[tilespmem:$0x19640] =	vst v63  }
0x34c: {  	_ =	swait.ge [sflag:s17], $0xC800  }
0x34d: {  	s1 =	sld [smem:$0x7E9]  }
0x34e: {  	[sflag:s17] =	ssyncset.done $0x0  }
0x34f: {  	s6 =	sld [smem:$0x7EA];
	[sflag:s17] =	ssyncadd.s32 $0xFFFF3800  }
0x350: {  	[hbm4b:s1+s16] =	stream.strided.scatter [tilespmem:s14], [sflag:$0x6], $0xC800, s12, s16, $0x38;
	[tilespmem:$0x19640] =	vst v63  }
0x351: {  	_ = 	snop  }
0x352: {  	[tilespmem:s8], [sflag:$0x2] =	stream.linear.gather [hbm4b:s6+s2], $0x320, $0x38;
	[tilespmem:$0x19640] =	vst v63  }
0x353: {  	_ =	swait.ge [sflag:s4], $0x320  }
0x354: {  	[sflag:s4] =	ssyncset.done $0x0  }
0x355: {  	[sflag:s4] =	ssyncadd.s32 $0xFFFFFCE0  }
0x356: {  	_ =	swait.ge [sflag:s13], $0xC800  }
0x357: {  	[sflag:s13] =	ssyncset.done $0x0  }
0x358: {  	[sflag:s13] =	ssyncadd.s32 $0xFFFF3800  }
0x359: {  	[tilespmem:s15], [sflag:$0x3] =	stream.indirect.gather [hbm4b:s3+s8], $0x40, s2, s8, $0xb8;
	[tilespmem:$0x19640] =	vst v63  }
0x35a: {  	_ =	swait.ge [sflag:s5], $0x320  }
0x35b: {  	[sflag:s5] =	ssyncset.done $0x0  }
0x35c: {  	[sflag:s5] =	ssyncadd.s32 $0xFFFFFCE0  }
0x35d: {  	_ =	swait.ge [sflag:s11], $0xC800  }
0x35e: {  	[sflag:s11] =	ssyncset.done $0x0  }
0x35f: {  	[sflag:s11] =	ssyncadd.s32 $0xFFFF3800  }
0x360: {  	[tilespmem:s14], [sflag:$0x4] =	stream.indirect.gather [hbm4b:s3+s8], $0x40, s8, s8, $0xb8;
	[tilespmem:$0x19640] =	vst v63  }
0x361: {  	_ =	swait.ge [sflag:s18], $0xC800  }
0x362: {  	s1 =	sld [smem:$0x7EB]  }
0x363: {  	[sflag:s18] =	ssyncset.done $0x0  }
0x364: {  	s6 =	sld [smem:$0x7EC];
	[sflag:s18] =	ssyncadd.s32 $0xFFFF3800  }
0x365: {  	[hbm4b:s1+s16] =	stream.strided.scatter [tilespmem:s15], [sflag:$0x5], $0xC800, s12, s16, $0x38;
	[tilespmem:$0x19640] =	vst v63  }
0x366: {  	_ = 	snop  }
0x367: {  	[tilespmem:s2], [sflag:$0x1] =	stream.linear.gather [hbm4b:s6+s2], $0x320, $0x38;
	[tilespmem:$0x19640] =	vst v63  }
0x368: {  	_ =	swait.ge [sflag:s17], $0xC800  }
0x369: {  	s1 =	sld [smem:$0x7ED]  }
0x36a: {  	[sflag:s17] =	ssyncset.done $0x0  }
0x36b: {  	s6 =	sld [smem:$0x7EE];
	[sflag:s17] =	ssyncadd.s32 $0xFFFF3800  }
0x36c: {  	[hbm4b:s1+s16] =	stream.strided.scatter [tilespmem:s14], [sflag:$0x6], $0xC800, s12, s16, $0x38;
	[tilespmem:$0x19640] =	vst v63  }
0x36d: {  	_ = 	snop  }
0x36e: {  	[tilespmem:s8], [sflag:$0x2] =	stream.linear.gather [hbm4b:s6+s2], $0x320, $0x38;
	[tilespmem:$0x19640] =	vst v63  }
0x36f: {  	_ =	swait.ge [sflag:s4], $0x320  }
0x370: {  	[sflag:s4] =	ssyncset.done $0x0  }
0x371: {  	[sflag:s4] =	ssyncadd.s32 $0xFFFFFCE0  }
0x372: {  	_ =	swait.ge [sflag:s13], $0xC800  }
0x373: {  	[sflag:s13] =	ssyncset.done $0x0  }
0x374: {  	[sflag:s13] =	ssyncadd.s32 $0xFFFF3800  }
0x375: {  	[tilespmem:s15], [sflag:$0x3] =	stream.indirect.gather [hbm4b:s3+s8], $0x40, s2, s8, $0xb8;
	[tilespmem:$0x19640] =	vst v63  }
0x376: {  	_ =	swait.ge [sflag:s5], $0x320  }
0x377: {  	[sflag:s5] =	ssyncset.done $0x0  }
0x378: {  	[sflag:s5] =	ssyncadd.s32 $0xFFFFFCE0  }
0x379: {  	_ =	swait.ge [sflag:s11], $0xC800  }
0x37a: {  	[sflag:s11] =	ssyncset.done $0x0  }
0x37b: {  	[sflag:s11] =	ssyncadd.s32 $0xFFFF3800  }
0x37c: {  	[tilespmem:s14], [sflag:$0x4] =	stream.indirect.gather [hbm4b:s3+s8], $0x40, s8, s8, $0xb8;
	[tilespmem:$0x19640] =	vst v63  }
0x37d: {  	_ =	swait.ge [sflag:s18], $0xC800  }
0x37e: {  	s1 =	sld [smem:$0x7EF]  }
0x37f: {  	[sflag:s18] =	ssyncset.done $0x0  }
0x380: {  	s6 =	sld [smem:$0x7F0];
	[sflag:s18] =	ssyncadd.s32 $0xFFFF3800  }
0x381: {  	[hbm4b:s1+s16] =	stream.strided.scatter [tilespmem:s15], [sflag:$0x5], $0xC800, s12, s16, $0x38;
	[tilespmem:$0x19640] =	vst v63  }
0x382: {  	_ = 	snop  }
0x383: {  	[tilespmem:s2], [sflag:$0x1] =	stream.linear.gather [hbm4b:s6+s2], $0x320, $0x38;
	[tilespmem:$0x19640] =	vst v63  }
0x384: {  	_ =	swait.ge [sflag:s17], $0xC800  }
0x385: {  	s1 =	sld [smem:$0x7F1]  }
0x386: {  	[sflag:s17] =	ssyncset.done $0x0  }
0x387: {  	s6 =	sld [smem:$0x7F2];
	[sflag:s17] =	ssyncadd.s32 $0xFFFF3800  }
0x388: {  	[hbm4b:s1+s16] =	stream.strided.scatter [tilespmem:s14], [sflag:$0x6], $0xC800, s12, s16, $0x38;
	[tilespmem:$0x19640] =	vst v63  }
0x389: {  	_ = 	snop  }
0x38a: {  	[tilespmem:s8], [sflag:$0x2] =	stream.linear.gather [hbm4b:s6+s2], $0x320, $0x38;
	[tilespmem:$0x19640] =	vst v63  }
0x38b: {  	_ =	swait.ge [sflag:s4], $0x320  }
0x38c: {  	[sflag:s4] =	ssyncset.done $0x0  }
0x38d: {  	[sflag:s4] =	ssyncadd.s32 $0xFFFFFCE0  }
0x38e: {  	_ =	swait.ge [sflag:s5], $0x320  }
0x38f: {  	s1 =	sld [smem:$0x7CF]  }
0x390: {  	[sflag:s5] =	ssyncset.done $0x0  }
0x391: {  	s6 =	sld [smem:$0x7D0];
	[sflag:s5] =	ssyncadd.s32 $0xFFFFFCE0  }
0x392: {  	[tilespmem:s2], [sflag:$0x1] =	stream.linear.gather [hbm4b:s1+s2], $0x320, $0x38;
	[tilespmem:$0x19640] =	vst v63  }
0x393: {  	_ = 	snop  }
0x394: {  	[tilespmem:s8], [sflag:$0x2] =	stream.linear.gather [hbm4b:s6+s2], $0x320, $0x38;
	[tilespmem:$0x19640] =	vst v63  }
0x395: {  	_ =	swait.ge [sflag:s4], $0x320  }
0x396: {  	[sflag:s4] =	ssyncset.done $0x0  }
0x397: {  	[sflag:s4] =	ssyncadd.s32 $0xFFFFFCE0  }
0x398: {  	_ =	swait.ge [sflag:s13], $0xC800  }
0x399: {  	[sflag:s13] =	ssyncset.done $0x0  }
0x39a: {  	[sflag:s13] =	ssyncadd.s32 $0xFFFF3800  }
0x39b: {  	[tilespmem:s15], [sflag:$0x3] =	stream.indirect.gather [hbm4b:s28+s8], $0x40, s2, s8, $0xb8;
	[tilespmem:$0x19640] =	vst v63  }
0x39c: {  	_ =	swait.ge [sflag:s5], $0x320  }
0x39d: {  	[sflag:s5] =	ssyncset.done $0x0  }
0x39e: {  	[sflag:s5] =	ssyncadd.s32 $0xFFFFFCE0  }
0x39f: {  	_ =	swait.ge [sflag:s11], $0xC800  }
0x3a0: {  	[sflag:s11] =	ssyncset.done $0x0  }
0x3a1: {  	[sflag:s11] =	ssyncadd.s32 $0xFFFF3800  }
0x3a2: {  	[tilespmem:s14], [sflag:$0x4] =	stream.indirect.gather [hbm4b:s28+s8], $0x40, s8, s8, $0xb8;
	[tilespmem:$0x19640] =	vst v63  }
0x3a3: {  	_ =	swait.ge [sflag:s18], $0xC800  }
0x3a4: {  	s1 =	sld [smem:$0x7D1]  }
0x3a5: {  	[sflag:s18] =	ssyncset.done $0x0  }
0x3a6: {  	s6 =	sld [smem:$0x7D2];
	[sflag:s18] =	ssyncadd.s32 $0xFFFF3800  }
0x3a7: {  	[hbm4b:s1+s16] =	stream.strided.scatter [tilespmem:s15], [sflag:$0x5], $0xC800, s12, s16, $0x38;
	[tilespmem:$0x19640] =	vst v63  }
0x3a8: {  	_ = 	snop  }
0x3a9: {  	[tilespmem:s2], [sflag:$0x1] =	stream.linear.gather [hbm4b:s6+s2], $0x320, $0x38;
	[tilespmem:$0x19640] =	vst v63  }
0x3aa: {  	_ =	swait.ge [sflag:s17], $0xC800  }
0x3ab: {  	s1 =	sld [smem:$0x7D3]  }
0x3ac: {  	[sflag:s17] =	ssyncset.done $0x0  }
0x3ad: {  	s6 =	sld [smem:$0x7D4];
	[sflag:s17] =	ssyncadd.s32 $0xFFFF3800  }
0x3ae: {  	[hbm4b:s1+s16] =	stream.strided.scatter [tilespmem:s14], [sflag:$0x6], $0xC800, s12, s16, $0x38;
	[tilespmem:$0x19640] =	vst v63  }
0x3af: {  	_ = 	snop  }
0x3b0: {  	[tilespmem:s8], [sflag:$0x2] =	stream.linear.gather [hbm4b:s6+s2], $0x320, $0x38;
	[tilespmem:$0x19640] =	vst v63  }
0x3b1: {  	_ =	swait.ge [sflag:s4], $0x320  }
0x3b2: {  	[sflag:s4] =	ssyncset.done $0x0  }
0x3b3: {  	[sflag:s4] =	ssyncadd.s32 $0xFFFFFCE0  }
0x3b4: {  	_ =	swait.ge [sflag:s13], $0xC800  }
0x3b5: {  	[sflag:s13] =	ssyncset.done $0x0  }
0x3b6: {  	[sflag:s13] =	ssyncadd.s32 $0xFFFF3800  }
0x3b7: {  	[tilespmem:s15], [sflag:$0x3] =	stream.indirect.gather [hbm4b:s28+s8], $0x40, s2, s8, $0xb8;
	[tilespmem:$0x19640] =	vst v63  }
0x3b8: {  	_ =	swait.ge [sflag:s5], $0x320  }
0x3b9: {  	[sflag:s5] =	ssyncset.done $0x0  }
0x3ba: {  	[sflag:s5] =	ssyncadd.s32 $0xFFFFFCE0  }
0x3bb: {  	_ =	swait.ge [sflag:s11], $0xC800  }
0x3bc: {  	[sflag:s11] =	ssyncset.done $0x0  }
0x3bd: {  	[sflag:s11] =	ssyncadd.s32 $0xFFFF3800  }
0x3be: {  	[tilespmem:s14], [sflag:$0x4] =	stream.indirect.gather [hbm4b:s28+s8], $0x40, s8, s8, $0xb8;
	[tilespmem:$0x19640] =	vst v63  }
0x3bf: {  	_ =	swait.ge [sflag:s18], $0xC800  }
0x3c0: {  	s1 =	sld [smem:$0x7F3]  }
0x3c1: {  	[sflag:s18] =	ssyncset.done $0x0  }
0x3c2: {  	s6 =	sld [smem:$0x7F4];
	[sflag:s18] =	ssyncadd.s32 $0xFFFF3800  }
0x3c3: {  	[hbm4b:s1+s16] =	stream.strided.scatter [tilespmem:s15], [sflag:$0x5], $0xC800, s12, s16, $0x38;
	[tilespmem:$0x19640] =	vst v63  }
0x3c4: {  	_ = 	snop  }
0x3c5: {  	[tilespmem:s2], [sflag:$0x1] =	stream.linear.gather [hbm4b:s6+s2], $0x320, $0x38;
	[tilespmem:$0x19640] =	vst v63  }
0x3c6: {  	_ =	swait.ge [sflag:s17], $0xC800  }
0x3c7: {  	s1 =	sld [smem:$0x7F5]  }
0x3c8: {  	[sflag:s17] =	ssyncset.done $0x0  }
0x3c9: {  	s6 =	sld [smem:$0x7F6];
	[sflag:s17] =	ssyncadd.s32 $0xFFFF3800  }
0x3ca: {  	[hbm4b:s1+s16] =	stream.strided.scatter [tilespmem:s14], [sflag:$0x6], $0xC800, s12, s16, $0x38;
	[tilespmem:$0x19640] =	vst v63  }
0x3cb: {  	_ = 	snop  }
0x3cc: {  	[tilespmem:s8], [sflag:$0x2] =	stream.linear.gather [hbm4b:s6+s2], $0x320, $0x38;
	[tilespmem:$0x19640] =	vst v63  }
0x3cd: {  	_ =	swait.ge [sflag:s4], $0x320  }
0x3ce: {  	[sflag:s4] =	ssyncset.done $0x0  }
0x3cf: {  	[sflag:s4] =	ssyncadd.s32 $0xFFFFFCE0  }
0x3d0: {  	_ =	swait.ge [sflag:s13], $0xC800  }
0x3d1: {  	[sflag:s13] =	ssyncset.done $0x0  }
0x3d2: {  	[sflag:s13] =	ssyncadd.s32 $0xFFFF3800  }
0x3d3: {  	[tilespmem:s15], [sflag:$0x3] =	stream.indirect.gather [hbm4b:s28+s8], $0x40, s2, s8, $0xb8;
	[tilespmem:$0x19640] =	vst v63  }
0x3d4: {  	_ =	swait.ge [sflag:s5], $0x320  }
0x3d5: {  	[sflag:s5] =	ssyncset.done $0x0  }
0x3d6: {  	[sflag:s5] =	ssyncadd.s32 $0xFFFFFCE0  }
0x3d7: {  	_ =	swait.ge [sflag:s11], $0xC800  }
0x3d8: {  	[sflag:s11] =	ssyncset.done $0x0  }
0x3d9: {  	[sflag:s11] =	ssyncadd.s32 $0xFFFF3800  }
0x3da: {  	[tilespmem:s14], [sflag:$0x4] =	stream.indirect.gather [hbm4b:s28+s8], $0x40, s8, s8, $0xb8;
	[tilespmem:$0x19640] =	vst v63  }
0x3db: {  	_ =	swait.ge [sflag:s18], $0xC800  }
0x3dc: {  	s1 =	sld [smem:$0x7F7]  }
0x3dd: {  	[sflag:s18] =	ssyncset.done $0x0  }
0x3de: {  	s6 =	sld [smem:$0x7F8];
	[sflag:s18] =	ssyncadd.s32 $0xFFFF3800  }
0x3df: {  	[hbm4b:s1+s16] =	stream.strided.scatter [tilespmem:s15], [sflag:$0x5], $0xC800, s12, s16, $0x38;
	[tilespmem:$0x19640] =	vst v63  }
0x3e0: {  	_ = 	snop  }
0x3e1: {  	[tilespmem:s2], [sflag:$0x1] =	stream.linear.gather [hbm4b:s6+s2], $0x320, $0x38;
	[tilespmem:$0x19640] =	vst v63  }
0x3e2: {  	_ =	swait.ge [sflag:s17], $0xC800  }
0x3e3: {  	s1 =	sld [smem:$0x7F9]  }
0x3e4: {  	[sflag:s17] =	ssyncset.done $0x0  }
0x3e5: {  	s6 =	sld [smem:$0x7FA];
	[sflag:s17] =	ssyncadd.s32 $0xFFFF3800  }
0x3e6: {  	[hbm4b:s1+s16] =	stream.strided.scatter [tilespmem:s14], [sflag:$0x6], $0xC800, s12, s16, $0x38;
	[tilespmem:$0x19640] =	vst v63  }
0x3e7: {  	_ = 	snop  }
0x3e8: {  	[tilespmem:s8], [sflag:$0x2] =	stream.linear.gather [hbm4b:s6+s2], $0x320, $0x38;
	[tilespmem:$0x19640] =	vst v63  }
0x3e9: {  	_ =	swait.ge [sflag:s4], $0x320  }
0x3ea: {  	[sflag:s4] =	ssyncset.done $0x0  }
0x3eb: {  	[sflag:s4] =	ssyncadd.s32 $0xFFFFFCE0  }
0x3ec: {  	_ =	swait.ge [sflag:s13], $0xC800  }
0x3ed: {  	[sflag:s13] =	ssyncset.done $0x0  }
0x3ee: {  	[sflag:s13] =	ssyncadd.s32 $0xFFFF3800  }
0x3ef: {  	[tilespmem:s15], [sflag:$0x3] =	stream.indirect.gather [hbm4b:s28+s8], $0x40, s2, s8, $0xb8;
	[tilespmem:$0x19640] =	vst v63  }
0x3f0: {  	_ =	swait.ge [sflag:s5], $0x320  }
0x3f1: {  	[sflag:s5] =	ssyncset.done $0x0  }
0x3f2: {  	[sflag:s5] =	ssyncadd.s32 $0xFFFFFCE0  }
0x3f3: {  	_ =	swait.ge [sflag:s11], $0xC800  }
0x3f4: {  	[sflag:s11] =	ssyncset.done $0x0  }
0x3f5: {  	[sflag:s11] =	ssyncadd.s32 $0xFFFF3800  }
0x3f6: {  	[tilespmem:s14], [sflag:$0x4] =	stream.indirect.gather [hbm4b:s28+s8], $0x40, s8, s8, $0xb8;
	[tilespmem:$0x19640] =	vst v63  }
0x3f7: {  	_ =	swait.ge [sflag:s18], $0xC800  }
0x3f8: {  	s1 =	sld [smem:$0x7FB]  }
0x3f9: {  	[sflag:s18] =	ssyncset.done $0x0  }
0x3fa: {  	s6 =	sld [smem:$0x7FC];
	[sflag:s18] =	ssyncadd.s32 $0xFFFF3800  }
0x3fb: {  	[hbm4b:s1+s16] =	stream.strided.scatter [tilespmem:s15], [sflag:$0x5], $0xC800, s12, s16, $0x38;
	[tilespmem:$0x19640] =	vst v63  }
0x3fc: {  	_ = 	snop  }
0x3fd: {  	[tilespmem:s2], [sflag:$0x1] =	stream.linear.gather [hbm4b:s6+s2], $0x320, $0x38;
	[tilespmem:$0x19640] =	vst v63  }
0x3fe: {  	_ =	swait.ge [sflag:s17], $0xC800  }
0x3ff: {  	[sflag:s17] =	ssyncset.done $0x0  }
0x400: {  	s6 =	sld [smem:$0x7FD];
	[sflag:s17] =	ssyncadd.s32 $0xFFFF3800  }
0x401: {  	[hbm4b:s30+s16] =	stream.strided.scatter [tilespmem:s14], [sflag:$0x6], $0xC800, s12, s16, $0x38;
	[tilespmem:$0x19640] =	vst v63  }
0x402: {  	_ = 	snop  }
0x403: {  	[tilespmem:s8], [sflag:$0x2] =	stream.linear.gather [hbm4b:s6+s2], $0x320, $0x38;
	[tilespmem:$0x19640] =	vst v63  }
0x404: {  	_ =	swait.ge [sflag:s4], $0x320  }
0x405: {  	[sflag:s4] =	ssyncset.done $0x0  }
0x406: {  	[sflag:s4] =	ssyncadd.s32 $0xFFFFFCE0  }
0x407: {  	_ =	swait.ge [sflag:s5], $0x320  }
0x408: {  	s1 =	sld [smem:$0x7D5]  }
0x409: {  	[sflag:s5] =	ssyncset.done $0x0  }
0x40a: {  	s6 =	sld [smem:$0x7D6];
	[sflag:s5] =	ssyncadd.s32 $0xFFFFFCE0  }
0x40b: {  	[tilespmem:s2], [sflag:$0x1] =	stream.linear.gather [hbm4b:s1+s2], $0x320, $0x38;
	[tilespmem:$0x19640] =	vst v63  }
0x40c: {  	_ = 	snop  }
0x40d: {  	[tilespmem:s8], [sflag:$0x2] =	stream.linear.gather [hbm4b:s6+s2], $0x320, $0x38;
	[tilespmem:$0x19640] =	vst v63  }
0x40e: {  	_ =	swait.ge [sflag:s4], $0x320  }
0x40f: {  	[sflag:s4] =	ssyncset.done $0x0  }
0x410: {  	[sflag:s4] =	ssyncadd.s32 $0xFFFFFCE0  }
0x411: {  	_ =	swait.ge [sflag:s13], $0xC800  }
0x412: {  	[sflag:s13] =	ssyncset.done $0x0  }
0x413: {  	[sflag:s13] =	ssyncadd.s32 $0xFFFF3800  }
0x414: {  	[tilespmem:s15], [sflag:$0x3] =	stream.indirect.gather [hbm4b:s3+s8], $0x40, s2, s8, $0xb8;
	[tilespmem:$0x19640] =	vst v63  }
0x415: {  	_ =	swait.ge [sflag:s5], $0x320  }
0x416: {  	[sflag:s5] =	ssyncset.done $0x0  }
0x417: {  	[sflag:s5] =	ssyncadd.s32 $0xFFFFFCE0  }
0x418: {  	_ =	swait.ge [sflag:s11], $0xC800  }
0x419: {  	[sflag:s11] =	ssyncset.done $0x0  }
0x41a: {  	[sflag:s11] =	ssyncadd.s32 $0xFFFF3800  }
0x41b: {  	[tilespmem:s14], [sflag:$0x4] =	stream.indirect.gather [hbm4b:s3+s8], $0x40, s8, s8, $0xb8;
	[tilespmem:$0x19640] =	vst v63  }
0x41c: {  	_ =	swait.ge [sflag:s18], $0xC800  }
0x41d: {  	s1 =	sld [smem:$0x7D7]  }
0x41e: {  	[sflag:s18] =	ssyncset.done $0x0  }
0x41f: {  	s6 =	sld [smem:$0x7D8];
	[sflag:s18] =	ssyncadd.s32 $0xFFFF3800  }
0x420: {  	[hbm4b:s1+s16] =	stream.strided.scatter [tilespmem:s15], [sflag:$0x5], $0xC800, s12, s16, $0x38;
	[tilespmem:$0x19640] =	vst v63  }
0x421: {  	_ = 	snop  }
0x422: {  	[tilespmem:s2], [sflag:$0x1] =	stream.linear.gather [hbm4b:s6+s2], $0x320, $0x38;
	[tilespmem:$0x19640] =	vst v63  }
0x423: {  	_ =	swait.ge [sflag:s17], $0xC800  }
0x424: {  	s1 =	sld [smem:$0x7D9]  }
0x425: {  	[sflag:s17] =	ssyncset.done $0x0  }
0x426: {  	s6 =	sld [smem:$0x7DA];
	[sflag:s17] =	ssyncadd.s32 $0xFFFF3800  }
0x427: {  	[hbm4b:s1+s16] =	stream.strided.scatter [tilespmem:s14], [sflag:$0x6], $0xC800, s12, s16, $0x38;
	[tilespmem:$0x19640] =	vst v63  }
0x428: {  	_ = 	snop  }
0x429: {  	[tilespmem:s8], [sflag:$0x2] =	stream.linear.gather [hbm4b:s6+s2], $0x320, $0x38;
	[tilespmem:$0x19640] =	vst v63  }
0x42a: {  	_ =	swait.ge [sflag:s4], $0x320  }
0x42b: {  	[sflag:s4] =	ssyncset.done $0x0  }
0x42c: {  	[sflag:s4] =	ssyncadd.s32 $0xFFFFFCE0  }
0x42d: {  	_ =	swait.ge [sflag:s13], $0xC800  }
0x42e: {  	[sflag:s13] =	ssyncset.done $0x0  }
0x42f: {  	[sflag:s13] =	ssyncadd.s32 $0xFFFF3800  }
0x430: {  	[tilespmem:s15], [sflag:$0x3] =	stream.indirect.gather [hbm4b:s3+s8], $0x40, s2, s8, $0xb8;
	[tilespmem:$0x19640] =	vst v63  }
0x431: {  	_ =	swait.ge [sflag:s5], $0x320  }
0x432: {  	[sflag:s5] =	ssyncset.done $0x0  }
0x433: {  	[sflag:s5] =	ssyncadd.s32 $0xFFFFFCE0  }
0x434: {  	s6 =	smov.u32 s7;
	_ =	swait.ge [sflag:s11], $0xC800  }
0x435: {  	s7 =	smov.u32 s9;
	s9 =	smov.u32 s10;
	[sflag:s11] =	ssyncset.done $0x0  }
0x436: {  	s10 =	smov.u32 s19;
	s19 =	smov.u32 s20;
	[sflag:s11] =	ssyncadd.s32 $0xFFFF3800  }
0x437: {  	[tilespmem:s14], [sflag:$0x4] =	stream.indirect.gather [hbm4b:s3+s8], $0x40, s8, s8, $0xb8;
	[tilespmem:$0x19640] =	vst v63  }
0x438: {  	s20 =	smov.u32 s21;
	s21 =	smov.u32 s22;
	_ =	swait.ge [sflag:s18], $0xC800  }
0x439: {  	s22 =	smov.u32 s23;
	s23 =	smov.u32 s24;
	[sflag:s18] =	ssyncset.done $0x0  }
0x43a: {  	s24 =	smov.u32 s25;
	s25 =	smov.u32 s26;
	[sflag:s18] =	ssyncadd.s32 $0xFFFF3800  }
0x43b: {  	[hbm4b:s25+s16] =	stream.strided.scatter [tilespmem:s15], [sflag:$0x5], $0xC800, s12, s16, $0x38;
	[tilespmem:$0x19640] =	vst v63  }
0x43c: {  	_ = 	snop  }
0x43d: {  	[tilespmem:s2], [sflag:$0x1] =	stream.linear.gather [hbm4b:s29+s2], $0x320, $0x38;
	[tilespmem:$0x19640] =	vst v63  }
0x43e: {  	_ =	swait.ge [sflag:s17], $0xC800  }
0x43f: {  	[sflag:s17] =	ssyncset.done $0x0  }
0x440: {  	[sflag:s17] =	ssyncadd.s32 $0xFFFF3800  }
0x441: {  	[hbm4b:s23+s16] =	stream.strided.scatter [tilespmem:s14], [sflag:$0x6], $0xC800, s12, s16, $0x38;
	[tilespmem:$0x19640] =	vst v63  }
0x442: {  	_ = 	snop  }
0x443: {  	[tilespmem:s8], [sflag:$0x2] =	stream.linear.gather [hbm4b:s24+s2], $0x320, $0x38;
	[tilespmem:$0x19640] =	vst v63  }
0x444: {  	_ =	swait.ge [sflag:s4], $0x320  }
0x445: {  	[sflag:s4] =	ssyncset.done $0x0  }
0x446: {  	[sflag:s4] =	ssyncadd.s32 $0xFFFFFCE0  }
0x447: {  	_ =	swait.ge [sflag:s13], $0xC800  }
0x448: {  	[sflag:s13] =	ssyncset.done $0x0  }
0x449: {  	[sflag:s13] =	ssyncadd.s32 $0xFFFF3800  }
0x44a: {  	[tilespmem:s15], [sflag:$0x3] =	stream.indirect.gather [hbm4b:s3+s8], $0x40, s2, s8, $0xb8;
	[tilespmem:$0x19640] =	vst v63  }
0x44b: {  	_ =	swait.ge [sflag:s5], $0x320  }
0x44c: {  	[sflag:s5] =	ssyncset.done $0x0  }
0x44d: {  	[sflag:s5] =	ssyncadd.s32 $0xFFFFFCE0  }
0x44e: {  	_ =	swait.ge [sflag:s11], $0xC800  }
0x44f: {  	[sflag:s11] =	ssyncset.done $0x0  }
0x450: {  	[sflag:s11] =	ssyncadd.s32 $0xFFFF3800  }
0x451: {  	[tilespmem:s14], [sflag:$0x4] =	stream.indirect.gather [hbm4b:s3+s8], $0x40, s8, s8, $0xb8;
	[tilespmem:$0x19640] =	vst v63  }
0x452: {  	_ =	swait.ge [sflag:s18], $0xC800  }
0x453: {  	[sflag:s18] =	ssyncset.done $0x0  }
0x454: {  	[sflag:s18] =	ssyncadd.s32 $0xFFFF3800  }
0x455: {  	[hbm4b:s21+s16] =	stream.strided.scatter [tilespmem:s15], [sflag:$0x5], $0xC800, s12, s16, $0x38;
	[tilespmem:$0x19640] =	vst v63  }
0x456: {  	_ = 	snop  }
0x457: {  	[tilespmem:s2], [sflag:$0x1] =	stream.linear.gather [hbm4b:s22+s2], $0x320, $0x38;
	[tilespmem:$0x19640] =	vst v63  }
0x458: {  	_ =	swait.ge [sflag:s17], $0xC800  }
0x459: {  	[sflag:s17] =	ssyncset.done $0x0  }
0x45a: {  	[sflag:s17] =	ssyncadd.s32 $0xFFFF3800  }
0x45b: {  	[hbm4b:s19+s16] =	stream.strided.scatter [tilespmem:s14], [sflag:$0x6], $0xC800, s12, s16, $0x38;
	[tilespmem:$0x19640] =	vst v63  }
0x45c: {  	_ = 	snop  }
0x45d: {  	[tilespmem:s8], [sflag:$0x2] =	stream.linear.gather [hbm4b:s20+s2], $0x320, $0x38;
	[tilespmem:$0x19640] =	vst v63  }
0x45e: {  	_ =	swait.ge [sflag:s4], $0x320  }
0x45f: {  	[sflag:s4] =	ssyncset.done $0x0  }
0x460: {  	[sflag:s4] =	ssyncadd.s32 $0xFFFFFCE0  }
0x461: {  	_ =	swait.ge [sflag:s13], $0xC800  }
0x462: {  	[sflag:s13] =	ssyncset.done $0x0  }
0x463: {  	[sflag:s13] =	ssyncadd.s32 $0xFFFF3800  }
0x464: {  	[tilespmem:s15], [sflag:$0x3] =	stream.indirect.gather [hbm4b:s3+s8], $0x40, s2, s8, $0xb8;
	[tilespmem:$0x19640] =	vst v63  }
0x465: {  	_ =	swait.ge [sflag:s5], $0x320  }
0x466: {  	[sflag:s5] =	ssyncset.done $0x0  }
0x467: {  	[sflag:s5] =	ssyncadd.s32 $0xFFFFFCE0  }
0x468: {  	_ =	swait.ge [sflag:s11], $0xC800  }
0x469: {  	[sflag:s11] =	ssyncset.done $0x0  }
0x46a: {  	[sflag:s11] =	ssyncadd.s32 $0xFFFF3800  }
0x46b: {  	[tilespmem:s14], [sflag:$0x4] =	stream.indirect.gather [hbm4b:s3+s8], $0x40, s8, s8, $0xb8;
	[tilespmem:$0x19640] =	vst v63  }
0x46c: {  	_ =	swait.ge [sflag:s18], $0xC800  }
0x46d: {  	[sflag:s18] =	ssyncset.done $0x0  }
0x46e: {  	[sflag:s18] =	ssyncadd.s32 $0xFFFF3800  }
0x46f: {  	[hbm4b:s9+s16] =	stream.strided.scatter [tilespmem:s15], [sflag:$0x5], $0xC800, s12, s16, $0x38;
	[tilespmem:$0x19640] =	vst v63  }
0x470: {  	_ = 	snop  }
0x471: {  	[tilespmem:s2], [sflag:$0x1] =	stream.linear.gather [hbm4b:s10+s2], $0x320, $0x38;
	[tilespmem:$0x19640] =	vst v63  }
0x472: {  	_ =	swait.ge [sflag:s17], $0xC800  }
0x473: {  	[sflag:s17] =	ssyncset.done $0x0  }
0x474: {  	[sflag:s17] =	ssyncadd.s32 $0xFFFF3800  }
0x475: {  	[hbm4b:s6+s16] =	stream.strided.scatter [tilespmem:s14], [sflag:$0x6], $0xC800, s12, s16, $0x38;
	[tilespmem:$0x19640] =	vst v63  }
0x476: {  	_ = 	snop  }
0x477: {  	[tilespmem:s8], [sflag:$0x2] =	stream.linear.gather [hbm4b:s7+s2], $0x320, $0x38;
	[tilespmem:$0x19640] =	vst v63  }
0x478: {  	_ =	swait.ge [sflag:s4], $0x320  }
0x479: {  	[sflag:s4] =	ssyncset.done $0x0  }
0x47a: {  	[sflag:s4] =	ssyncadd.s32 $0xFFFFFCE0  }
0x47b: {  	_ =	swait.ge [sflag:s5], $0x320  }
0x47c: {  	[sflag:s5] =	ssyncset.done $0x0  }
0x47d: {  	p1 =	sne.s32 s0, $0x1;
	[sflag:s5] =	ssyncadd.s32 $0xFFFFFCE0  }
.Ltmp2:
0x47e: {  	_ =	swait.ge [sflag:s13], $0xC800;
	(pc) =	sbr.rel @p1 .LBB2_4-.Ltmp2, $4  }
0x47f: {  	[sflag:s13] =	ssyncset.done $0x0  }
0x480: {  	[sflag:s13] =	ssyncadd.s32 $0xFFFF3800  }
0x481: {  	s0 =	sadd.s32 $0xFFFFFFFF, s0;
	_ =	swait.ge [sflag:s11], $0xC800  }
0x482: {  	s26 =	smov.u32 s29;
	s1 =	rddreg [dreg:$0xf];
	[sflag:s11] =	ssyncset.done $0x0  }
0x483: {  	s29 =	sld [smem:$0x7FD]  }
.LBB2_6:
0x484: {  	[sflag:s11] =	ssyncadd.s32 @p0 $0xFFFF3800  }
0x485: {  	[tilespmem:s2], [sflag:$0x1] =	stream.linear.gather [hbm4b:s1+s2], $0x80, $0x38;
	[tilespmem:$0x19640] =	vst v63  }
0x486: {  	s0 =	rddreg [dreg:$0x10]  }
0x487: {  	[tilespmem:s8], [sflag:$0x2] =	stream.linear.gather [hbm4b:s0+s2], $0x80, $0x38;
	[tilespmem:$0x19640] =	vst v63  }
0x488: {  	_ =	swait.ge [sflag:s4], $0x80  }
0x489: {  	[sflag:s4] =	ssyncset.done $0x0  }
0x48a: {  	s1 =	rddreg [dreg:$0xd];
	[sflag:s4] =	ssyncadd.s32 $0xFFFFFF80  }
0x48b: {  	[tilespmem:s15], [sflag:$0x3] =	stream.indirect.gather [hbm4b:s1+s12], $0x40, s2, s12, $0xb8;
	[tilespmem:$0x19640] =	vst v63  }
0x48c: {  	_ =	swait.ge [sflag:s5], $0x80  }
0x48d: {  	[sflag:s5] =	ssyncset.done $0x0  }
0x48e: {  	s1 =	rddreg [dreg:$0xe];
	[sflag:s5] =	ssyncadd.s32 $0xFFFFFF80  }
0x48f: {  	[tilespmem:s14], [sflag:$0x4] =	stream.indirect.gather [hbm4b:s1+s12], $0x40, s8, s12, $0xb8;
	[tilespmem:$0x19640] =	vst v63  }
0x490: {  	_ =	swait.ge [sflag:s18], $0x2000  }
0x491: {  	[sflag:s18] =	ssyncset.done $0x0  }
0x492: {  	s0 =	rddreg [dreg:$0x11];
	[sflag:s18] =	ssyncadd.s32 $0xFFFFE000  }
0x493: {  	[hbm4b:s0+s16] =	stream.strided.scatter [tilespmem:s15], [sflag:$0x5], $0x2000, s31, s16, $0x38;
	[tilespmem:$0x19640] =	vst v63  }
0x494: {  	s1 =	rddreg [dreg:$0x12]  }
0x495: {  	[tilespmem:s2], [sflag:$0x1] =	stream.linear.gather [hbm4b:s1+s2], $0x80, $0x38;
	[tilespmem:$0x19640] =	vst v63  }
0x496: {  	_ =	swait.ge [sflag:s17], $0x2000  }
0x497: {  	[sflag:s17] =	ssyncset.done $0x0  }
0x498: {  	s0 =	rddreg [dreg:$0x13];
	[sflag:s17] =	ssyncadd.s32 $0xFFFFE000  }
0x499: {  	[hbm4b:s0+s16] =	stream.strided.scatter [tilespmem:s14], [sflag:$0x6], $0x2000, s31, s16, $0x38;
	[tilespmem:$0x19640] =	vst v63  }
0x49a: {  	s1 =	rddreg [dreg:$0x14]  }
0x49b: {  	[tilespmem:s8], [sflag:$0x2] =	stream.linear.gather [hbm4b:s1+s2], $0x80, $0x38;
	[tilespmem:$0x19640] =	vst v63  }
0x49c: {  	_ =	swait.ge [sflag:s4], $0x80  }
0x49d: {  	[sflag:s4] =	ssyncset.done $0x0  }
0x49e: {  	[sflag:s4] =	ssyncadd.s32 $0xFFFFFF80  }
0x49f: {  	_ =	swait.ge [sflag:s13], $0x2000  }
0x4a0: {  	[sflag:s13] =	ssyncset.done $0x0  }
0x4a1: {  	[sflag:s13] =	ssyncadd.s32 $0xFFFFE000  }
0x4a2: {  	[tilespmem:s15], [sflag:$0x3] =	stream.indirect.gather [hbm4b:s28+s12], $0x40, s2, s12, $0xb8;
	[tilespmem:$0x19640] =	vst v63  }
0x4a3: {  	_ =	swait.ge [sflag:s5], $0x80  }
0x4a4: {  	[sflag:s5] =	ssyncset.done $0x0  }
0x4a5: {  	[sflag:s5] =	ssyncadd.s32 $0xFFFFFF80  }
0x4a6: {  	_ =	swait.ge [sflag:s11], $0x2000  }
0x4a7: {  	[sflag:s11] =	ssyncset.done $0x0  }
0x4a8: {  	[sflag:s11] =	ssyncadd.s32 $0xFFFFE000  }
0x4a9: {  	[tilespmem:s14], [sflag:$0x4] =	stream.indirect.gather [hbm4b:s3+s12], $0x40, s8, s12, $0xb8;
	[tilespmem:$0x19640] =	vst v63  }
0x4aa: {  	_ =	swait.ge [sflag:s18], $0x2000  }
0x4ab: {  	[sflag:s18] =	ssyncset.done $0x0  }
0x4ac: {  	s1 =	rddreg [dreg:$0x15];
	[sflag:s18] =	ssyncadd.s32 $0xFFFFE000  }
0x4ad: {  	[hbm4b:s1+s16] =	stream.strided.scatter [tilespmem:s15], [sflag:$0x5], $0x2000, s31, s16, $0x38;
	[tilespmem:$0x19640] =	vst v63  }
0x4ae: {  	_ =	swait.ge [sflag:s17], $0x2000  }
0x4af: {  	[sflag:s17] =	ssyncset.done $0x0  }
0x4b0: {  	s0 =	rddreg [dreg:$0x16];
	[sflag:s17] =	ssyncadd.s32 $0xFFFFE000  }
0x4b1: {  	[hbm4b:s0+s16] =	stream.strided.scatter [tilespmem:s14], [sflag:$0x6], $0x2000, s31, s16, $0x38;
	[tilespmem:$0x19640] =	vst v63  }
0x4b2: {  	s1 =	rddreg [dreg:$0x17]  }
0x4b3: {  	[tilespmem:s2], [sflag:$0x1] =	stream.linear.gather [hbm4b:s1+s2], $0x320, $0x38;
	[tilespmem:$0x19640] =	vst v63  }
0x4b4: {  	s31 =	rddreg [dreg:$0x18]  }
0x4b5: {  	[tilespmem:s8], [sflag:$0x2] =	stream.linear.gather [hbm4b:s31+s2], $0x320, $0x38;
	[tilespmem:$0x19640] =	vst v63  }
0x4b6: {  	_ =	swait.ge [sflag:s4], $0x320  }
0x4b7: {  	[sflag:s4] =	ssyncset.done $0x0  }
0x4b8: {  	[sflag:s4] =	ssyncadd.s32 $0xFFFFFCE0  }
0x4b9: {  	_ =	swait.ge [sflag:s13], $0x2000  }
0x4ba: {  	[sflag:s13] =	ssyncset.done $0x0  }
0x4bb: {  	[sflag:s13] =	ssyncadd.s32 $0xFFFFE000  }
0x4bc: {  	[tilespmem:s15], [sflag:$0x3] =	stream.indirect.gather [hbm4b:s28+s8], $0x40, s2, s8, $0xb8;
	[tilespmem:$0x19640] =	vst v63  }
0x4bd: {  	_ =	swait.ge [sflag:s5], $0x320  }
0x4be: {  	[sflag:s5] =	ssyncset.done $0x0  }
0x4bf: {  	[sflag:s5] =	ssyncadd.s32 $0xFFFFFCE0  }
0x4c0: {  	_ =	swait.ge [sflag:s11], $0x2000  }
0x4c1: {  	[sflag:s11] =	ssyncset.done $0x0  }
0x4c2: {  	[sflag:s11] =	ssyncadd.s32 $0xFFFFE000  }
0x4c3: {  	[tilespmem:s14], [sflag:$0x4] =	stream.indirect.gather [hbm4b:s28+s8], $0x40, s8, s8, $0xb8;
	[tilespmem:$0x19640] =	vst v63  }
0x4c4: {  	_ =	swait.ge [sflag:s18], $0xC800  }
0x4c5: {  	[sflag:s18] =	ssyncset.done $0x0  }
0x4c6: {  	s1 =	rddreg [dreg:$0x19];
	[sflag:s18] =	ssyncadd.s32 $0xFFFF3800  }
0x4c7: {  	[hbm4b:s1+s16] =	stream.strided.scatter [tilespmem:s15], [sflag:$0x5], $0xC800, s12, s16, $0x38;
	[tilespmem:$0x19640] =	vst v63  }
0x4c8: {  	s31 =	rddreg [dreg:$0x1a]  }
0x4c9: {  	[tilespmem:s2], [sflag:$0x1] =	stream.linear.gather [hbm4b:s31+s2], $0x320, $0x38;
	[tilespmem:$0x19640] =	vst v63  }
0x4ca: {  	_ =	swait.ge [sflag:s17], $0xC800  }
0x4cb: {  	[sflag:s17] =	ssyncset.done $0x0  }
0x4cc: {  	s1 =	rddreg [dreg:$0x1b];
	[sflag:s17] =	ssyncadd.s32 $0xFFFF3800  }
0x4cd: {  	[hbm4b:s1+s16] =	stream.strided.scatter [tilespmem:s14], [sflag:$0x6], $0xC800, s12, s16, $0x38;
	[tilespmem:$0x19640] =	vst v63  }
0x4ce: {  	s31 =	rddreg [dreg:$0x1c]  }
0x4cf: {  	[tilespmem:s8], [sflag:$0x2] =	stream.linear.gather [hbm4b:s31+s2], $0x320, $0x38;
	[tilespmem:$0x19640] =	vst v63  }
0x4d0: {  	_ =	swait.ge [sflag:s4], $0x320  }
0x4d1: {  	[sflag:s4] =	ssyncset.done $0x0  }
0x4d2: {  	[sflag:s4] =	ssyncadd.s32 $0xFFFFFCE0  }
0x4d3: {  	_ =	swait.ge [sflag:s13], $0xC800  }
0x4d4: {  	[sflag:s13] =	ssyncset.done $0x0  }
0x4d5: {  	[sflag:s13] =	ssyncadd.s32 $0xFFFF3800  }
0x4d6: {  	[tilespmem:s15], [sflag:$0x3] =	stream.indirect.gather [hbm4b:s28+s8], $0x40, s2, s8, $0xb8;
	[tilespmem:$0x19640] =	vst v63  }
0x4d7: {  	_ =	swait.ge [sflag:s5], $0x320  }
0x4d8: {  	[sflag:s5] =	ssyncset.done $0x0  }
0x4d9: {  	[sflag:s5] =	ssyncadd.s32 $0xFFFFFCE0  }
0x4da: {  	_ =	swait.ge [sflag:s11], $0xC800  }
0x4db: {  	[sflag:s11] =	ssyncset.done $0x0  }
0x4dc: {  	[sflag:s11] =	ssyncadd.s32 $0xFFFF3800  }
0x4dd: {  	[tilespmem:s14], [sflag:$0x4] =	stream.indirect.gather [hbm4b:s28+s8], $0x40, s8, s8, $0xb8;
	[tilespmem:$0x19640] =	vst v63  }
0x4de: {  	_ =	swait.ge [sflag:s18], $0xC800  }
0x4df: {  	s1 =	sld [smem:$0x7DB]  }
0x4e0: {  	[sflag:s18] =	ssyncset.done $0x0  }
0x4e1: {  	s31 =	sld [smem:$0x7DC];
	[sflag:s18] =	ssyncadd.s32 $0xFFFF3800  }
0x4e2: {  	[hbm4b:s1+s16] =	stream.strided.scatter [tilespmem:s15], [sflag:$0x5], $0xC800, s12, s16, $0x38;
	[tilespmem:$0x19640] =	vst v63  }
0x4e3: {  	_ = 	snop  }
0x4e4: {  	[tilespmem:s2], [sflag:$0x1] =	stream.linear.gather [hbm4b:s31+s2], $0x320, $0x38;
	[tilespmem:$0x19640] =	vst v63  }
0x4e5: {  	_ =	swait.ge [sflag:s17], $0xC800  }
0x4e6: {  	s1 =	sld [smem:$0x7DD]  }
0x4e7: {  	[sflag:s17] =	ssyncset.done $0x0  }
0x4e8: {  	s31 =	sld [smem:$0x7DE];
	[sflag:s17] =	ssyncadd.s32 $0xFFFF3800  }
0x4e9: {  	[hbm4b:s1+s16] =	stream.strided.scatter [tilespmem:s14], [sflag:$0x6], $0xC800, s12, s16, $0x38;
	[tilespmem:$0x19640] =	vst v63  }
0x4ea: {  	_ = 	snop  }
0x4eb: {  	[tilespmem:s8], [sflag:$0x2] =	stream.linear.gather [hbm4b:s31+s2], $0x320, $0x38;
	[tilespmem:$0x19640] =	vst v63  }
0x4ec: {  	_ =	swait.ge [sflag:s4], $0x320  }
0x4ed: {  	[sflag:s4] =	ssyncset.done $0x0  }
0x4ee: {  	[sflag:s4] =	ssyncadd.s32 $0xFFFFFCE0  }
0x4ef: {  	_ =	swait.ge [sflag:s13], $0xC800  }
0x4f0: {  	[sflag:s13] =	ssyncset.done $0x0  }
0x4f1: {  	[sflag:s13] =	ssyncadd.s32 $0xFFFF3800  }
0x4f2: {  	[tilespmem:s15], [sflag:$0x3] =	stream.indirect.gather [hbm4b:s28+s8], $0x40, s2, s8, $0xb8;
	[tilespmem:$0x19640] =	vst v63  }
0x4f3: {  	_ =	swait.ge [sflag:s5], $0x320  }
0x4f4: {  	[sflag:s5] =	ssyncset.done $0x0  }
0x4f5: {  	[sflag:s5] =	ssyncadd.s32 $0xFFFFFCE0  }
0x4f6: {  	_ =	swait.ge [sflag:s11], $0xC800  }
0x4f7: {  	[sflag:s11] =	ssyncset.done $0x0  }
0x4f8: {  	[sflag:s11] =	ssyncadd.s32 $0xFFFF3800  }
0x4f9: {  	[tilespmem:s14], [sflag:$0x4] =	stream.indirect.gather [hbm4b:s28+s8], $0x40, s8, s8, $0xb8;
	[tilespmem:$0x19640] =	vst v63  }
0x4fa: {  	_ =	swait.ge [sflag:s18], $0xC800  }
0x4fb: {  	s1 =	sld [smem:$0x7DF]  }
0x4fc: {  	[sflag:s18] =	ssyncset.done $0x0  }
0x4fd: {  	s31 =	sld [smem:$0x7E0];
	[sflag:s18] =	ssyncadd.s32 $0xFFFF3800  }
0x4fe: {  	[hbm4b:s1+s16] =	stream.strided.scatter [tilespmem:s15], [sflag:$0x5], $0xC800, s12, s16, $0x38;
	[tilespmem:$0x19640] =	vst v63  }
0x4ff: {  	_ = 	snop  }
0x500: {  	[tilespmem:s2], [sflag:$0x1] =	stream.linear.gather [hbm4b:s31+s2], $0x320, $0x38;
	[tilespmem:$0x19640] =	vst v63  }
0x501: {  	_ =	swait.ge [sflag:s17], $0xC800  }
0x502: {  	s1 =	sld [smem:$0x7E1]  }
0x503: {  	[sflag:s17] =	ssyncset.done $0x0  }
0x504: {  	s31 =	sld [smem:$0x7E2];
	[sflag:s17] =	ssyncadd.s32 $0xFFFF3800  }
0x505: {  	[hbm4b:s1+s16] =	stream.strided.scatter [tilespmem:s14], [sflag:$0x6], $0xC800, s12, s16, $0x38;
	[tilespmem:$0x19640] =	vst v63  }
0x506: {  	_ = 	snop  }
0x507: {  	[tilespmem:s8], [sflag:$0x2] =	stream.linear.gather [hbm4b:s31+s2], $0x320, $0x38;
	[tilespmem:$0x19640] =	vst v63  }
0x508: {  	_ =	swait.ge [sflag:s4], $0x320  }
0x509: {  	[sflag:s4] =	ssyncset.done $0x0  }
0x50a: {  	[sflag:s4] =	ssyncadd.s32 $0xFFFFFCE0  }
0x50b: {  	_ =	swait.ge [sflag:s13], $0xC800  }
0x50c: {  	[sflag:s13] =	ssyncset.done $0x0  }
0x50d: {  	[sflag:s13] =	ssyncadd.s32 $0xFFFF3800  }
0x50e: {  	[tilespmem:s15], [sflag:$0x3] =	stream.indirect.gather [hbm4b:s28+s8], $0x40, s2, s8, $0xb8;
	[tilespmem:$0x19640] =	vst v63  }
0x50f: {  	_ =	swait.ge [sflag:s5], $0x320  }
0x510: {  	[sflag:s5] =	ssyncset.done $0x0  }
0x511: {  	[sflag:s5] =	ssyncadd.s32 $0xFFFFFCE0  }
0x512: {  	_ =	swait.ge [sflag:s11], $0xC800  }
0x513: {  	[sflag:s11] =	ssyncset.done $0x0  }
0x514: {  	[sflag:s11] =	ssyncadd.s32 $0xFFFF3800  }
0x515: {  	[tilespmem:s14], [sflag:$0x4] =	stream.indirect.gather [hbm4b:s28+s8], $0x40, s8, s8, $0xb8;
	[tilespmem:$0x19640] =	vst v63  }
0x516: {  	_ =	swait.ge [sflag:s18], $0xC800  }
0x517: {  	s1 =	sld [smem:$0x7E3]  }
0x518: {  	[sflag:s18] =	ssyncset.done $0x0  }
0x519: {  	s31 =	sld [smem:$0x7E4];
	[sflag:s18] =	ssyncadd.s32 $0xFFFF3800  }
0x51a: {  	[hbm4b:s1+s16] =	stream.strided.scatter [tilespmem:s15], [sflag:$0x5], $0xC800, s12, s16, $0x38;
	[tilespmem:$0x19640] =	vst v63  }
0x51b: {  	_ = 	snop  }
0x51c: {  	[tilespmem:s2], [sflag:$0x1] =	stream.linear.gather [hbm4b:s31+s2], $0x320, $0x38;
	[tilespmem:$0x19640] =	vst v63  }
0x51d: {  	_ =	swait.ge [sflag:s17], $0xC800  }
0x51e: {  	s1 =	sld [smem:$0x7E5]  }
0x51f: {  	[sflag:s17] =	ssyncset.done $0x0  }
0x520: {  	s31 =	sld [smem:$0x7E6];
	[sflag:s17] =	ssyncadd.s32 $0xFFFF3800  }
0x521: {  	[hbm4b:s1+s16] =	stream.strided.scatter [tilespmem:s14], [sflag:$0x6], $0xC800, s12, s16, $0x38;
	[tilespmem:$0x19640] =	vst v63  }
0x522: {  	_ = 	snop  }
0x523: {  	[tilespmem:s8], [sflag:$0x2] =	stream.linear.gather [hbm4b:s31+s2], $0x320, $0x38;
	[tilespmem:$0x19640] =	vst v63  }
0x524: {  	_ =	swait.ge [sflag:s4], $0x320  }
0x525: {  	[sflag:s4] =	ssyncset.done $0x0  }
0x526: {  	[sflag:s4] =	ssyncadd.s32 $0xFFFFFCE0  }
0x527: {  	_ =	swait.ge [sflag:s5], $0x320  }
0x528: {  	[sflag:s5] =	ssyncset.done $0x0  }
0x529: {  	s1 =	rddreg [dreg:$0x1d];
	[sflag:s5] =	ssyncadd.s32 $0xFFFFFCE0  }
0x52a: {  	[tilespmem:s2], [sflag:$0x1] =	stream.linear.gather [hbm4b:s1+s2], $0x320, $0x38;
	[tilespmem:$0x19640] =	vst v63  }
0x52b: {  	s31 =	rddreg [dreg:$0x1e]  }
0x52c: {  	[tilespmem:s8], [sflag:$0x2] =	stream.linear.gather [hbm4b:s31+s2], $0x320, $0x38;
	[tilespmem:$0x19640] =	vst v63  }
0x52d: {  	_ =	swait.ge [sflag:s4], $0x320  }
0x52e: {  	[sflag:s4] =	ssyncset.done $0x0  }
0x52f: {  	[sflag:s4] =	ssyncadd.s32 $0xFFFFFCE0  }
0x530: {  	_ =	swait.ge [sflag:s13], $0xC800  }
0x531: {  	[sflag:s13] =	ssyncset.done $0x0  }
0x532: {  	[sflag:s13] =	ssyncadd.s32 $0xFFFF3800  }
0x533: {  	[tilespmem:s15], [sflag:$0x3] =	stream.indirect.gather [hbm4b:s3+s8], $0x40, s2, s8, $0xb8;
	[tilespmem:$0x19640] =	vst v63  }
0x534: {  	_ =	swait.ge [sflag:s5], $0x320  }
0x535: {  	[sflag:s5] =	ssyncset.done $0x0  }
0x536: {  	[sflag:s5] =	ssyncadd.s32 $0xFFFFFCE0  }
0x537: {  	_ =	swait.ge [sflag:s11], $0xC800  }
0x538: {  	[sflag:s11] =	ssyncset.done $0x0  }
0x539: {  	[sflag:s11] =	ssyncadd.s32 $0xFFFF3800  }
0x53a: {  	[tilespmem:s14], [sflag:$0x4] =	stream.indirect.gather [hbm4b:s3+s8], $0x40, s8, s8, $0xb8;
	[tilespmem:$0x19640] =	vst v63  }
0x53b: {  	_ =	swait.ge [sflag:s18], $0xC800  }
0x53c: {  	s1 =	rddreg [dreg:$0x1f];
	[sflag:s18] =	ssyncset.done $0x0  }
0x53d: {  	s31 =	sld [smem:$0x7CC];
	[sflag:s18] =	ssyncadd.s32 $0xFFFF3800  }
0x53e: {  	[hbm4b:s1+s16] =	stream.strided.scatter [tilespmem:s15], [sflag:$0x5], $0xC800, s12, s16, $0x38;
	[tilespmem:$0x19640] =	vst v63  }
0x53f: {  	_ = 	snop  }
0x540: {  	[tilespmem:s2], [sflag:$0x1] =	stream.linear.gather [hbm4b:s31+s2], $0x320, $0x38;
	[tilespmem:$0x19640] =	vst v63  }
0x541: {  	_ =	swait.ge [sflag:s17], $0xC800  }
0x542: {  	s1 =	sld [smem:$0x7CD]  }
0x543: {  	[sflag:s17] =	ssyncset.done $0x0  }
0x544: {  	s31 =	sld [smem:$0x7CE];
	[sflag:s17] =	ssyncadd.s32 $0xFFFF3800  }
0x545: {  	[hbm4b:s1+s16] =	stream.strided.scatter [tilespmem:s14], [sflag:$0x6], $0xC800, s12, s16, $0x38;
	[tilespmem:$0x19640] =	vst v63  }
0x546: {  	_ = 	snop  }
0x547: {  	[tilespmem:s8], [sflag:$0x2] =	stream.linear.gather [hbm4b:s31+s2], $0x320, $0x38;
	[tilespmem:$0x19640] =	vst v63  }
0x548: {  	_ =	swait.ge [sflag:s4], $0x320  }
0x549: {  	[sflag:s4] =	ssyncset.done $0x0  }
0x54a: {  	[sflag:s4] =	ssyncadd.s32 $0xFFFFFCE0  }
0x54b: {  	_ =	swait.ge [sflag:s13], $0xC800  }
0x54c: {  	[sflag:s13] =	ssyncset.done $0x0  }
0x54d: {  	[sflag:s13] =	ssyncadd.s32 $0xFFFF3800  }
0x54e: {  	[tilespmem:s15], [sflag:$0x3] =	stream.indirect.gather [hbm4b:s3+s8], $0x40, s2, s8, $0xb8;
	[tilespmem:$0x19640] =	vst v63  }
0x54f: {  	_ =	swait.ge [sflag:s5], $0x320  }
0x550: {  	[sflag:s5] =	ssyncset.done $0x0  }
0x551: {  	[sflag:s5] =	ssyncadd.s32 $0xFFFFFCE0  }
0x552: {  	_ =	swait.ge [sflag:s11], $0xC800  }
0x553: {  	[sflag:s11] =	ssyncset.done $0x0  }
0x554: {  	[sflag:s11] =	ssyncadd.s32 $0xFFFF3800  }
0x555: {  	[tilespmem:s14], [sflag:$0x4] =	stream.indirect.gather [hbm4b:s3+s8], $0x40, s8, s8, $0xb8;
	[tilespmem:$0x19640] =	vst v63  }
0x556: {  	_ =	swait.ge [sflag:s18], $0xC800  }
0x557: {  	s1 =	sld [smem:$0x7E7]  }
0x558: {  	[sflag:s18] =	ssyncset.done $0x0  }
0x559: {  	s31 =	sld [smem:$0x7E8];
	[sflag:s18] =	ssyncadd.s32 $0xFFFF3800  }
0x55a: {  	[hbm4b:s1+s16] =	stream.strided.scatter [tilespmem:s15], [sflag:$0x5], $0xC800, s12, s16, $0x38;
	[tilespmem:$0x19640] =	vst v63  }
0x55b: {  	_ = 	snop  }
0x55c: {  	[tilespmem:s2], [sflag:$0x1] =	stream.linear.gather [hbm4b:s31+s2], $0x320, $0x38;
	[tilespmem:$0x19640] =	vst v63  }
0x55d: {  	_ =	swait.ge [sflag:s17], $0xC800  }
0x55e: {  	s1 =	sld [smem:$0x7E9]  }
0x55f: {  	[sflag:s17] =	ssyncset.done $0x0  }
0x560: {  	s31 =	sld [smem:$0x7EA];
	[sflag:s17] =	ssyncadd.s32 $0xFFFF3800  }
0x561: {  	[hbm4b:s1+s16] =	stream.strided.scatter [tilespmem:s14], [sflag:$0x6], $0xC800, s12, s16, $0x38;
	[tilespmem:$0x19640] =	vst v63  }
0x562: {  	_ = 	snop  }
0x563: {  	[tilespmem:s8], [sflag:$0x2] =	stream.linear.gather [hbm4b:s31+s2], $0x320, $0x38;
	[tilespmem:$0x19640] =	vst v63  }
0x564: {  	_ =	swait.ge [sflag:s4], $0x320  }
0x565: {  	[sflag:s4] =	ssyncset.done $0x0  }
0x566: {  	[sflag:s4] =	ssyncadd.s32 $0xFFFFFCE0  }
0x567: {  	_ =	swait.ge [sflag:s13], $0xC800  }
0x568: {  	[sflag:s13] =	ssyncset.done $0x0  }
0x569: {  	[sflag:s13] =	ssyncadd.s32 $0xFFFF3800  }
0x56a: {  	[tilespmem:s15], [sflag:$0x3] =	stream.indirect.gather [hbm4b:s3+s8], $0x40, s2, s8, $0xb8;
	[tilespmem:$0x19640] =	vst v63  }
0x56b: {  	_ =	swait.ge [sflag:s5], $0x320  }
0x56c: {  	[sflag:s5] =	ssyncset.done $0x0  }
0x56d: {  	[sflag:s5] =	ssyncadd.s32 $0xFFFFFCE0  }
0x56e: {  	_ =	swait.ge [sflag:s11], $0xC800  }
0x56f: {  	[sflag:s11] =	ssyncset.done $0x0  }
0x570: {  	[sflag:s11] =	ssyncadd.s32 $0xFFFF3800  }
0x571: {  	[tilespmem:s14], [sflag:$0x4] =	stream.indirect.gather [hbm4b:s3+s8], $0x40, s8, s8, $0xb8;
	[tilespmem:$0x19640] =	vst v63  }
0x572: {  	_ =	swait.ge [sflag:s18], $0xC800  }
0x573: {  	s1 =	sld [smem:$0x7EB]  }
0x574: {  	[sflag:s18] =	ssyncset.done $0x0  }
0x575: {  	s31 =	sld [smem:$0x7EC];
	[sflag:s18] =	ssyncadd.s32 $0xFFFF3800  }
0x576: {  	[hbm4b:s1+s16] =	stream.strided.scatter [tilespmem:s15], [sflag:$0x5], $0xC800, s12, s16, $0x38;
	[tilespmem:$0x19640] =	vst v63  }
0x577: {  	_ = 	snop  }
0x578: {  	[tilespmem:s2], [sflag:$0x1] =	stream.linear.gather [hbm4b:s31+s2], $0x320, $0x38;
	[tilespmem:$0x19640] =	vst v63  }
0x579: {  	_ =	swait.ge [sflag:s17], $0xC800  }
0x57a: {  	s1 =	sld [smem:$0x7ED]  }
0x57b: {  	[sflag:s17] =	ssyncset.done $0x0  }
0x57c: {  	s31 =	sld [smem:$0x7EE];
	[sflag:s17] =	ssyncadd.s32 $0xFFFF3800  }
0x57d: {  	[hbm4b:s1+s16] =	stream.strided.scatter [tilespmem:s14], [sflag:$0x6], $0xC800, s12, s16, $0x38;
	[tilespmem:$0x19640] =	vst v63  }
0x57e: {  	_ = 	snop  }
0x57f: {  	[tilespmem:s8], [sflag:$0x2] =	stream.linear.gather [hbm4b:s31+s2], $0x320, $0x38;
	[tilespmem:$0x19640] =	vst v63  }
0x580: {  	_ =	swait.ge [sflag:s4], $0x320  }
0x581: {  	[sflag:s4] =	ssyncset.done $0x0  }
0x582: {  	[sflag:s4] =	ssyncadd.s32 $0xFFFFFCE0  }
0x583: {  	_ =	swait.ge [sflag:s13], $0xC800  }
0x584: {  	[sflag:s13] =	ssyncset.done $0x0  }
0x585: {  	[sflag:s13] =	ssyncadd.s32 $0xFFFF3800  }
0x586: {  	[tilespmem:s15], [sflag:$0x3] =	stream.indirect.gather [hbm4b:s3+s8], $0x40, s2, s8, $0xb8;
	[tilespmem:$0x19640] =	vst v63  }
0x587: {  	_ =	swait.ge [sflag:s5], $0x320  }
0x588: {  	[sflag:s5] =	ssyncset.done $0x0  }
0x589: {  	[sflag:s5] =	ssyncadd.s32 $0xFFFFFCE0  }
0x58a: {  	_ =	swait.ge [sflag:s11], $0xC800  }
0x58b: {  	[sflag:s11] =	ssyncset.done $0x0  }
0x58c: {  	[sflag:s11] =	ssyncadd.s32 $0xFFFF3800  }
0x58d: {  	[tilespmem:s14], [sflag:$0x4] =	stream.indirect.gather [hbm4b:s3+s8], $0x40, s8, s8, $0xb8;
	[tilespmem:$0x19640] =	vst v63  }
0x58e: {  	_ =	swait.ge [sflag:s18], $0xC800  }
0x58f: {  	s1 =	sld [smem:$0x7EF]  }
0x590: {  	[sflag:s18] =	ssyncset.done $0x0  }
0x591: {  	s31 =	sld [smem:$0x7F0];
	[sflag:s18] =	ssyncadd.s32 $0xFFFF3800  }
0x592: {  	[hbm4b:s1+s16] =	stream.strided.scatter [tilespmem:s15], [sflag:$0x5], $0xC800, s12, s16, $0x38;
	[tilespmem:$0x19640] =	vst v63  }
0x593: {  	_ = 	snop  }
0x594: {  	[tilespmem:s2], [sflag:$0x1] =	stream.linear.gather [hbm4b:s31+s2], $0x320, $0x38;
	[tilespmem:$0x19640] =	vst v63  }
0x595: {  	_ =	swait.ge [sflag:s17], $0xC800  }
0x596: {  	s1 =	sld [smem:$0x7F1]  }
0x597: {  	[sflag:s17] =	ssyncset.done $0x0  }
0x598: {  	s31 =	sld [smem:$0x7F2];
	[sflag:s17] =	ssyncadd.s32 $0xFFFF3800  }
0x599: {  	[hbm4b:s1+s16] =	stream.strided.scatter [tilespmem:s14], [sflag:$0x6], $0xC800, s12, s16, $0x38;
	[tilespmem:$0x19640] =	vst v63  }
0x59a: {  	_ = 	snop  }
0x59b: {  	[tilespmem:s8], [sflag:$0x2] =	stream.linear.gather [hbm4b:s31+s2], $0x320, $0x38;
	[tilespmem:$0x19640] =	vst v63  }
0x59c: {  	_ =	swait.ge [sflag:s4], $0x320  }
0x59d: {  	[sflag:s4] =	ssyncset.done $0x0  }
0x59e: {  	[sflag:s4] =	ssyncadd.s32 $0xFFFFFCE0  }
0x59f: {  	_ =	swait.ge [sflag:s5], $0x320  }
0x5a0: {  	s1 =	sld [smem:$0x7CF]  }
0x5a1: {  	[sflag:s5] =	ssyncset.done $0x0  }
0x5a2: {  	s31 =	sld [smem:$0x7D0];
	[sflag:s5] =	ssyncadd.s32 $0xFFFFFCE0  }
0x5a3: {  	[tilespmem:s2], [sflag:$0x1] =	stream.linear.gather [hbm4b:s1+s2], $0x320, $0x38;
	[tilespmem:$0x19640] =	vst v63  }
0x5a4: {  	_ = 	snop  }
0x5a5: {  	[tilespmem:s8], [sflag:$0x2] =	stream.linear.gather [hbm4b:s31+s2], $0x320, $0x38;
	[tilespmem:$0x19640] =	vst v63  }
0x5a6: {  	_ =	swait.ge [sflag:s4], $0x320  }
0x5a7: {  	[sflag:s4] =	ssyncset.done $0x0  }
0x5a8: {  	[sflag:s4] =	ssyncadd.s32 $0xFFFFFCE0  }
0x5a9: {  	_ =	swait.ge [sflag:s13], $0xC800  }
0x5aa: {  	[sflag:s13] =	ssyncset.done $0x0  }
0x5ab: {  	[sflag:s13] =	ssyncadd.s32 $0xFFFF3800  }
0x5ac: {  	[tilespmem:s15], [sflag:$0x3] =	stream.indirect.gather [hbm4b:s28+s8], $0x40, s2, s8, $0xb8;
	[tilespmem:$0x19640] =	vst v63  }
0x5ad: {  	_ =	swait.ge [sflag:s5], $0x320  }
0x5ae: {  	[sflag:s5] =	ssyncset.done $0x0  }
0x5af: {  	[sflag:s5] =	ssyncadd.s32 $0xFFFFFCE0  }
0x5b0: {  	_ =	swait.ge [sflag:s11], $0xC800  }
0x5b1: {  	[sflag:s11] =	ssyncset.done $0x0  }
0x5b2: {  	[sflag:s11] =	ssyncadd.s32 $0xFFFF3800  }
0x5b3: {  	[tilespmem:s14], [sflag:$0x4] =	stream.indirect.gather [hbm4b:s28+s8], $0x40, s8, s8, $0xb8;
	[tilespmem:$0x19640] =	vst v63  }
0x5b4: {  	_ =	swait.ge [sflag:s18], $0xC800  }
0x5b5: {  	s1 =	sld [smem:$0x7D1]  }
0x5b6: {  	[sflag:s18] =	ssyncset.done $0x0  }
0x5b7: {  	s31 =	sld [smem:$0x7D2];
	[sflag:s18] =	ssyncadd.s32 $0xFFFF3800  }
0x5b8: {  	[hbm4b:s1+s16] =	stream.strided.scatter [tilespmem:s15], [sflag:$0x5], $0xC800, s12, s16, $0x38;
	[tilespmem:$0x19640] =	vst v63  }
0x5b9: {  	_ = 	snop  }
0x5ba: {  	[tilespmem:s2], [sflag:$0x1] =	stream.linear.gather [hbm4b:s31+s2], $0x320, $0x38;
	[tilespmem:$0x19640] =	vst v63  }
0x5bb: {  	_ =	swait.ge [sflag:s17], $0xC800  }
0x5bc: {  	s1 =	sld [smem:$0x7D3]  }
0x5bd: {  	[sflag:s17] =	ssyncset.done $0x0  }
0x5be: {  	s31 =	sld [smem:$0x7D4];
	[sflag:s17] =	ssyncadd.s32 $0xFFFF3800  }
0x5bf: {  	[hbm4b:s1+s16] =	stream.strided.scatter [tilespmem:s14], [sflag:$0x6], $0xC800, s12, s16, $0x38;
	[tilespmem:$0x19640] =	vst v63  }
0x5c0: {  	_ = 	snop  }
0x5c1: {  	[tilespmem:s8], [sflag:$0x2] =	stream.linear.gather [hbm4b:s31+s2], $0x320, $0x38;
	[tilespmem:$0x19640] =	vst v63  }
0x5c2: {  	_ =	swait.ge [sflag:s4], $0x320  }
0x5c3: {  	[sflag:s4] =	ssyncset.done $0x0  }
0x5c4: {  	[sflag:s4] =	ssyncadd.s32 $0xFFFFFCE0  }
0x5c5: {  	_ =	swait.ge [sflag:s13], $0xC800  }
0x5c6: {  	[sflag:s13] =	ssyncset.done $0x0  }
0x5c7: {  	[sflag:s13] =	ssyncadd.s32 $0xFFFF3800  }
0x5c8: {  	[tilespmem:s15], [sflag:$0x3] =	stream.indirect.gather [hbm4b:s28+s8], $0x40, s2, s8, $0xb8;
	[tilespmem:$0x19640] =	vst v63  }
0x5c9: {  	_ =	swait.ge [sflag:s5], $0x320  }
0x5ca: {  	[sflag:s5] =	ssyncset.done $0x0  }
0x5cb: {  	[sflag:s5] =	ssyncadd.s32 $0xFFFFFCE0  }
0x5cc: {  	_ =	swait.ge [sflag:s11], $0xC800  }
0x5cd: {  	[sflag:s11] =	ssyncset.done $0x0  }
0x5ce: {  	[sflag:s11] =	ssyncadd.s32 $0xFFFF3800  }
0x5cf: {  	[tilespmem:s14], [sflag:$0x4] =	stream.indirect.gather [hbm4b:s28+s8], $0x40, s8, s8, $0xb8;
	[tilespmem:$0x19640] =	vst v63  }
0x5d0: {  	_ =	swait.ge [sflag:s18], $0xC800  }
0x5d1: {  	s1 =	sld [smem:$0x7F3]  }
0x5d2: {  	[sflag:s18] =	ssyncset.done $0x0  }
0x5d3: {  	s31 =	sld [smem:$0x7F4];
	[sflag:s18] =	ssyncadd.s32 $0xFFFF3800  }
0x5d4: {  	[hbm4b:s1+s16] =	stream.strided.scatter [tilespmem:s15], [sflag:$0x5], $0xC800, s12, s16, $0x38;
	[tilespmem:$0x19640] =	vst v63  }
0x5d5: {  	_ = 	snop  }
0x5d6: {  	[tilespmem:s2], [sflag:$0x1] =	stream.linear.gather [hbm4b:s31+s2], $0x320, $0x38;
	[tilespmem:$0x19640] =	vst v63  }
0x5d7: {  	_ =	swait.ge [sflag:s17], $0xC800  }
0x5d8: {  	s1 =	sld [smem:$0x7F5]  }
0x5d9: {  	[sflag:s17] =	ssyncset.done $0x0  }
0x5da: {  	s31 =	sld [smem:$0x7F6];
	[sflag:s17] =	ssyncadd.s32 $0xFFFF3800  }
0x5db: {  	[hbm4b:s1+s16] =	stream.strided.scatter [tilespmem:s14], [sflag:$0x6], $0xC800, s12, s16, $0x38;
	[tilespmem:$0x19640] =	vst v63  }
0x5dc: {  	_ = 	snop  }
0x5dd: {  	[tilespmem:s8], [sflag:$0x2] =	stream.linear.gather [hbm4b:s31+s2], $0x320, $0x38;
	[tilespmem:$0x19640] =	vst v63  }
0x5de: {  	_ =	swait.ge [sflag:s4], $0x320  }
0x5df: {  	[sflag:s4] =	ssyncset.done $0x0  }
0x5e0: {  	[sflag:s4] =	ssyncadd.s32 $0xFFFFFCE0  }
0x5e1: {  	_ =	swait.ge [sflag:s13], $0xC800  }
0x5e2: {  	[sflag:s13] =	ssyncset.done $0x0  }
0x5e3: {  	[sflag:s13] =	ssyncadd.s32 $0xFFFF3800  }
0x5e4: {  	[tilespmem:s15], [sflag:$0x3] =	stream.indirect.gather [hbm4b:s28+s8], $0x40, s2, s8, $0xb8;
	[tilespmem:$0x19640] =	vst v63  }
0x5e5: {  	_ =	swait.ge [sflag:s5], $0x320  }
0x5e6: {  	[sflag:s5] =	ssyncset.done $0x0  }
0x5e7: {  	[sflag:s5] =	ssyncadd.s32 $0xFFFFFCE0  }
0x5e8: {  	_ =	swait.ge [sflag:s11], $0xC800  }
0x5e9: {  	[sflag:s11] =	ssyncset.done $0x0  }
0x5ea: {  	[sflag:s11] =	ssyncadd.s32 $0xFFFF3800  }
0x5eb: {  	[tilespmem:s14], [sflag:$0x4] =	stream.indirect.gather [hbm4b:s28+s8], $0x40, s8, s8, $0xb8;
	[tilespmem:$0x19640] =	vst v63  }
0x5ec: {  	_ =	swait.ge [sflag:s18], $0xC800  }
0x5ed: {  	s1 =	sld [smem:$0x7F7]  }
0x5ee: {  	[sflag:s18] =	ssyncset.done $0x0  }
0x5ef: {  	s31 =	sld [smem:$0x7F8];
	[sflag:s18] =	ssyncadd.s32 $0xFFFF3800  }
0x5f0: {  	[hbm4b:s1+s16] =	stream.strided.scatter [tilespmem:s15], [sflag:$0x5], $0xC800, s12, s16, $0x38;
	[tilespmem:$0x19640] =	vst v63  }
0x5f1: {  	_ = 	snop  }
0x5f2: {  	[tilespmem:s2], [sflag:$0x1] =	stream.linear.gather [hbm4b:s31+s2], $0x320, $0x38;
	[tilespmem:$0x19640] =	vst v63  }
0x5f3: {  	_ =	swait.ge [sflag:s17], $0xC800  }
0x5f4: {  	s1 =	sld [smem:$0x7F9]  }
0x5f5: {  	[sflag:s17] =	ssyncset.done $0x0  }
0x5f6: {  	s31 =	sld [smem:$0x7FA];
	[sflag:s17] =	ssyncadd.s32 $0xFFFF3800  }
0x5f7: {  	[hbm4b:s1+s16] =	stream.strided.scatter [tilespmem:s14], [sflag:$0x6], $0xC800, s12, s16, $0x38;
	[tilespmem:$0x19640] =	vst v63  }
0x5f8: {  	_ = 	snop  }
0x5f9: {  	[tilespmem:s8], [sflag:$0x2] =	stream.linear.gather [hbm4b:s31+s2], $0x320, $0x38;
	[tilespmem:$0x19640] =	vst v63  }
0x5fa: {  	_ =	swait.ge [sflag:s4], $0x320  }
0x5fb: {  	[sflag:s4] =	ssyncset.done $0x0  }
0x5fc: {  	[sflag:s4] =	ssyncadd.s32 $0xFFFFFCE0  }
0x5fd: {  	_ =	swait.ge [sflag:s13], $0xC800  }
0x5fe: {  	[sflag:s13] =	ssyncset.done $0x0  }
0x5ff: {  	[sflag:s13] =	ssyncadd.s32 $0xFFFF3800  }
0x600: {  	[tilespmem:s15], [sflag:$0x3] =	stream.indirect.gather [hbm4b:s28+s8], $0x40, s2, s8, $0xb8;
	[tilespmem:$0x19640] =	vst v63  }
0x601: {  	_ =	swait.ge [sflag:s5], $0x320  }
0x602: {  	[sflag:s5] =	ssyncset.done $0x0  }
0x603: {  	[sflag:s5] =	ssyncadd.s32 $0xFFFFFCE0  }
0x604: {  	_ =	swait.ge [sflag:s11], $0xC800  }
0x605: {  	[sflag:s11] =	ssyncset.done $0x0  }
0x606: {  	[sflag:s11] =	ssyncadd.s32 $0xFFFF3800  }
0x607: {  	[tilespmem:s14], [sflag:$0x4] =	stream.indirect.gather [hbm4b:s28+s8], $0x40, s8, s8, $0xb8;
	[tilespmem:$0x19640] =	vst v63  }
0x608: {  	_ =	swait.ge [sflag:s18], $0xC800  }
0x609: {  	s1 =	sld [smem:$0x7FB]  }
0x60a: {  	[sflag:s18] =	ssyncset.done $0x0  }
0x60b: {  	s28 =	sld [smem:$0x7FC];
	[sflag:s18] =	ssyncadd.s32 $0xFFFF3800  }
0x60c: {  	[hbm4b:s1+s16] =	stream.strided.scatter [tilespmem:s15], [sflag:$0x5], $0xC800, s12, s16, $0x38;
	[tilespmem:$0x19640] =	vst v63  }
0x60d: {  	_ = 	snop  }
0x60e: {  	[tilespmem:s2], [sflag:$0x1] =	stream.linear.gather [hbm4b:s28+s2], $0x320, $0x38;
	[tilespmem:$0x19640] =	vst v63  }
0x60f: {  	_ =	swait.ge [sflag:s17], $0xC800  }
0x610: {  	[sflag:s17] =	ssyncset.done $0x0  }
0x611: {  	[sflag:s17] =	ssyncadd.s32 $0xFFFF3800  }
0x612: {  	[hbm4b:s30+s16] =	stream.strided.scatter [tilespmem:s14], [sflag:$0x6], $0xC800, s12, s16, $0x38;
	[tilespmem:$0x19640] =	vst v63  }
0x613: {  	_ = 	snop  }
0x614: {  	[tilespmem:s8], [sflag:$0x2] =	stream.linear.gather [hbm4b:s29+s2], $0x320, $0x38;
	[tilespmem:$0x19640] =	vst v63  }
0x615: {  	_ =	swait.ge [sflag:s4], $0x320  }
0x616: {  	[sflag:s4] =	ssyncset.done $0x0  }
0x617: {  	[sflag:s4] =	ssyncadd.s32 $0xFFFFFCE0  }
0x618: {  	_ =	swait.ge [sflag:s5], $0x320  }
0x619: {  	s30 =	sld [smem:$0x7D5]  }
0x61a: {  	[sflag:s5] =	ssyncset.done $0x0  }
0x61b: {  	s31 =	sld [smem:$0x7D6];
	[sflag:s5] =	ssyncadd.s32 $0xFFFFFCE0  }
0x61c: {  	[tilespmem:s2], [sflag:$0x1] =	stream.linear.gather [hbm4b:s30+s2], $0x320, $0x38;
	[tilespmem:$0x19640] =	vst v63  }
0x61d: {  	_ = 	snop  }
0x61e: {  	[tilespmem:s8], [sflag:$0x2] =	stream.linear.gather [hbm4b:s31+s2], $0x320, $0x38;
	[tilespmem:$0x19640] =	vst v63  }
0x61f: {  	_ =	swait.ge [sflag:s4], $0x320  }
0x620: {  	[sflag:s4] =	ssyncset.done $0x0  }
0x621: {  	[sflag:s4] =	ssyncadd.s32 $0xFFFFFCE0  }
0x622: {  	_ =	swait.ge [sflag:s13], $0xC800  }
0x623: {  	[sflag:s13] =	ssyncset.done $0x0  }
0x624: {  	[sflag:s13] =	ssyncadd.s32 $0xFFFF3800  }
0x625: {  	[tilespmem:s15], [sflag:$0x3] =	stream.indirect.gather [hbm4b:s3+s8], $0x40, s2, s8, $0xb8;
	[tilespmem:$0x19640] =	vst v63  }
0x626: {  	_ =	swait.ge [sflag:s5], $0x320  }
0x627: {  	[sflag:s5] =	ssyncset.done $0x0  }
0x628: {  	[sflag:s5] =	ssyncadd.s32 $0xFFFFFCE0  }
0x629: {  	_ =	swait.ge [sflag:s11], $0xC800  }
0x62a: {  	[sflag:s11] =	ssyncset.done $0x0  }
0x62b: {  	[sflag:s11] =	ssyncadd.s32 $0xFFFF3800  }
0x62c: {  	[tilespmem:s14], [sflag:$0x4] =	stream.indirect.gather [hbm4b:s3+s8], $0x40, s8, s8, $0xb8;
	[tilespmem:$0x19640] =	vst v63  }
0x62d: {  	_ =	swait.ge [sflag:s18], $0xC800  }
0x62e: {  	s1 =	sld [smem:$0x7D7]  }
0x62f: {  	[sflag:s18] =	ssyncset.done $0x0  }
0x630: {  	s28 =	sld [smem:$0x7D8];
	[sflag:s18] =	ssyncadd.s32 $0xFFFF3800  }
0x631: {  	[hbm4b:s1+s16] =	stream.strided.scatter [tilespmem:s15], [sflag:$0x5], $0xC800, s12, s16, $0x38;
	[tilespmem:$0x19640] =	vst v63  }
0x632: {  	_ = 	snop  }
0x633: {  	[tilespmem:s2], [sflag:$0x1] =	stream.linear.gather [hbm4b:s28+s2], $0x320, $0x38;
	[tilespmem:$0x19640] =	vst v63  }
0x634: {  	_ =	swait.ge [sflag:s17], $0xC800  }
0x635: {  	s29 =	sld [smem:$0x7D9]  }
0x636: {  	[sflag:s17] =	ssyncset.done $0x0  }
0x637: {  	s30 =	sld [smem:$0x7DA];
	[sflag:s17] =	ssyncadd.s32 $0xFFFF3800  }
0x638: {  	[hbm4b:s29+s16] =	stream.strided.scatter [tilespmem:s14], [sflag:$0x6], $0xC800, s12, s16, $0x38;
	[tilespmem:$0x19640] =	vst v63  }
0x639: {  	_ = 	snop  }
0x63a: {  	[tilespmem:s8], [sflag:$0x2] =	stream.linear.gather [hbm4b:s30+s2], $0x320, $0x38;
	[tilespmem:$0x19640] =	vst v63  }
0x63b: {  	_ =	swait.ge [sflag:s4], $0x320  }
0x63c: {  	[sflag:s4] =	ssyncset.done $0x0  }
0x63d: {  	[sflag:s4] =	ssyncadd.s32 $0xFFFFFCE0  }
0x63e: {  	_ =	swait.ge [sflag:s13], $0xC800  }
0x63f: {  	[sflag:s13] =	ssyncset.done $0x0  }
0x640: {  	[sflag:s13] =	ssyncadd.s32 $0xFFFF3800  }
0x641: {  	[tilespmem:s15], [sflag:$0x3] =	stream.indirect.gather [hbm4b:s3+s8], $0x40, s2, s8, $0xb8;
	[tilespmem:$0x19640] =	vst v63  }
0x642: {  	_ =	swait.ge [sflag:s5], $0x320  }
0x643: {  	[sflag:s5] =	ssyncset.done $0x0  }
0x644: {  	[sflag:s5] =	ssyncadd.s32 $0xFFFFFCE0  }
0x645: {  	_ =	swait.ge [sflag:s11], $0xC800  }
0x646: {  	[sflag:s11] =	ssyncset.done $0x0  }
0x647: {  	[sflag:s11] =	ssyncadd.s32 $0xFFFF3800  }
0x648: {  	[tilespmem:s14], [sflag:$0x4] =	stream.indirect.gather [hbm4b:s3+s8], $0x40, s8, s8, $0xb8;
	[tilespmem:$0x19640] =	vst v63  }
0x649: {  	_ =	swait.ge [sflag:s18], $0xC800  }
0x64a: {  	[sflag:s18] =	ssyncset.done $0x0  }
0x64b: {  	[sflag:s18] =	ssyncadd.s32 $0xFFFF3800  }
0x64c: {  	[hbm4b:s25+s16] =	stream.strided.scatter [tilespmem:s15], [sflag:$0x5], $0xC800, s12, s16, $0x38;
	[tilespmem:$0x19640] =	vst v63  }
0x64d: {  	_ = 	snop  }
0x64e: {  	[tilespmem:s2], [sflag:$0x1] =	stream.linear.gather [hbm4b:s26+s2], $0x320, $0x38;
	[tilespmem:$0x19640] =	vst v63  }
0x64f: {  	_ =	swait.ge [sflag:s17], $0xC800  }
0x650: {  	[sflag:s17] =	ssyncset.done $0x0  }
0x651: {  	[sflag:s17] =	ssyncadd.s32 $0xFFFF3800  }
0x652: {  	[hbm4b:s23+s16] =	stream.strided.scatter [tilespmem:s14], [sflag:$0x6], $0xC800, s12, s16, $0x38;
	[tilespmem:$0x19640] =	vst v63  }
0x653: {  	_ = 	snop  }
0x654: {  	[tilespmem:s8], [sflag:$0x2] =	stream.linear.gather [hbm4b:s24+s2], $0x320, $0x38;
	[tilespmem:$0x19640] =	vst v63  }
0x655: {  	_ =	swait.ge [sflag:s4], $0x320  }
0x656: {  	[sflag:s4] =	ssyncset.done $0x0  }
0x657: {  	[sflag:s4] =	ssyncadd.s32 $0xFFFFFCE0  }
0x658: {  	_ =	swait.ge [sflag:s13], $0xC800  }
0x659: {  	[sflag:s13] =	ssyncset.done $0x0  }
0x65a: {  	[sflag:s13] =	ssyncadd.s32 $0xFFFF3800  }
0x65b: {  	[tilespmem:s15], [sflag:$0x3] =	stream.indirect.gather [hbm4b:s3+s8], $0x40, s2, s8, $0xb8;
	[tilespmem:$0x19640] =	vst v63  }
0x65c: {  	_ =	swait.ge [sflag:s5], $0x320  }
0x65d: {  	[sflag:s5] =	ssyncset.done $0x0  }
0x65e: {  	[sflag:s5] =	ssyncadd.s32 $0xFFFFFCE0  }
0x65f: {  	_ =	swait.ge [sflag:s11], $0xC800  }
0x660: {  	[sflag:s11] =	ssyncset.done $0x0  }
0x661: {  	[sflag:s11] =	ssyncadd.s32 $0xFFFF3800  }
0x662: {  	[tilespmem:s14], [sflag:$0x4] =	stream.indirect.gather [hbm4b:s3+s8], $0x40, s8, s8, $0xb8;
	[tilespmem:$0x19640] =	vst v63  }
0x663: {  	_ =	swait.ge [sflag:s18], $0xC800  }
0x664: {  	[sflag:s18] =	ssyncset.done $0x0  }
0x665: {  	[sflag:s18] =	ssyncadd.s32 $0xFFFF3800  }
0x666: {  	[hbm4b:s21+s16] =	stream.strided.scatter [tilespmem:s15], [sflag:$0x5], $0xC800, s12, s16, $0x38;
	[tilespmem:$0x19640] =	vst v63  }
0x667: {  	_ = 	snop  }
0x668: {  	[tilespmem:s2], [sflag:$0x1] =	stream.linear.gather [hbm4b:s22+s2], $0x320, $0x38;
	[tilespmem:$0x19640] =	vst v63  }
0x669: {  	_ =	swait.ge [sflag:s17], $0xC800  }
0x66a: {  	[sflag:s17] =	ssyncset.done $0x0  }
0x66b: {  	[sflag:s17] =	ssyncadd.s32 $0xFFFF3800  }
0x66c: {  	[hbm4b:s19+s16] =	stream.strided.scatter [tilespmem:s14], [sflag:$0x6], $0xC800, s12, s16, $0x38;
	[tilespmem:$0x19640] =	vst v63  }
0x66d: {  	_ = 	snop  }
0x66e: {  	[tilespmem:s8], [sflag:$0x2] =	stream.linear.gather [hbm4b:s20+s2], $0x320, $0x38;
	[tilespmem:$0x19640] =	vst v63  }
0x66f: {  	_ =	swait.ge [sflag:s4], $0x320  }
0x670: {  	[sflag:s4] =	ssyncset.done $0x0  }
0x671: {  	[sflag:s4] =	ssyncadd.s32 $0xFFFFFCE0  }
0x672: {  	_ =	swait.ge [sflag:s13], $0xC800  }
0x673: {  	[sflag:s13] =	ssyncset.done $0x0  }
0x674: {  	[sflag:s13] =	ssyncadd.s32 $0xFFFF3800  }
0x675: {  	[tilespmem:s15], [sflag:$0x3] =	stream.indirect.gather [hbm4b:s3+s8], $0x40, s2, s8, $0xb8;
	[tilespmem:$0x19640] =	vst v63  }
0x676: {  	_ =	swait.ge [sflag:s5], $0x320  }
0x677: {  	[sflag:s5] =	ssyncset.done $0x0  }
0x678: {  	[sflag:s5] =	ssyncadd.s32 $0xFFFFFCE0  }
0x679: {  	_ =	swait.ge [sflag:s11], $0xC800  }
0x67a: {  	[sflag:s11] =	ssyncset.done $0x0  }
0x67b: {  	[sflag:s11] =	ssyncadd.s32 $0xFFFF3800  }
0x67c: {  	[tilespmem:s14], [sflag:$0x4] =	stream.indirect.gather [hbm4b:s3+s8], $0x40, s8, s8, $0xb8;
	[tilespmem:$0x19640] =	vst v63  }
0x67d: {  	_ =	swait.ge [sflag:s18], $0xC800  }
0x67e: {  	[sflag:s18] =	ssyncset.done $0x0  }
0x67f: {  	[sflag:s18] =	ssyncadd.s32 $0xFFFF3800  }
0x680: {  	[hbm4b:s9+s16] =	stream.strided.scatter [tilespmem:s15], [sflag:$0x5], $0xC800, s12, s16, $0x38;
	[tilespmem:$0x19640] =	vst v63  }
0x681: {  	_ = 	snop  }
0x682: {  	[tilespmem:s2], [sflag:$0x1] =	stream.linear.gather [hbm4b:s10+s2], $0x320, $0x38;
	[tilespmem:$0x19640] =	vst v63  }
0x683: {  	_ =	swait.ge [sflag:s17], $0xC800  }
0x684: {  	[sflag:s17] =	ssyncset.done $0x0  }
0x685: {  	[sflag:s17] =	ssyncadd.s32 $0xFFFF3800  }
0x686: {  	[hbm4b:s6+s16] =	stream.strided.scatter [tilespmem:s14], [sflag:$0x6], $0xC800, s12, s16, $0x38;
	[tilespmem:$0x19640] =	vst v63  }
0x687: {  	_ = 	snop  }
0x688: {  	[tilespmem:s8], [sflag:$0x2] =	stream.linear.gather [hbm4b:s7+s2], $0x320, $0x38;
	[tilespmem:$0x19640] =	vst v63  }
0x689: {  	_ =	swait.ge [sflag:s4], $0x320  }
0x68a: {  	[sflag:s4] =	ssyncset.done $0x0  }
0x68b: {  	[sflag:s4] =	ssyncadd.s32 $0xFFFFFCE0  }
0x68c: {  	_ =	swait.ge [sflag:s5], $0x320  }
0x68d: {  	[sflag:s5] =	ssyncset.done $0x0  }
0x68e: {  	[sflag:s5] =	ssyncadd.s32 $0xFFFFFCE0  }
0x68f: {  	_ =	swait.ge [sflag:s13], $0xC800  }
0x690: {  	[sflag:s13] =	ssyncset.done $0x0  }
0x691: {  	[sflag:s13] =	ssyncadd.s32 $0xFFFF3800  }
0x692: {  	_ =	swait.ge [sflag:s11], $0xC800  }
0x693: {  	[sflag:s11] =	ssyncset.done $0x0  }
0x694: {  	[sflag:s11] =	ssyncadd.s32 $0xFFFF3800  }
0x695: {  	_ =	sfence.sel $0x180000  }
0x696: {  	[bflag:$0x0] =	sbarrier.arrive $0xFFFF  }
0x697: {  	_ =	strace $0x90000047  }
0x698: {  	s31 =	stileid.u32;
	[bflag:$0x2] =	sbarrier.arrive $0xFFFF  }
0x699: {  	p0 =	sne.s32 s31, $0x0;
	s0 =	rddreg [dreg:$0xc]  }
0x69a: {  	s0 =	sadd.s32 @!p0 $0x100000, s0  }
0x69b: {  	[sflag:s0] =	ssyncadd.tile.s32 @!p0 $0x1;
	_ =	shalt  }
.LBB2_1:
.Ltmp3:
0x69c: {  	(pc) =	sbr.rel .LBB2_6-.Ltmp3, $2  }
0x69d: {  	_ =	sdelay $0x2  }
0x69e: {  	s29 =	sld [smem:$0x7FD]  }
.LBB2_3:
.Ltmp4:
0x69f: {  	(pc) =	sbr.rel .LBB2_6-.Ltmp4, $2  }
0x6a0: {  	_ =	sdelay $0x2  }
0x6a1: {  	s29 =	sld [smem:$0x7FD]  }
.Lfunc_end2:
_tile_overlayer_lowered:
.L_overlay_start_2:
0x6a2: {  	(tag) =	ssettag $0x2  }
0x6a3: {  	s0 =	rddreg [dreg:$0x0];
	s2 =	stileid.u32  }
0x6a4: {  	s1 =	rddreg [dreg:$0x1];
	p0 =	sne.s32 s2, $0x0  }
0x6a5: {  	s3 =	rddreg [dreg:$0x2];
	[bflag:$0x3] =	sbarrier.arrive $0xFFFF;
	s2 =	simm.s32 @!p0 $0x1C07  }
0x6a6: {  	[timem:s3], [sflag:s2] =	dma.local @!p0 [hbm:s0], s1  }
0x6a7: {  	s0 =	simm.s32 @!p0 $0x7  }
0x6a8: {  	_ =	swait.ge @!p0 [sflag:s0], s1  }
0x6a9: {  	s1 =	ssub.s32 @!p0 $0x0, s1;
	[sflag:s0] =	ssyncset.done @!p0 $0x0  }
0x6aa: {  	[sflag:s0] =	ssyncadd.s32 @!p0 s1  }
0x6ab: {  	[bflag:$0x3] =	sbarrier.arrive $0xFFFF  }
0x6ac: {  	_ =	shalt  }

</sc_bundles>
